<compile_context>
chip_gen: v7x
topology: tpu7x:2x2x1
jax: 0.10.2.dev20260603
libtpu: 0.0.44.dev20260713+nightly
codegen_flags: <defaults>
</compile_context>

<pallas_src>
import functools

import jax
import jax.numpy as jnp
import numpy as np
from jax import lax
from jax.experimental import pallas as pl
from jax.experimental.pallas import tpu as pltpu
from jax.experimental.pallas import tpu_sc as plsc


def _sc_scores(tgt, ctx, neg_flat, target_emb, context_emb, B, K, D):
    info = plsc.get_sparse_core_info()
    NC, NS, L = info.num_cores, info.num_subcores, info.num_lanes
    NW = NC * NS
    bpw = B // NW
    C = 64
    nch = bpw // C
    G = C // L
    NG = 128
    ngath = (C * K) // NG

    mesh = plsc.VectorSubcoreMesh(core_axis_name="c", subcore_axis_name="s")

    @functools.partial(
        pl.kernel,
        mesh=mesh,
        out_type=[
            jax.ShapeDtypeStruct((NW, bpw), jnp.float32),
            jax.ShapeDtypeStruct((NW, K, bpw), jnp.float32),
        ],
        scratch_types=[
            pltpu.VMEM((C,), jnp.int32),
            pltpu.VMEM((C,), jnp.int32),
            pltpu.VMEM((C * K,), jnp.int32),
            pltpu.VMEM((C, D), jnp.float32),
            pltpu.VMEM((C, D), jnp.float32),
            pltpu.VMEM((C * K, D), jnp.float32),
            pltpu.VMEM((bpw,), jnp.float32),
            pltpu.VMEM((K, bpw), jnp.float32),
            pltpu.SemaphoreType.DMA,
        ],
        compiler_params=pltpu.CompilerParams(
            needs_layout_passes=False, use_tc_tiling_on_sc=False),
    )
    def sc_scores(tgt_h, ctx_h, negf_h, temb_h, cemb_h, pos_h, neg_h,
                  idx_t, idx_c, idx_n, vt, vc, vn, pos_buf, neg_buf, sem):
        wid = lax.axis_index("s") * NC + lax.axis_index("c")
        base = wid * bpw
        lane = lax.iota(jnp.int32, L)
        zero = jnp.zeros((L,), jnp.float32)

        def chunk_body(ci, carry):
            off = base + ci * C
            pltpu.sync_copy(tgt_h.at[pl.ds(off, C)], idx_t)
            pltpu.sync_copy(ctx_h.at[pl.ds(off, C)], idx_c)
            pltpu.sync_copy(negf_h.at[pl.ds(off * K, C * K)], idx_n)
            cps = [
                pltpu.async_copy(temb_h.at[idx_t], vt, sem),
                pltpu.async_copy(cemb_h.at[idx_c], vc, sem),
            ]
            for j in range(ngath):
                cps.append(pltpu.async_copy(
                    cemb_h.at[idx_n.at[pl.ds(j * NG, NG)]],
                    vn.at[pl.ds(j * NG, NG)], sem))
            for cp in cps:
                cp.wait()

            for g in range(G):
                row0 = ci * C + g * L
                b_idx = lane + g * L
                n_row0 = (lane + g * L) * K
                pos_buf[pl.ds(row0, L)] = zero
                for k in range(K):
                    neg_buf[k, pl.ds(row0, L)] = zero

                def d_body(d, carry2):
                    dd = jnp.full((L,), d, dtype=jnp.int32)
                    vtd = plsc.load_gather(vt, [b_idx, dd])
                    vcd = plsc.load_gather(vc, [b_idx, dd])
                    plsc.addupdate(pos_buf.at[pl.ds(row0, L)], vtd * vcd)
                    for k in range(K):
                        vnd = plsc.load_gather(vn, [n_row0 + k, dd])
                        plsc.addupdate(neg_buf.at[k, pl.ds(row0, L)],
                                       vnd * vtd)
                    return carry2

                lax.fori_loop(0, D, d_body, 0)
            return carry

        lax.fori_loop(0, nch, chunk_body, 0)
        pltpu.sync_copy(pos_buf, pos_h.at[wid])
        pltpu.sync_copy(neg_buf, neg_h.at[wid])

    return sc_scores(tgt, ctx, neg_flat, target_emb, context_emb)


def _tc_loss(pos2, neg2, B):
    def tc_body(p_ref, n_ref, o_ref):
        p = p_ref[...]
        n = n_ref[...]
        lsp = jnp.minimum(p, 0.0) - jnp.log(1.0 + jnp.exp(-jnp.abs(p)))
        lsn = jnp.minimum(-n, 0.0) - jnp.log(1.0 + jnp.exp(-jnp.abs(n)))
        o_ref[0, 0] = -(jnp.sum(lsp) + jnp.sum(lsn)) * np.float32(1.0 / B)

    return pl.pallas_call(
        tc_body,
        out_shape=jax.ShapeDtypeStruct((1, 1), jnp.float32),
        out_specs=pl.BlockSpec(memory_space=pltpu.SMEM),
    )(pos2, neg2)


def kernel(targets, contexts, negatives, target_emb, context_emb):
    B, = targets.shape
    _, K = negatives.shape
    _, D = target_emb.shape

    tgt = targets.astype(jnp.int32)
    ctx = contexts.astype(jnp.int32)
    neg_flat = negatives.astype(jnp.int32).reshape(-1)

    pos, neg = _sc_scores(tgt, ctx, neg_flat, target_emb, context_emb, B, K, D)

    pos2 = pos.reshape(B // 128, 128)
    neg2 = neg.reshape(-1, 128)
    loss = _tc_loss(pos2, neg2, B)
    return loss[0, 0]

# --- scband reference (transcript-rebuilt; emitter-appended) ---
"""Pipeline reference for scband-sgns-60163901882901 (READ-ONLY COPY).

The authoritative reference and input builder live on the scoring server;
editing this copy changes nothing except your own understanding.
"""

import jax, jax.numpy as jnp
import numpy as np

V = 1000000
D = 64
B = 16384
K = 20


def setup_inputs(seed: int = 0) -> dict:
    key = jax.random.key(seed)
    k1, k2, k3, k4, k5 = jax.random.split(key, 5)
    targets = jax.random.randint(k1, (B,), 0, V, dtype=jnp.int64) if jax.config.jax_enable_x64 else jax.random.randint(k1, (B,), 0, V, dtype=jnp.int32)
    contexts = jax.random.randint(k2, (B,), 0, V, dtype=targets.dtype)
    negatives = jax.random.randint(k3, (B, K), 0, V, dtype=targets.dtype)
    # xavier_uniform init for embedding weights of shape (V, D)
    lim = float(np.sqrt(6.0 / (V + D)))
    target_emb = jax.random.uniform(k4, (V, D), minval=-lim, maxval=lim, dtype=jnp.float32)
    context_emb = jax.random.uniform(k5, (V, D), minval=-lim, maxval=lim, dtype=jnp.float32)
    return {
        "targets": targets,
        "contexts": contexts,
        "negatives": negatives,
        "target_emb": target_emb,
        "context_emb": context_emb,
    }


def reference(targets, contexts, negatives, target_emb, context_emb):
    # embedding lookups (gather)
    v_t = jnp.take(target_emb, targets, axis=0)        # [B, D]
    v_c = jnp.take(context_emb, contexts, axis=0)      # [B, D]
    v_n = jnp.take(context_emb, negatives, axis=0)     # [B, K, D]
    pos_score = jnp.sum(v_t * v_c, axis=1)             # [B]
    # bmm(v_n, v_t.unsqueeze(2)).squeeze() -> [B, K]
    neg_score = jnp.einsum("bkd,bd->bk", v_n, v_t)     # [B, K]
    loss = -jnp.mean(jnp.log(jax.nn.sigmoid(pos_score))) \
           - jnp.mean(jnp.sum(jnp.log(jax.nn.sigmoid(-neg_score)), axis=1))
    return loss

if __name__ == "__main__":
    import jax
    _d = setup_inputs()
    print(jax.jit(kernel)(*tuple(_d.values())))

</pallas_src>

<mosaic_0001>
#map = affine_map<(d0, d1) -> (0)>
#map1 = affine_map<(d0, d1) -> (0, 0)>
#map2 = affine_map<(d0, d1) -> (0, 0, 0)>
module attributes {stable_mosaic.version = 14 : i64} {
  func.func @sc_scores(%arg0: i32, %arg1: i32, %arg2: memref<16384xi32, #tpu.memory_space<hbm>>, %arg3: memref<16384xi32, #tpu.memory_space<hbm>>, %arg4: memref<327680xi32, #tpu.memory_space<hbm>>, %arg5: memref<1000000x64xf32, #tpu.memory_space<hbm>>, %arg6: memref<1000000x64xf32, #tpu.memory_space<hbm>>, %arg7: memref<32x512xf32, #tpu.memory_space<hbm>>, %arg8: memref<32x20x512xf32, #tpu.memory_space<hbm>>, %arg9: memref<64xi32, #tpu.memory_space<vmem>>, %arg10: memref<64xi32, #tpu.memory_space<vmem>>, %arg11: memref<1280xi32, #tpu.memory_space<vmem>>, %arg12: memref<64x64xf32, #tpu.memory_space<vmem>>, %arg13: memref<64x64xf32, #tpu.memory_space<vmem>>, %arg14: memref<1280x64xf32, #tpu.memory_space<vmem>>, %arg15: memref<512xf32, #tpu.memory_space<vmem>>, %arg16: memref<20x512xf32, #tpu.memory_space<vmem>>, %arg17: memref<!tpu.dma_semaphore, #tpu.memory_space<semaphore_mem>>) attributes {dimension_semantics = [#tpu.dimension_semantics<core_parallel>, #tpu.dimension_semantics<subcore_parallel>], iteration_bounds = array<i64: 2, 16>, scalar_prefetch = 0 : i64, scratch_operands = 9 : i64, tpu.core_type = #tpu.core_type<sc_vector_subcore>, window_params = [{transform_indices = #map}, {transform_indices = #map}, {transform_indices = #map}, {transform_indices = #map1}, {transform_indices = #map1}, {transform_indices = #map1}, {transform_indices = #map2}]} {
    %mul3A = arith.constant 2 : i32
    %mul3A_0 = arith.muli %arg1, %mul3A : i32
    %add3A = arith.addi %mul3A_0, %arg0 : i32
    %mul3A_1 = arith.constant 512 : i32
    %mul3A_2 = arith.muli %add3A, %mul3A_1 : i32
    %iota3A = tpu.iota {dimensions = array<i32: 0>} : vector<16xi32>
    %broadcast_in_dim3A = arith.constant 0.000000e+00 : f32
    %broadcast_in_dim3A_3 = vector.broadcast %broadcast_in_dim3A : f32 to vector<16xf32>
    %scan3A = arith.constant 0 : i32
    %scan3A_4 = arith.constant 0 : i32
    %scan3A_5 = arith.constant 8 : i32
    %scan3A_6 = arith.addi %scan3A_4, %scan3A_5 : i32
    %scan3A_7 = arith.constant 1 : i32
    scf.for %scan3A_9 = %scan3A_4 to %scan3A_6 step %scan3A_7  : i32 {
      %mul3A_10 = arith.constant 64 : i32
      %mul3A_11 = arith.muli %scan3A_9, %mul3A_10 : i32
      %add3A_12 = arith.addi %mul3A_2, %mul3A_11 : i32
      "tpu.region"() ({
        %run_scoped3A = tpu.sem_alloc : memref<!tpu.dma_semaphore, #tpu.memory_space<semaphore_mem>>
        %dma_start3A_588 = tpu.memref_slice %arg2[%add3A_12] : memref<16384xi32, #tpu.memory_space<hbm>> -> memref<64xi32, #tpu.memory_space<hbm>>
        %dma_start3A_589 = tpu.memref_slice %arg2[%add3A_12] : memref<16384xi32, #tpu.memory_space<hbm>> -> memref<64xi32, #tpu.memory_space<hbm>>
        tpu.enqueue_dma source(%dma_start3A_589 : memref<64xi32, #tpu.memory_space<hbm>>) target(%arg9 : memref<64xi32, #tpu.memory_space<vmem>>) target_semaphore(%run_scoped3A : memref<!tpu.dma_semaphore, #tpu.memory_space<semaphore_mem>>)
        %dma_wait3A_590 = tpu.memref_slice %arg2[%add3A_12] : memref<16384xi32, #tpu.memory_space<hbm>> -> memref<64xi32, #tpu.memory_space<hbm>>
        %dma_wait3A_591 = tpu.memref_slice %arg2[%add3A_12] : memref<16384xi32, #tpu.memory_space<hbm>> -> memref<64xi32, #tpu.memory_space<hbm>>
        tpu.wait_dma2 semaphore(%run_scoped3A : memref<!tpu.dma_semaphore, #tpu.memory_space<semaphore_mem>>) src(%dma_wait3A_591 : memref<64xi32, #tpu.memory_space<hbm>>) dst(%arg9 : memref<64xi32, #tpu.memory_space<vmem>>)
        tpu.yield
      }) : () -> ()
      "tpu.region"() ({
        %run_scoped3A = tpu.sem_alloc : memref<!tpu.dma_semaphore, #tpu.memory_space<semaphore_mem>>
        %dma_start3A_588 = tpu.memref_slice %arg3[%add3A_12] : memref<16384xi32, #tpu.memory_space<hbm>> -> memref<64xi32, #tpu.memory_space<hbm>>
        %dma_start3A_589 = tpu.memref_slice %arg3[%add3A_12] : memref<16384xi32, #tpu.memory_space<hbm>> -> memref<64xi32, #tpu.memory_space<hbm>>
        tpu.enqueue_dma source(%dma_start3A_589 : memref<64xi32, #tpu.memory_space<hbm>>) target(%arg10 : memref<64xi32, #tpu.memory_space<vmem>>) target_semaphore(%run_scoped3A : memref<!tpu.dma_semaphore, #tpu.memory_space<semaphore_mem>>)
        %dma_wait3A_590 = tpu.memref_slice %arg3[%add3A_12] : memref<16384xi32, #tpu.memory_space<hbm>> -> memref<64xi32, #tpu.memory_space<hbm>>
        %dma_wait3A_591 = tpu.memref_slice %arg3[%add3A_12] : memref<16384xi32, #tpu.memory_space<hbm>> -> memref<64xi32, #tpu.memory_space<hbm>>
        tpu.wait_dma2 semaphore(%run_scoped3A : memref<!tpu.dma_semaphore, #tpu.memory_space<semaphore_mem>>) src(%dma_wait3A_591 : memref<64xi32, #tpu.memory_space<hbm>>) dst(%arg10 : memref<64xi32, #tpu.memory_space<vmem>>)
        tpu.yield
      }) : () -> ()
      %mul3A_13 = arith.constant 20 : i32
      %mul3A_14 = arith.muli %add3A_12, %mul3A_13 : i32
      "tpu.region"() ({
        %run_scoped3A = tpu.sem_alloc : memref<!tpu.dma_semaphore, #tpu.memory_space<semaphore_mem>>
        %dma_start3A_588 = tpu.memref_slice %arg4[%mul3A_14] : memref<327680xi32, #tpu.memory_space<hbm>> -> memref<1280xi32, #tpu.memory_space<hbm>>
        %dma_start3A_589 = tpu.memref_slice %arg4[%mul3A_14] : memref<327680xi32, #tpu.memory_space<hbm>> -> memref<1280xi32, #tpu.memory_space<hbm>>
        tpu.enqueue_dma source(%dma_start3A_589 : memref<1280xi32, #tpu.memory_space<hbm>>) target(%arg11 : memref<1280xi32, #tpu.memory_space<vmem>>) target_semaphore(%run_scoped3A : memref<!tpu.dma_semaphore, #tpu.memory_space<semaphore_mem>>)
        %dma_wait3A_590 = tpu.memref_slice %arg4[%mul3A_14] : memref<327680xi32, #tpu.memory_space<hbm>> -> memref<1280xi32, #tpu.memory_space<hbm>>
        %dma_wait3A_591 = tpu.memref_slice %arg4[%mul3A_14] : memref<327680xi32, #tpu.memory_space<hbm>> -> memref<1280xi32, #tpu.memory_space<hbm>>
        tpu.wait_dma2 semaphore(%run_scoped3A : memref<!tpu.dma_semaphore, #tpu.memory_space<semaphore_mem>>) src(%dma_wait3A_591 : memref<1280xi32, #tpu.memory_space<hbm>>) dst(%arg11 : memref<1280xi32, #tpu.memory_space<vmem>>)
        tpu.yield
      }) : () -> ()
      %dma_start3A = arith.constant 0 : i32
      %dma_start3A_15 = arith.constant 0 : i32
      %dma_start3A_16 = tpu.memref_slice %arg5[%dma_start3A, %dma_start3A_15] : memref<1000000x64xf32, #tpu.memory_space<hbm>> -> memref<1000000x64xf32, #tpu.memory_space<hbm>>
      tpu.enqueue_indirect_dma source(%dma_start3A_16 : memref<1000000x64xf32, #tpu.memory_space<hbm>>) target(%arg12 : memref<64x64xf32, #tpu.memory_space<vmem>>) offsets(%arg9 : memref<64xi32, #tpu.memory_space<vmem>>) semaphore(%arg17 : memref<!tpu.dma_semaphore, #tpu.memory_space<semaphore_mem>>)
      %dma_start3A_17 = arith.constant 0 : i32
      %dma_start3A_18 = arith.constant 0 : i32
      %dma_start3A_19 = tpu.memref_slice %arg6[%dma_start3A_17, %dma_start3A_18] : memref<1000000x64xf32, #tpu.memory_space<hbm>> -> memref<1000000x64xf32, #tpu.memory_space<hbm>>
      tpu.enqueue_indirect_dma source(%dma_start3A_19 : memref<1000000x64xf32, #tpu.memory_space<hbm>>) target(%arg13 : memref<64x64xf32, #tpu.memory_space<vmem>>) offsets(%arg10 : memref<64xi32, #tpu.memory_space<vmem>>) semaphore(%arg17 : memref<!tpu.dma_semaphore, #tpu.memory_space<semaphore_mem>>)
      %dma_start3A_20 = arith.constant 0 : i32
      %dma_start3A_21 = arith.constant 0 : i32
      %dma_start3A_22 = tpu.memref_slice %arg14[%dma_start3A_20, %dma_start3A_21] : memref<1280x64xf32, #tpu.memory_space<vmem>> -> memref<128x64xf32, #tpu.memory_space<vmem>>
      %dma_start3A_23 = arith.constant 0 : i32
      %dma_start3A_24 = tpu.memref_slice %arg11[%dma_start3A_23] : memref<1280xi32, #tpu.memory_space<vmem>> -> memref<128xi32, #tpu.memory_space<vmem>>
      %dma_start3A_25 = arith.constant 0 : i32
      %dma_start3A_26 = arith.constant 0 : i32
      %dma_start3A_27 = tpu.memref_slice %arg6[%dma_start3A_25, %dma_start3A_26] : memref<1000000x64xf32, #tpu.memory_space<hbm>> -> memref<1000000x64xf32, #tpu.memory_space<hbm>>
      tpu.enqueue_indirect_dma source(%dma_start3A_27 : memref<1000000x64xf32, #tpu.memory_space<hbm>>) target(%dma_start3A_22 : memref<128x64xf32, #tpu.memory_space<vmem>>) offsets(%dma_start3A_24 : memref<128xi32, #tpu.memory_space<vmem>>) semaphore(%arg17 : memref<!tpu.dma_semaphore, #tpu.memory_space<semaphore_mem>>)
      %dma_start3A_28 = arith.constant 128 : i32
      %dma_start3A_29 = arith.constant 0 : i32
      %dma_start3A_30 = tpu.memref_slice %arg14[%dma_start3A_28, %dma_start3A_29] : memref<1280x64xf32, #tpu.memory_space<vmem>> -> memref<128x64xf32, #tpu.memory_space<vmem>>
      %dma_start3A_31 = arith.constant 128 : i32
      %dma_start3A_32 = tpu.memref_slice %arg11[%dma_start3A_31] : memref<1280xi32, #tpu.memory_space<vmem>> -> memref<128xi32, #tpu.memory_space<vmem>>
      %dma_start3A_33 = arith.constant 0 : i32
      %dma_start3A_34 = arith.constant 0 : i32
      %dma_start3A_35 = tpu.memref_slice %arg6[%dma_start3A_33, %dma_start3A_34] : memref<1000000x64xf32, #tpu.memory_space<hbm>> -> memref<1000000x64xf32, #tpu.memory_space<hbm>>
      tpu.enqueue_indirect_dma source(%dma_start3A_35 : memref<1000000x64xf32, #tpu.memory_space<hbm>>) target(%dma_start3A_30 : memref<128x64xf32, #tpu.memory_space<vmem>>) offsets(%dma_start3A_32 : memref<128xi32, #tpu.memory_space<vmem>>) semaphore(%arg17 : memref<!tpu.dma_semaphore, #tpu.memory_space<semaphore_mem>>)
      %dma_start3A_36 = arith.constant 256 : i32
      %dma_start3A_37 = arith.constant 0 : i32
      %dma_start3A_38 = tpu.memref_slice %arg14[%dma_start3A_36, %dma_start3A_37] : memref<1280x64xf32, #tpu.memory_space<vmem>> -> memref<128x64xf32, #tpu.memory_space<vmem>>
      %dma_start3A_39 = arith.constant 256 : i32
      %dma_start3A_40 = tpu.memref_slice %arg11[%dma_start3A_39] : memref<1280xi32, #tpu.memory_space<vmem>> -> memref<128xi32, #tpu.memory_space<vmem>>
      %dma_start3A_41 = arith.constant 0 : i32
      %dma_start3A_42 = arith.constant 0 : i32
      %dma_start3A_43 = tpu.memref_slice %arg6[%dma_start3A_41, %dma_start3A_42] : memref<1000000x64xf32, #tpu.memory_space<hbm>> -> memref<1000000x64xf32, #tpu.memory_space<hbm>>
      tpu.enqueue_indirect_dma source(%dma_start3A_43 : memref<1000000x64xf32, #tpu.memory_space<hbm>>) target(%dma_start3A_38 : memref<128x64xf32, #tpu.memory_space<vmem>>) offsets(%dma_start3A_40 : memref<128xi32, #tpu.memory_space<vmem>>) semaphore(%arg17 : memref<!tpu.dma_semaphore, #tpu.memory_space<semaphore_mem>>)
      %dma_start3A_44 = arith.constant 384 : i32
      %dma_start3A_45 = arith.constant 0 : i32
      %dma_start3A_46 = tpu.memref_slice %arg14[%dma_start3A_44, %dma_start3A_45] : memref<1280x64xf32, #tpu.memory_space<vmem>> -> memref<128x64xf32, #tpu.memory_space<vmem>>
      %dma_start3A_47 = arith.constant 384 : i32
      %dma_start3A_48 = tpu.memref_slice %arg11[%dma_start3A_47] : memref<1280xi32, #tpu.memory_space<vmem>> -> memref<128xi32, #tpu.memory_space<vmem>>
      %dma_start3A_49 = arith.constant 0 : i32
      %dma_start3A_50 = arith.constant 0 : i32
      %dma_start3A_51 = tpu.memref_slice %arg6[%dma_start3A_49, %dma_start3A_50] : memref<1000000x64xf32, #tpu.memory_space<hbm>> -> memref<1000000x64xf32, #tpu.memory_space<hbm>>
      tpu.enqueue_indirect_dma source(%dma_start3A_51 : memref<1000000x64xf32, #tpu.memory_space<hbm>>) target(%dma_start3A_46 : memref<128x64xf32, #tpu.memory_space<vmem>>) offsets(%dma_start3A_48 : memref<128xi32, #tpu.memory_space<vmem>>) semaphore(%arg17 : memref<!tpu.dma_semaphore, #tpu.memory_space<semaphore_mem>>)
      %dma_start3A_52 = arith.constant 512 : i32
      %dma_start3A_53 = arith.constant 0 : i32
      %dma_start3A_54 = tpu.memref_slice %arg14[%dma_start3A_52, %dma_start3A_53] : memref<1280x64xf32, #tpu.memory_space<vmem>> -> memref<128x64xf32, #tpu.memory_space<vmem>>
      %dma_start3A_55 = arith.constant 512 : i32
      %dma_start3A_56 = tpu.memref_slice %arg11[%dma_start3A_55] : memref<1280xi32, #tpu.memory_space<vmem>> -> memref<128xi32, #tpu.memory_space<vmem>>
      %dma_start3A_57 = arith.constant 0 : i32
      %dma_start3A_58 = arith.constant 0 : i32
      %dma_start3A_59 = tpu.memref_slice %arg6[%dma_start3A_57, %dma_start3A_58] : memref<1000000x64xf32, #tpu.memory_space<hbm>> -> memref<1000000x64xf32, #tpu.memory_space<hbm>>
      tpu.enqueue_indirect_dma source(%dma_start3A_59 : memref<1000000x64xf32, #tpu.memory_space<hbm>>) target(%dma_start3A_54 : memref<128x64xf32, #tpu.memory_space<vmem>>) offsets(%dma_start3A_56 : memref<128xi32, #tpu.memory_space<vmem>>) semaphore(%arg17 : memref<!tpu.dma_semaphore, #tpu.memory_space<semaphore_mem>>)
      %dma_start3A_60 = arith.constant 640 : i32
      %dma_start3A_61 = arith.constant 0 : i32
      %dma_start3A_62 = tpu.memref_slice %arg14[%dma_start3A_60, %dma_start3A_61] : memref<1280x64xf32, #tpu.memory_space<vmem>> -> memref<128x64xf32, #tpu.memory_space<vmem>>
      %dma_start3A_63 = arith.constant 640 : i32
      %dma_start3A_64 = tpu.memref_slice %arg11[%dma_start3A_63] : memref<1280xi32, #tpu.memory_space<vmem>> -> memref<128xi32, #tpu.memory_space<vmem>>
      %dma_start3A_65 = arith.constant 0 : i32
      %dma_start3A_66 = arith.constant 0 : i32
      %dma_start3A_67 = tpu.memref_slice %arg6[%dma_start3A_65, %dma_start3A_66] : memref<1000000x64xf32, #tpu.memory_space<hbm>> -> memref<1000000x64xf32, #tpu.memory_space<hbm>>
      tpu.enqueue_indirect_dma source(%dma_start3A_67 : memref<1000000x64xf32, #tpu.memory_space<hbm>>) target(%dma_start3A_62 : memref<128x64xf32, #tpu.memory_space<vmem>>) offsets(%dma_start3A_64 : memref<128xi32, #tpu.memory_space<vmem>>) semaphore(%arg17 : memref<!tpu.dma_semaphore, #tpu.memory_space<semaphore_mem>>)
      %dma_start3A_68 = arith.constant 768 : i32
      %dma_start3A_69 = arith.constant 0 : i32
      %dma_start3A_70 = tpu.memref_slice %arg14[%dma_start3A_68, %dma_start3A_69] : memref<1280x64xf32, #tpu.memory_space<vmem>> -> memref<128x64xf32, #tpu.memory_space<vmem>>
      %dma_start3A_71 = arith.constant 768 : i32
      %dma_start3A_72 = tpu.memref_slice %arg11[%dma_start3A_71] : memref<1280xi32, #tpu.memory_space<vmem>> -> memref<128xi32, #tpu.memory_space<vmem>>
      %dma_start3A_73 = arith.constant 0 : i32
      %dma_start3A_74 = arith.constant 0 : i32
      %dma_start3A_75 = tpu.memref_slice %arg6[%dma_start3A_73, %dma_start3A_74] : memref<1000000x64xf32, #tpu.memory_space<hbm>> -> memref<1000000x64xf32, #tpu.memory_space<hbm>>
      tpu.enqueue_indirect_dma source(%dma_start3A_75 : memref<1000000x64xf32, #tpu.memory_space<hbm>>) target(%dma_start3A_70 : memref<128x64xf32, #tpu.memory_space<vmem>>) offsets(%dma_start3A_72 : memref<128xi32, #tpu.memory_space<vmem>>) semaphore(%arg17 : memref<!tpu.dma_semaphore, #tpu.memory_space<semaphore_mem>>)
      %dma_start3A_76 = arith.constant 896 : i32
      %dma_start3A_77 = arith.constant 0 : i32
      %dma_start3A_78 = tpu.memref_slice %arg14[%dma_start3A_76, %dma_start3A_77] : memref<1280x64xf32, #tpu.memory_space<vmem>> -> memref<128x64xf32, #tpu.memory_space<vmem>>
      %dma_start3A_79 = arith.constant 896 : i32
      %dma_start3A_80 = tpu.memref_slice %arg11[%dma_start3A_79] : memref<1280xi32, #tpu.memory_space<vmem>> -> memref<128xi32, #tpu.memory_space<vmem>>
      %dma_start3A_81 = arith.constant 0 : i32
      %dma_start3A_82 = arith.constant 0 : i32
      %dma_start3A_83 = tpu.memref_slice %arg6[%dma_start3A_81, %dma_start3A_82] : memref<1000000x64xf32, #tpu.memory_space<hbm>> -> memref<1000000x64xf32, #tpu.memory_space<hbm>>
      tpu.enqueue_indirect_dma source(%dma_start3A_83 : memref<1000000x64xf32, #tpu.memory_space<hbm>>) target(%dma_start3A_78 : memref<128x64xf32, #tpu.memory_space<vmem>>) offsets(%dma_start3A_80 : memref<128xi32, #tpu.memory_space<vmem>>) semaphore(%arg17 : memref<!tpu.dma_semaphore, #tpu.memory_space<semaphore_mem>>)
      %dma_start3A_84 = arith.constant 1024 : i32
      %dma_start3A_85 = arith.constant 0 : i32
      %dma_start3A_86 = tpu.memref_slice %arg14[%dma_start3A_84, %dma_start3A_85] : memref<1280x64xf32, #tpu.memory_space<vmem>> -> memref<128x64xf32, #tpu.memory_space<vmem>>
      %dma_start3A_87 = arith.constant 1024 : i32
      %dma_start3A_88 = tpu.memref_slice %arg11[%dma_start3A_87] : memref<1280xi32, #tpu.memory_space<vmem>> -> memref<128xi32, #tpu.memory_space<vmem>>
      %dma_start3A_89 = arith.constant 0 : i32
      %dma_start3A_90 = arith.constant 0 : i32
      %dma_start3A_91 = tpu.memref_slice %arg6[%dma_start3A_89, %dma_start3A_90] : memref<1000000x64xf32, #tpu.memory_space<hbm>> -> memref<1000000x64xf32, #tpu.memory_space<hbm>>
      tpu.enqueue_indirect_dma source(%dma_start3A_91 : memref<1000000x64xf32, #tpu.memory_space<hbm>>) target(%dma_start3A_86 : memref<128x64xf32, #tpu.memory_space<vmem>>) offsets(%dma_start3A_88 : memref<128xi32, #tpu.memory_space<vmem>>) semaphore(%arg17 : memref<!tpu.dma_semaphore, #tpu.memory_space<semaphore_mem>>)
      %dma_start3A_92 = arith.constant 1152 : i32
      %dma_start3A_93 = arith.constant 0 : i32
      %dma_start3A_94 = tpu.memref_slice %arg14[%dma_start3A_92, %dma_start3A_93] : memref<1280x64xf32, #tpu.memory_space<vmem>> -> memref<128x64xf32, #tpu.memory_space<vmem>>
      %dma_start3A_95 = arith.constant 1152 : i32
      %dma_start3A_96 = tpu.memref_slice %arg11[%dma_start3A_95] : memref<1280xi32, #tpu.memory_space<vmem>> -> memref<128xi32, #tpu.memory_space<vmem>>
      %dma_start3A_97 = arith.constant 0 : i32
      %dma_start3A_98 = arith.constant 0 : i32
      %dma_start3A_99 = tpu.memref_slice %arg6[%dma_start3A_97, %dma_start3A_98] : memref<1000000x64xf32, #tpu.memory_space<hbm>> -> memref<1000000x64xf32, #tpu.memory_space<hbm>>
      tpu.enqueue_indirect_dma source(%dma_start3A_99 : memref<1000000x64xf32, #tpu.memory_space<hbm>>) target(%dma_start3A_94 : memref<128x64xf32, #tpu.memory_space<vmem>>) offsets(%dma_start3A_96 : memref<128xi32, #tpu.memory_space<vmem>>) semaphore(%arg17 : memref<!tpu.dma_semaphore, #tpu.memory_space<semaphore_mem>>)
      %dma_wait3A = arith.constant 0 : i32
      %dma_wait3A_100 = arith.constant 0 : i32
      %dma_wait3A_101 = tpu.memref_slice %arg5[%dma_wait3A, %dma_wait3A_100] : memref<1000000x64xf32, #tpu.memory_space<hbm>> -> memref<1000000x64xf32, #tpu.memory_space<hbm>>
      tpu.wait_indirect_dma semaphore(%arg17 : memref<!tpu.dma_semaphore, #tpu.memory_space<semaphore_mem>>) src(%dma_wait3A_101 : memref<1000000x64xf32, #tpu.memory_space<hbm>>) dst(%arg12 : memref<64x64xf32, #tpu.memory_space<vmem>>)
      %dma_wait3A_102 = arith.constant 0 : i32
      %dma_wait3A_103 = arith.constant 0 : i32
      %dma_wait3A_104 = tpu.memref_slice %arg6[%dma_wait3A_102, %dma_wait3A_103] : memref<1000000x64xf32, #tpu.memory_space<hbm>> -> memref<1000000x64xf32, #tpu.memory_space<hbm>>
      tpu.wait_indirect_dma semaphore(%arg17 : memref<!tpu.dma_semaphore, #tpu.memory_space<semaphore_mem>>) src(%dma_wait3A_104 : memref<1000000x64xf32, #tpu.memory_space<hbm>>) dst(%arg13 : memref<64x64xf32, #tpu.memory_space<vmem>>)
      %dma_wait3A_105 = arith.constant 0 : i32
      %dma_wait3A_106 = arith.constant 0 : i32
      %dma_wait3A_107 = tpu.memref_slice %arg14[%dma_wait3A_105, %dma_wait3A_106] : memref<1280x64xf32, #tpu.memory_space<vmem>> -> memref<128x64xf32, #tpu.memory_space<vmem>>
      %dma_wait3A_108 = arith.constant 0 : i32
      %dma_wait3A_109 = tpu.memref_slice %arg11[%dma_wait3A_108] : memref<1280xi32, #tpu.memory_space<vmem>> -> memref<128xi32, #tpu.memory_space<vmem>>
      %dma_wait3A_110 = arith.constant 0 : i32
      %dma_wait3A_111 = arith.constant 0 : i32
      %dma_wait3A_112 = tpu.memref_slice %arg6[%dma_wait3A_110, %dma_wait3A_111] : memref<1000000x64xf32, #tpu.memory_space<hbm>> -> memref<1000000x64xf32, #tpu.memory_space<hbm>>
      tpu.wait_indirect_dma semaphore(%arg17 : memref<!tpu.dma_semaphore, #tpu.memory_space<semaphore_mem>>) src(%dma_wait3A_112 : memref<1000000x64xf32, #tpu.memory_space<hbm>>) dst(%dma_wait3A_107 : memref<128x64xf32, #tpu.memory_space<vmem>>)
      %dma_wait3A_113 = arith.constant 128 : i32
      %dma_wait3A_114 = arith.constant 0 : i32
      %dma_wait3A_115 = tpu.memref_slice %arg14[%dma_wait3A_113, %dma_wait3A_114] : memref<1280x64xf32, #tpu.memory_space<vmem>> -> memref<128x64xf32, #tpu.memory_space<vmem>>
      %dma_wait3A_116 = arith.constant 128 : i32
      %dma_wait3A_117 = tpu.memref_slice %arg11[%dma_wait3A_116] : memref<1280xi32, #tpu.memory_space<vmem>> -> memref<128xi32, #tpu.memory_space<vmem>>
      %dma_wait3A_118 = arith.constant 0 : i32
      %dma_wait3A_119 = arith.constant 0 : i32
      %dma_wait3A_120 = tpu.memref_slice %arg6[%dma_wait3A_118, %dma_wait3A_119] : memref<1000000x64xf32, #tpu.memory_space<hbm>> -> memref<1000000x64xf32, #tpu.memory_space<hbm>>
      tpu.wait_indirect_dma semaphore(%arg17 : memref<!tpu.dma_semaphore, #tpu.memory_space<semaphore_mem>>) src(%dma_wait3A_120 : memref<1000000x64xf32, #tpu.memory_space<hbm>>) dst(%dma_wait3A_115 : memref<128x64xf32, #tpu.memory_space<vmem>>)
      %dma_wait3A_121 = arith.constant 256 : i32
      %dma_wait3A_122 = arith.constant 0 : i32
      %dma_wait3A_123 = tpu.memref_slice %arg14[%dma_wait3A_121, %dma_wait3A_122] : memref<1280x64xf32, #tpu.memory_space<vmem>> -> memref<128x64xf32, #tpu.memory_space<vmem>>
      %dma_wait3A_124 = arith.constant 256 : i32
      %dma_wait3A_125 = tpu.memref_slice %arg11[%dma_wait3A_124] : memref<1280xi32, #tpu.memory_space<vmem>> -> memref<128xi32, #tpu.memory_space<vmem>>
      %dma_wait3A_126 = arith.constant 0 : i32
      %dma_wait3A_127 = arith.constant 0 : i32
      %dma_wait3A_128 = tpu.memref_slice %arg6[%dma_wait3A_126, %dma_wait3A_127] : memref<1000000x64xf32, #tpu.memory_space<hbm>> -> memref<1000000x64xf32, #tpu.memory_space<hbm>>
      tpu.wait_indirect_dma semaphore(%arg17 : memref<!tpu.dma_semaphore, #tpu.memory_space<semaphore_mem>>) src(%dma_wait3A_128 : memref<1000000x64xf32, #tpu.memory_space<hbm>>) dst(%dma_wait3A_123 : memref<128x64xf32, #tpu.memory_space<vmem>>)
      %dma_wait3A_129 = arith.constant 384 : i32
      %dma_wait3A_130 = arith.constant 0 : i32
      %dma_wait3A_131 = tpu.memref_slice %arg14[%dma_wait3A_129, %dma_wait3A_130] : memref<1280x64xf32, #tpu.memory_space<vmem>> -> memref<128x64xf32, #tpu.memory_space<vmem>>
      %dma_wait3A_132 = arith.constant 384 : i32
      %dma_wait3A_133 = tpu.memref_slice %arg11[%dma_wait3A_132] : memref<1280xi32, #tpu.memory_space<vmem>> -> memref<128xi32, #tpu.memory_space<vmem>>
      %dma_wait3A_134 = arith.constant 0 : i32
      %dma_wait3A_135 = arith.constant 0 : i32
      %dma_wait3A_136 = tpu.memref_slice %arg6[%dma_wait3A_134, %dma_wait3A_135] : memref<1000000x64xf32, #tpu.memory_space<hbm>> -> memref<1000000x64xf32, #tpu.memory_space<hbm>>
      tpu.wait_indirect_dma semaphore(%arg17 : memref<!tpu.dma_semaphore, #tpu.memory_space<semaphore_mem>>) src(%dma_wait3A_136 : memref<1000000x64xf32, #tpu.memory_space<hbm>>) dst(%dma_wait3A_131 : memref<128x64xf32, #tpu.memory_space<vmem>>)
      %dma_wait3A_137 = arith.constant 512 : i32
      %dma_wait3A_138 = arith.constant 0 : i32
      %dma_wait3A_139 = tpu.memref_slice %arg14[%dma_wait3A_137, %dma_wait3A_138] : memref<1280x64xf32, #tpu.memory_space<vmem>> -> memref<128x64xf32, #tpu.memory_space<vmem>>
      %dma_wait3A_140 = arith.constant 512 : i32
      %dma_wait3A_141 = tpu.memref_slice %arg11[%dma_wait3A_140] : memref<1280xi32, #tpu.memory_space<vmem>> -> memref<128xi32, #tpu.memory_space<vmem>>
      %dma_wait3A_142 = arith.constant 0 : i32
      %dma_wait3A_143 = arith.constant 0 : i32
      %dma_wait3A_144 = tpu.memref_slice %arg6[%dma_wait3A_142, %dma_wait3A_143] : memref<1000000x64xf32, #tpu.memory_space<hbm>> -> memref<1000000x64xf32, #tpu.memory_space<hbm>>
      tpu.wait_indirect_dma semaphore(%arg17 : memref<!tpu.dma_semaphore, #tpu.memory_space<semaphore_mem>>) src(%dma_wait3A_144 : memref<1000000x64xf32, #tpu.memory_space<hbm>>) dst(%dma_wait3A_139 : memref<128x64xf32, #tpu.memory_space<vmem>>)
      %dma_wait3A_145 = arith.constant 640 : i32
      %dma_wait3A_146 = arith.constant 0 : i32
      %dma_wait3A_147 = tpu.memref_slice %arg14[%dma_wait3A_145, %dma_wait3A_146] : memref<1280x64xf32, #tpu.memory_space<vmem>> -> memref<128x64xf32, #tpu.memory_space<vmem>>
      %dma_wait3A_148 = arith.constant 640 : i32
      %dma_wait3A_149 = tpu.memref_slice %arg11[%dma_wait3A_148] : memref<1280xi32, #tpu.memory_space<vmem>> -> memref<128xi32, #tpu.memory_space<vmem>>
      %dma_wait3A_150 = arith.constant 0 : i32
      %dma_wait3A_151 = arith.constant 0 : i32
      %dma_wait3A_152 = tpu.memref_slice %arg6[%dma_wait3A_150, %dma_wait3A_151] : memref<1000000x64xf32, #tpu.memory_space<hbm>> -> memref<1000000x64xf32, #tpu.memory_space<hbm>>
      tpu.wait_indirect_dma semaphore(%arg17 : memref<!tpu.dma_semaphore, #tpu.memory_space<semaphore_mem>>) src(%dma_wait3A_152 : memref<1000000x64xf32, #tpu.memory_space<hbm>>) dst(%dma_wait3A_147 : memref<128x64xf32, #tpu.memory_space<vmem>>)
      %dma_wait3A_153 = arith.constant 768 : i32
      %dma_wait3A_154 = arith.constant 0 : i32
      %dma_wait3A_155 = tpu.memref_slice %arg14[%dma_wait3A_153, %dma_wait3A_154] : memref<1280x64xf32, #tpu.memory_space<vmem>> -> memref<128x64xf32, #tpu.memory_space<vmem>>
      %dma_wait3A_156 = arith.constant 768 : i32
      %dma_wait3A_157 = tpu.memref_slice %arg11[%dma_wait3A_156] : memref<1280xi32, #tpu.memory_space<vmem>> -> memref<128xi32, #tpu.memory_space<vmem>>
      %dma_wait3A_158 = arith.constant 0 : i32
      %dma_wait3A_159 = arith.constant 0 : i32
      %dma_wait3A_160 = tpu.memref_slice %arg6[%dma_wait3A_158, %dma_wait3A_159] : memref<1000000x64xf32, #tpu.memory_space<hbm>> -> memref<1000000x64xf32, #tpu.memory_space<hbm>>
      tpu.wait_indirect_dma semaphore(%arg17 : memref<!tpu.dma_semaphore, #tpu.memory_space<semaphore_mem>>) src(%dma_wait3A_160 : memref<1000000x64xf32, #tpu.memory_space<hbm>>) dst(%dma_wait3A_155 : memref<128x64xf32, #tpu.memory_space<vmem>>)
      %dma_wait3A_161 = arith.constant 896 : i32
      %dma_wait3A_162 = arith.constant 0 : i32
      %dma_wait3A_163 = tpu.memref_slice %arg14[%dma_wait3A_161, %dma_wait3A_162] : memref<1280x64xf32, #tpu.memory_space<vmem>> -> memref<128x64xf32, #tpu.memory_space<vmem>>
      %dma_wait3A_164 = arith.constant 896 : i32
      %dma_wait3A_165 = tpu.memref_slice %arg11[%dma_wait3A_164] : memref<1280xi32, #tpu.memory_space<vmem>> -> memref<128xi32, #tpu.memory_space<vmem>>
      %dma_wait3A_166 = arith.constant 0 : i32
      %dma_wait3A_167 = arith.constant 0 : i32
      %dma_wait3A_168 = tpu.memref_slice %arg6[%dma_wait3A_166, %dma_wait3A_167] : memref<1000000x64xf32, #tpu.memory_space<hbm>> -> memref<1000000x64xf32, #tpu.memory_space<hbm>>
      tpu.wait_indirect_dma semaphore(%arg17 : memref<!tpu.dma_semaphore, #tpu.memory_space<semaphore_mem>>) src(%dma_wait3A_168 : memref<1000000x64xf32, #tpu.memory_space<hbm>>) dst(%dma_wait3A_163 : memref<128x64xf32, #tpu.memory_space<vmem>>)
      %dma_wait3A_169 = arith.constant 1024 : i32
      %dma_wait3A_170 = arith.constant 0 : i32
      %dma_wait3A_171 = tpu.memref_slice %arg14[%dma_wait3A_169, %dma_wait3A_170] : memref<1280x64xf32, #tpu.memory_space<vmem>> -> memref<128x64xf32, #tpu.memory_space<vmem>>
      %dma_wait3A_172 = arith.constant 1024 : i32
      %dma_wait3A_173 = tpu.memref_slice %arg11[%dma_wait3A_172] : memref<1280xi32, #tpu.memory_space<vmem>> -> memref<128xi32, #tpu.memory_space<vmem>>
      %dma_wait3A_174 = arith.constant 0 : i32
      %dma_wait3A_175 = arith.constant 0 : i32
      %dma_wait3A_176 = tpu.memref_slice %arg6[%dma_wait3A_174, %dma_wait3A_175] : memref<1000000x64xf32, #tpu.memory_space<hbm>> -> memref<1000000x64xf32, #tpu.memory_space<hbm>>
      tpu.wait_indirect_dma semaphore(%arg17 : memref<!tpu.dma_semaphore, #tpu.memory_space<semaphore_mem>>) src(%dma_wait3A_176 : memref<1000000x64xf32, #tpu.memory_space<hbm>>) dst(%dma_wait3A_171 : memref<128x64xf32, #tpu.memory_space<vmem>>)
      %dma_wait3A_177 = arith.constant 1152 : i32
      %dma_wait3A_178 = arith.constant 0 : i32
      %dma_wait3A_179 = tpu.memref_slice %arg14[%dma_wait3A_177, %dma_wait3A_178] : memref<1280x64xf32, #tpu.memory_space<vmem>> -> memref<128x64xf32, #tpu.memory_space<vmem>>
      %dma_wait3A_180 = arith.constant 1152 : i32
      %dma_wait3A_181 = tpu.memref_slice %arg11[%dma_wait3A_180] : memref<1280xi32, #tpu.memory_space<vmem>> -> memref<128xi32, #tpu.memory_space<vmem>>
      %dma_wait3A_182 = arith.constant 0 : i32
      %dma_wait3A_183 = arith.constant 0 : i32
      %dma_wait3A_184 = tpu.memref_slice %arg6[%dma_wait3A_182, %dma_wait3A_183] : memref<1000000x64xf32, #tpu.memory_space<hbm>> -> memref<1000000x64xf32, #tpu.memory_space<hbm>>
      tpu.wait_indirect_dma semaphore(%arg17 : memref<!tpu.dma_semaphore, #tpu.memory_space<semaphore_mem>>) src(%dma_wait3A_184 : memref<1000000x64xf32, #tpu.memory_space<hbm>>) dst(%dma_wait3A_179 : memref<128x64xf32, #tpu.memory_space<vmem>>)
      %mul3A_185 = arith.constant 64 : i32
      %mul3A_186 = arith.muli %scan3A_9, %mul3A_185 : i32
      %add3A_187 = arith.constant 0 : i32
      %add3A_188 = arith.addi %mul3A_186, %add3A_187 : i32
      %add3A_189 = arith.constant 0 : i32
      %add3A_190 = vector.broadcast %add3A_189 : i32 to vector<16xi32>
      %add3A_191 = arith.addi %iota3A, %add3A_190 : vector<16xi32>
      %add3A_192 = arith.constant 0 : i32
      %add3A_193 = vector.broadcast %add3A_192 : i32 to vector<16xi32>
      %add3A_194 = arith.addi %iota3A, %add3A_193 : vector<16xi32>
      %mul3A_195 = arith.constant 20 : i32
      %mul3A_196 = vector.broadcast %mul3A_195 : i32 to vector<16xi32>
      %mul3A_197 = arith.muli %add3A_194, %mul3A_196 : vector<16xi32>
      %swap3A = arith.index_cast %add3A_188 : i32 to index
      %swap3A_198 = tpu.vector_load %arg15[%swap3A] {strides = array<i32>} : memref<512xf32, #tpu.memory_space<vmem>>, vector<16xf32>,
      tpu.vector_store %arg15[%swap3A], %broadcast_in_dim3A_3 {strides = array<i32>} : memref<512xf32, #tpu.memory_space<vmem>>, vector<16xf32>,
      %swap3A_199 = arith.constant 0 : i32
      %swap3A_200 = arith.index_cast %swap3A_199 : i32 to index
      %swap3A_201 = arith.index_cast %add3A_188 : i32 to index
      %swap3A_202 = tpu.vector_load %arg16[%swap3A_200, %swap3A_201] {strides = array<i32>} : memref<20x512xf32, #tpu.memory_space<vmem>>, vector<16xf32>,
      tpu.vector_store %arg16[%swap3A_200, %swap3A_201], %broadcast_in_dim3A_3 {strides = array<i32>} : memref<20x512xf32, #tpu.memory_space<vmem>>, vector<16xf32>,
      %swap3A_203 = arith.constant 1 : i32
      %swap3A_204 = arith.index_cast %swap3A_203 : i32 to index
      %swap3A_205 = arith.index_cast %add3A_188 : i32 to index
      %swap3A_206 = tpu.vector_load %arg16[%swap3A_204, %swap3A_205] {strides = array<i32>} : memref<20x512xf32, #tpu.memory_space<vmem>>, vector<16xf32>,
      tpu.vector_store %arg16[%swap3A_204, %swap3A_205], %broadcast_in_dim3A_3 {strides = array<i32>} : memref<20x512xf32, #tpu.memory_space<vmem>>, vector<16xf32>,
      %swap3A_207 = arith.constant 2 : i32
      %swap3A_208 = arith.index_cast %swap3A_207 : i32 to index
      %swap3A_209 = arith.index_cast %add3A_188 : i32 to index
      %swap3A_210 = tpu.vector_load %arg16[%swap3A_208, %swap3A_209] {strides = array<i32>} : memref<20x512xf32, #tpu.memory_space<vmem>>, vector<16xf32>,
      tpu.vector_store %arg16[%swap3A_208, %swap3A_209], %broadcast_in_dim3A_3 {strides = array<i32>} : memref<20x512xf32, #tpu.memory_space<vmem>>, vector<16xf32>,
      %swap3A_211 = arith.constant 3 : i32
      %swap3A_212 = arith.index_cast %swap3A_211 : i32 to index
      %swap3A_213 = arith.index_cast %add3A_188 : i32 to index
      %swap3A_214 = tpu.vector_load %arg16[%swap3A_212, %swap3A_213] {strides = array<i32>} : memref<20x512xf32, #tpu.memory_space<vmem>>, vector<16xf32>,
      tpu.vector_store %arg16[%swap3A_212, %swap3A_213], %broadcast_in_dim3A_3 {strides = array<i32>} : memref<20x512xf32, #tpu.memory_space<vmem>>, vector<16xf32>,
      %swap3A_215 = arith.constant 4 : i32
      %swap3A_216 = arith.index_cast %swap3A_215 : i32 to index
      %swap3A_217 = arith.index_cast %add3A_188 : i32 to index
      %swap3A_218 = tpu.vector_load %arg16[%swap3A_216, %swap3A_217] {strides = array<i32>} : memref<20x512xf32, #tpu.memory_space<vmem>>, vector<16xf32>,
      tpu.vector_store %arg16[%swap3A_216, %swap3A_217], %broadcast_in_dim3A_3 {strides = array<i32>} : memref<20x512xf32, #tpu.memory_space<vmem>>, vector<16xf32>,
      %swap3A_219 = arith.constant 5 : i32
      %swap3A_220 = arith.index_cast %swap3A_219 : i32 to index
      %swap3A_221 = arith.index_cast %add3A_188 : i32 to index
      %swap3A_222 = tpu.vector_load %arg16[%swap3A_220, %swap3A_221] {strides = array<i32>} : memref<20x512xf32, #tpu.memory_space<vmem>>, vector<16xf32>,
      tpu.vector_store %arg16[%swap3A_220, %swap3A_221], %broadcast_in_dim3A_3 {strides = array<i32>} : memref<20x512xf32, #tpu.memory_space<vmem>>, vector<16xf32>,
      %swap3A_223 = arith.constant 6 : i32
      %swap3A_224 = arith.index_cast %swap3A_223 : i32 to index
      %swap3A_225 = arith.index_cast %add3A_188 : i32 to index
      %swap3A_226 = tpu.vector_load %arg16[%swap3A_224, %swap3A_225] {strides = array<i32>} : memref<20x512xf32, #tpu.memory_space<vmem>>, vector<16xf32>,
      tpu.vector_store %arg16[%swap3A_224, %swap3A_225], %broadcast_in_dim3A_3 {strides = array<i32>} : memref<20x512xf32, #tpu.memory_space<vmem>>, vector<16xf32>,
      %swap3A_227 = arith.constant 7 : i32
      %swap3A_228 = arith.index_cast %swap3A_227 : i32 to index
      %swap3A_229 = arith.index_cast %add3A_188 : i32 to index
      %swap3A_230 = tpu.vector_load %arg16[%swap3A_228, %swap3A_229] {strides = array<i32>} : memref<20x512xf32, #tpu.memory_space<vmem>>, vector<16xf32>,
      tpu.vector_store %arg16[%swap3A_228, %swap3A_229], %broadcast_in_dim3A_3 {strides = array<i32>} : memref<20x512xf32, #tpu.memory_space<vmem>>, vector<16xf32>,
      %swap3A_231 = arith.constant 8 : i32
      %swap3A_232 = arith.index_cast %swap3A_231 : i32 to index
      %swap3A_233 = arith.index_cast %add3A_188 : i32 to index
      %swap3A_234 = tpu.vector_load %arg16[%swap3A_232, %swap3A_233] {strides = array<i32>} : memref<20x512xf32, #tpu.memory_space<vmem>>, vector<16xf32>,
      tpu.vector_store %arg16[%swap3A_232, %swap3A_233], %broadcast_in_dim3A_3 {strides = array<i32>} : memref<20x512xf32, #tpu.memory_space<vmem>>, vector<16xf32>,
      %swap3A_235 = arith.constant 9 : i32
      %swap3A_236 = arith.index_cast %swap3A_235 : i32 to index
      %swap3A_237 = arith.index_cast %add3A_188 : i32 to index
      %swap3A_238 = tpu.vector_load %arg16[%swap3A_236, %swap3A_237] {strides = array<i32>} : memref<20x512xf32, #tpu.memory_space<vmem>>, vector<16xf32>,
      tpu.vector_store %arg16[%swap3A_236, %swap3A_237], %broadcast_in_dim3A_3 {strides = array<i32>} : memref<20x512xf32, #tpu.memory_space<vmem>>, vector<16xf32>,
      %swap3A_239 = arith.constant 10 : i32
      %swap3A_240 = arith.index_cast %swap3A_239 : i32 to index
      %swap3A_241 = arith.index_cast %add3A_188 : i32 to index
      %swap3A_242 = tpu.vector_load %arg16[%swap3A_240, %swap3A_241] {strides = array<i32>} : memref<20x512xf32, #tpu.memory_space<vmem>>, vector<16xf32>,
      tpu.vector_store %arg16[%swap3A_240, %swap3A_241], %broadcast_in_dim3A_3 {strides = array<i32>} : memref<20x512xf32, #tpu.memory_space<vmem>>, vector<16xf32>,
      %swap3A_243 = arith.constant 11 : i32
      %swap3A_244 = arith.index_cast %swap3A_243 : i32 to index
      %swap3A_245 = arith.index_cast %add3A_188 : i32 to index
      %swap3A_246 = tpu.vector_load %arg16[%swap3A_244, %swap3A_245] {strides = array<i32>} : memref<20x512xf32, #tpu.memory_space<vmem>>, vector<16xf32>,
      tpu.vector_store %arg16[%swap3A_244, %swap3A_245], %broadcast_in_dim3A_3 {strides = array<i32>} : memref<20x512xf32, #tpu.memory_space<vmem>>, vector<16xf32>,
      %swap3A_247 = arith.constant 12 : i32
      %swap3A_248 = arith.index_cast %swap3A_247 : i32 to index
      %swap3A_249 = arith.index_cast %add3A_188 : i32 to index
      %swap3A_250 = tpu.vector_load %arg16[%swap3A_248, %swap3A_249] {strides = array<i32>} : memref<20x512xf32, #tpu.memory_space<vmem>>, vector<16xf32>,
      tpu.vector_store %arg16[%swap3A_248, %swap3A_249], %broadcast_in_dim3A_3 {strides = array<i32>} : memref<20x512xf32, #tpu.memory_space<vmem>>, vector<16xf32>,
      %swap3A_251 = arith.constant 13 : i32
      %swap3A_252 = arith.index_cast %swap3A_251 : i32 to index
      %swap3A_253 = arith.index_cast %add3A_188 : i32 to index
      %swap3A_254 = tpu.vector_load %arg16[%swap3A_252, %swap3A_253] {strides = array<i32>} : memref<20x512xf32, #tpu.memory_space<vmem>>, vector<16xf32>,
      tpu.vector_store %arg16[%swap3A_252, %swap3A_253], %broadcast_in_dim3A_3 {strides = array<i32>} : memref<20x512xf32, #tpu.memory_space<vmem>>, vector<16xf32>,
      %swap3A_255 = arith.constant 14 : i32
      %swap3A_256 = arith.index_cast %swap3A_255 : i32 to index
      %swap3A_257 = arith.index_cast %add3A_188 : i32 to index
      %swap3A_258 = tpu.vector_load %arg16[%swap3A_256, %swap3A_257] {strides = array<i32>} : memref<20x512xf32, #tpu.memory_space<vmem>>, vector<16xf32>,
      tpu.vector_store %arg16[%swap3A_256, %swap3A_257], %broadcast_in_dim3A_3 {strides = array<i32>} : memref<20x512xf32, #tpu.memory_space<vmem>>, vector<16xf32>,
      %swap3A_259 = arith.constant 15 : i32
      %swap3A_260 = arith.index_cast %swap3A_259 : i32 to index
      %swap3A_261 = arith.index_cast %add3A_188 : i32 to index
      %swap3A_262 = tpu.vector_load %arg16[%swap3A_260, %swap3A_261] {strides = array<i32>} : memref<20x512xf32, #tpu.memory_space<vmem>>, vector<16xf32>,
      tpu.vector_store %arg16[%swap3A_260, %swap3A_261], %broadcast_in_dim3A_3 {strides = array<i32>} : memref<20x512xf32, #tpu.memory_space<vmem>>, vector<16xf32>,
      %swap3A_263 = arith.constant 16 : i32
      %swap3A_264 = arith.index_cast %swap3A_263 : i32 to index
      %swap3A_265 = arith.index_cast %add3A_188 : i32 to index
      %swap3A_266 = tpu.vector_load %arg16[%swap3A_264, %swap3A_265] {strides = array<i32>} : memref<20x512xf32, #tpu.memory_space<vmem>>, vector<16xf32>,
      tpu.vector_store %arg16[%swap3A_264, %swap3A_265], %broadcast_in_dim3A_3 {strides = array<i32>} : memref<20x512xf32, #tpu.memory_space<vmem>>, vector<16xf32>,
      %swap3A_267 = arith.constant 17 : i32
      %swap3A_268 = arith.index_cast %swap3A_267 : i32 to index
      %swap3A_269 = arith.index_cast %add3A_188 : i32 to index
      %swap3A_270 = tpu.vector_load %arg16[%swap3A_268, %swap3A_269] {strides = array<i32>} : memref<20x512xf32, #tpu.memory_space<vmem>>, vector<16xf32>,
      tpu.vector_store %arg16[%swap3A_268, %swap3A_269], %broadcast_in_dim3A_3 {strides = array<i32>} : memref<20x512xf32, #tpu.memory_space<vmem>>, vector<16xf32>,
      %swap3A_271 = arith.constant 18 : i32
      %swap3A_272 = arith.index_cast %swap3A_271 : i32 to index
      %swap3A_273 = arith.index_cast %add3A_188 : i32 to index
      %swap3A_274 = tpu.vector_load %arg16[%swap3A_272, %swap3A_273] {strides = array<i32>} : memref<20x512xf32, #tpu.memory_space<vmem>>, vector<16xf32>,
      tpu.vector_store %arg16[%swap3A_272, %swap3A_273], %broadcast_in_dim3A_3 {strides = array<i32>} : memref<20x512xf32, #tpu.memory_space<vmem>>, vector<16xf32>,
      %swap3A_275 = arith.constant 19 : i32
      %swap3A_276 = arith.index_cast %swap3A_275 : i32 to index
      %swap3A_277 = arith.index_cast %add3A_188 : i32 to index
      %swap3A_278 = tpu.vector_load %arg16[%swap3A_276, %swap3A_277] {strides = array<i32>} : memref<20x512xf32, #tpu.memory_space<vmem>>, vector<16xf32>,
      tpu.vector_store %arg16[%swap3A_276, %swap3A_277], %broadcast_in_dim3A_3 {strides = array<i32>} : memref<20x512xf32, #tpu.memory_space<vmem>>, vector<16xf32>,
      %scan3A_279 = arith.constant 0 : i32
      %scan3A_280 = arith.constant 0 : i32
      %scan3A_281 = arith.constant 64 : i32
      %scan3A_282 = arith.addi %scan3A_280, %scan3A_281 : i32
      %scan3A_283 = arith.constant 1 : i32
      scf.for %scan3A_588 = %scan3A_280 to %scan3A_282 step %scan3A_283  : i32 {
        %broadcast_in_dim3A_589 = vector.broadcast %scan3A_588 : i32 to vector<16xi32>
        %gather3A = tpu.vector_load_idx %arg12[%add3A_191, %broadcast_in_dim3A_589] : memref<64x64xf32, #tpu.memory_space<vmem>>[vector<16xi32>, vector<16xi32>], vector<16xf32>,
        %gather3A_590 = tpu.vector_load_idx %arg13[%add3A_191, %broadcast_in_dim3A_589] : memref<64x64xf32, #tpu.memory_space<vmem>>[vector<16xi32>, vector<16xi32>], vector<16xf32>,
        %mul3A_591 = arith.mulf %gather3A, %gather3A_590 : vector<16xf32>
        %swap3A_592 = arith.index_cast %add3A_188 : i32 to index
        %swap3A_593 = tpu.vector_load %arg15[%swap3A_592] {strides = array<i32>} : memref<512xf32, #tpu.memory_space<vmem>>, vector<16xf32>,
        tpu.vector_store %arg15[%swap3A_592], %mul3A_591 {add = true, strides = array<i32>} : memref<512xf32, #tpu.memory_space<vmem>>, vector<16xf32>,
        %add3A_594 = arith.constant 0 : i32
        %add3A_595 = vector.broadcast %add3A_594 : i32 to vector<16xi32>
        %add3A_596 = arith.addi %mul3A_197, %add3A_595 : vector<16xi32>
        %gather3A_597 = tpu.vector_load_idx %arg14[%add3A_596, %broadcast_in_dim3A_589] : memref<1280x64xf32, #tpu.memory_space<vmem>>[vector<16xi32>, vector<16xi32>], vector<16xf32>,
        %mul3A_598 = arith.mulf %gather3A_597, %gather3A : vector<16xf32>
        %swap3A_599 = arith.constant 0 : i32
        %swap3A_600 = arith.index_cast %swap3A_599 : i32 to index
        %swap3A_601 = arith.index_cast %add3A_188 : i32 to index
        %swap3A_602 = tpu.vector_load %arg16[%swap3A_600, %swap3A_601] {strides = array<i32>} : memref<20x512xf32, #tpu.memory_space<vmem>>, vector<16xf32>,
        tpu.vector_store %arg16[%swap3A_600, %swap3A_601], %mul3A_598 {add = true, strides = array<i32>} : memref<20x512xf32, #tpu.memory_space<vmem>>, vector<16xf32>,
        %add3A_603 = arith.constant 1 : i32
        %add3A_604 = vector.broadcast %add3A_603 : i32 to vector<16xi32>
        %add3A_605 = arith.addi %mul3A_197, %add3A_604 : vector<16xi32>
        %gather3A_606 = tpu.vector_load_idx %arg14[%add3A_605, %broadcast_in_dim3A_589] : memref<1280x64xf32, #tpu.memory_space<vmem>>[vector<16xi32>, vector<16xi32>], vector<16xf32>,
        %mul3A_607 = arith.mulf %gather3A_606, %gather3A : vector<16xf32>
        %swap3A_608 = arith.constant 1 : i32
        %swap3A_609 = arith.index_cast %swap3A_608 : i32 to index
        %swap3A_610 = arith.index_cast %add3A_188 : i32 to index
        %swap3A_611 = tpu.vector_load %arg16[%swap3A_609, %swap3A_610] {strides = array<i32>} : memref<20x512xf32, #tpu.memory_space<vmem>>, vector<16xf32>,
        tpu.vector_store %arg16[%swap3A_609, %swap3A_610], %mul3A_607 {add = true, strides = array<i32>} : memref<20x512xf32, #tpu.memory_space<vmem>>, vector<16xf32>,
        %add3A_612 = arith.constant 2 : i32
        %add3A_613 = vector.broadcast %add3A_612 : i32 to vector<16xi32>
        %add3A_614 = arith.addi %mul3A_197, %add3A_613 : vector<16xi32>
        %gather3A_615 = tpu.vector_load_idx %arg14[%add3A_614, %broadcast_in_dim3A_589] : memref<1280x64xf32, #tpu.memory_space<vmem>>[vector<16xi32>, vector<16xi32>], vector<16xf32>,
        %mul3A_616 = arith.mulf %gather3A_615, %gather3A : vector<16xf32>
        %swap3A_617 = arith.constant 2 : i32
        %swap3A_618 = arith.index_cast %swap3A_617 : i32 to index
        %swap3A_619 = arith.index_cast %add3A_188 : i32 to index
        %swap3A_620 = tpu.vector_load %arg16[%swap3A_618, %swap3A_619] {strides = array<i32>} : memref<20x512xf32, #tpu.memory_space<vmem>>, vector<16xf32>,
        tpu.vector_store %arg16[%swap3A_618, %swap3A_619], %mul3A_616 {add = true, strides = array<i32>} : memref<20x512xf32, #tpu.memory_space<vmem>>, vector<16xf32>,
        %add3A_621 = arith.constant 3 : i32
        %add3A_622 = vector.broadcast %add3A_621 : i32 to vector<16xi32>
        %add3A_623 = arith.addi %mul3A_197, %add3A_622 : vector<16xi32>
        %gather3A_624 = tpu.vector_load_idx %arg14[%add3A_623, %broadcast_in_dim3A_589] : memref<1280x64xf32, #tpu.memory_space<vmem>>[vector<16xi32>, vector<16xi32>], vector<16xf32>,
        %mul3A_625 = arith.mulf %gather3A_624, %gather3A : vector<16xf32>
        %swap3A_626 = arith.constant 3 : i32
        %swap3A_627 = arith.index_cast %swap3A_626 : i32 to index
        %swap3A_628 = arith.index_cast %add3A_188 : i32 to index
        %swap3A_629 = tpu.vector_load %arg16[%swap3A_627, %swap3A_628] {strides = array<i32>} : memref<20x512xf32, #tpu.memory_space<vmem>>, vector<16xf32>,
        tpu.vector_store %arg16[%swap3A_627, %swap3A_628], %mul3A_625 {add = true, strides = array<i32>} : memref<20x512xf32, #tpu.memory_space<vmem>>, vector<16xf32>,
        %add3A_630 = arith.constant 4 : i32
        %add3A_631 = vector.broadcast %add3A_630 : i32 to vector<16xi32>
        %add3A_632 = arith.addi %mul3A_197, %add3A_631 : vector<16xi32>
        %gather3A_633 = tpu.vector_load_idx %arg14[%add3A_632, %broadcast_in_dim3A_589] : memref<1280x64xf32, #tpu.memory_space<vmem>>[vector<16xi32>, vector<16xi32>], vector<16xf32>,
        %mul3A_634 = arith.mulf %gather3A_633, %gather3A : vector<16xf32>
        %swap3A_635 = arith.constant 4 : i32
        %swap3A_636 = arith.index_cast %swap3A_635 : i32 to index
        %swap3A_637 = arith.index_cast %add3A_188 : i32 to index
        %swap3A_638 = tpu.vector_load %arg16[%swap3A_636, %swap3A_637] {strides = array<i32>} : memref<20x512xf32, #tpu.memory_space<vmem>>, vector<16xf32>,
        tpu.vector_store %arg16[%swap3A_636, %swap3A_637], %mul3A_634 {add = true, strides = array<i32>} : memref<20x512xf32, #tpu.memory_space<vmem>>, vector<16xf32>,
        %add3A_639 = arith.constant 5 : i32
        %add3A_640 = vector.broadcast %add3A_639 : i32 to vector<16xi32>
        %add3A_641 = arith.addi %mul3A_197, %add3A_640 : vector<16xi32>
        %gather3A_642 = tpu.vector_load_idx %arg14[%add3A_641, %broadcast_in_dim3A_589] : memref<1280x64xf32, #tpu.memory_space<vmem>>[vector<16xi32>, vector<16xi32>], vector<16xf32>,
        %mul3A_643 = arith.mulf %gather3A_642, %gather3A : vector<16xf32>
        %swap3A_644 = arith.constant 5 : i32
        %swap3A_645 = arith.index_cast %swap3A_644 : i32 to index
        %swap3A_646 = arith.index_cast %add3A_188 : i32 to index
        %swap3A_647 = tpu.vector_load %arg16[%swap3A_645, %swap3A_646] {strides = array<i32>} : memref<20x512xf32, #tpu.memory_space<vmem>>, vector<16xf32>,
        tpu.vector_store %arg16[%swap3A_645, %swap3A_646], %mul3A_643 {add = true, strides = array<i32>} : memref<20x512xf32, #tpu.memory_space<vmem>>, vector<16xf32>,
        %add3A_648 = arith.constant 6 : i32
        %add3A_649 = vector.broadcast %add3A_648 : i32 to vector<16xi32>
        %add3A_650 = arith.addi %mul3A_197, %add3A_649 : vector<16xi32>
        %gather3A_651 = tpu.vector_load_idx %arg14[%add3A_650, %broadcast_in_dim3A_589] : memref<1280x64xf32, #tpu.memory_space<vmem>>[vector<16xi32>, vector<16xi32>], vector<16xf32>,
        %mul3A_652 = arith.mulf %gather3A_651, %gather3A : vector<16xf32>
        %swap3A_653 = arith.constant 6 : i32
        %swap3A_654 = arith.index_cast %swap3A_653 : i32 to index
        %swap3A_655 = arith.index_cast %add3A_188 : i32 to index
        %swap3A_656 = tpu.vector_load %arg16[%swap3A_654, %swap3A_655] {strides = array<i32>} : memref<20x512xf32, #tpu.memory_space<vmem>>, vector<16xf32>,
        tpu.vector_store %arg16[%swap3A_654, %swap3A_655], %mul3A_652 {add = true, strides = array<i32>} : memref<20x512xf32, #tpu.memory_space<vmem>>, vector<16xf32>,
        %add3A_657 = arith.constant 7 : i32
        %add3A_658 = vector.broadcast %add3A_657 : i32 to vector<16xi32>
        %add3A_659 = arith.addi %mul3A_197, %add3A_658 : vector<16xi32>
        %gather3A_660 = tpu.vector_load_idx %arg14[%add3A_659, %broadcast_in_dim3A_589] : memref<1280x64xf32, #tpu.memory_space<vmem>>[vector<16xi32>, vector<16xi32>], vector<16xf32>,
        %mul3A_661 = arith.mulf %gather3A_660, %gather3A : vector<16xf32>
        %swap3A_662 = arith.constant 7 : i32
        %swap3A_663 = arith.index_cast %swap3A_662 : i32 to index
        %swap3A_664 = arith.index_cast %add3A_188 : i32 to index
        %swap3A_665 = tpu.vector_load %arg16[%swap3A_663, %swap3A_664] {strides = array<i32>} : memref<20x512xf32, #tpu.memory_space<vmem>>, vector<16xf32>,
        tpu.vector_store %arg16[%swap3A_663, %swap3A_664], %mul3A_661 {add = true, strides = array<i32>} : memref<20x512xf32, #tpu.memory_space<vmem>>, vector<16xf32>,
        %add3A_666 = arith.constant 8 : i32
        %add3A_667 = vector.broadcast %add3A_666 : i32 to vector<16xi32>
        %add3A_668 = arith.addi %mul3A_197, %add3A_667 : vector<16xi32>
        %gather3A_669 = tpu.vector_load_idx %arg14[%add3A_668, %broadcast_in_dim3A_589] : memref<1280x64xf32, #tpu.memory_space<vmem>>[vector<16xi32>, vector<16xi32>], vector<16xf32>,
        %mul3A_670 = arith.mulf %gather3A_669, %gather3A : vector<16xf32>
        %swap3A_671 = arith.constant 8 : i32
        %swap3A_672 = arith.index_cast %swap3A_671 : i32 to index
        %swap3A_673 = arith.index_cast %add3A_188 : i32 to index
        %swap3A_674 = tpu.vector_load %arg16[%swap3A_672, %swap3A_673] {strides = array<i32>} : memref<20x512xf32, #tpu.memory_space<vmem>>, vector<16xf32>,
        tpu.vector_store %arg16[%swap3A_672, %swap3A_673], %mul3A_670 {add = true, strides = array<i32>} : memref<20x512xf32, #tpu.memory_space<vmem>>, vector<16xf32>,
        %add3A_675 = arith.constant 9 : i32
        %add3A_676 = vector.broadcast %add3A_675 : i32 to vector<16xi32>
        %add3A_677 = arith.addi %mul3A_197, %add3A_676 : vector<16xi32>
        %gather3A_678 = tpu.vector_load_idx %arg14[%add3A_677, %broadcast_in_dim3A_589] : memref<1280x64xf32, #tpu.memory_space<vmem>>[vector<16xi32>, vector<16xi32>], vector<16xf32>,
        %mul3A_679 = arith.mulf %gather3A_678, %gather3A : vector<16xf32>
        %swap3A_680 = arith.constant 9 : i32
        %swap3A_681 = arith.index_cast %swap3A_680 : i32 to index
        %swap3A_682 = arith.index_cast %add3A_188 : i32 to index
        %swap3A_683 = tpu.vector_load %arg16[%swap3A_681, %swap3A_682] {strides = array<i32>} : memref<20x512xf32, #tpu.memory_space<vmem>>, vector<16xf32>,
        tpu.vector_store %arg16[%swap3A_681, %swap3A_682], %mul3A_679 {add = true, strides = array<i32>} : memref<20x512xf32, #tpu.memory_space<vmem>>, vector<16xf32>,
        %add3A_684 = arith.constant 10 : i32
        %add3A_685 = vector.broadcast %add3A_684 : i32 to vector<16xi32>
        %add3A_686 = arith.addi %mul3A_197, %add3A_685 : vector<16xi32>
        %gather3A_687 = tpu.vector_load_idx %arg14[%add3A_686, %broadcast_in_dim3A_589] : memref<1280x64xf32, #tpu.memory_space<vmem>>[vector<16xi32>, vector<16xi32>], vector<16xf32>,
        %mul3A_688 = arith.mulf %gather3A_687, %gather3A : vector<16xf32>
        %swap3A_689 = arith.constant 10 : i32
        %swap3A_690 = arith.index_cast %swap3A_689 : i32 to index
        %swap3A_691 = arith.index_cast %add3A_188 : i32 to index
        %swap3A_692 = tpu.vector_load %arg16[%swap3A_690, %swap3A_691] {strides = array<i32>} : memref<20x512xf32, #tpu.memory_space<vmem>>, vector<16xf32>,
        tpu.vector_store %arg16[%swap3A_690, %swap3A_691], %mul3A_688 {add = true, strides = array<i32>} : memref<20x512xf32, #tpu.memory_space<vmem>>, vector<16xf32>,
        %add3A_693 = arith.constant 11 : i32
        %add3A_694 = vector.broadcast %add3A_693 : i32 to vector<16xi32>
        %add3A_695 = arith.addi %mul3A_197, %add3A_694 : vector<16xi32>
        %gather3A_696 = tpu.vector_load_idx %arg14[%add3A_695, %broadcast_in_dim3A_589] : memref<1280x64xf32, #tpu.memory_space<vmem>>[vector<16xi32>, vector<16xi32>], vector<16xf32>,
        %mul3A_697 = arith.mulf %gather3A_696, %gather3A : vector<16xf32>
        %swap3A_698 = arith.constant 11 : i32
        %swap3A_699 = arith.index_cast %swap3A_698 : i32 to index
        %swap3A_700 = arith.index_cast %add3A_188 : i32 to index
        %swap3A_701 = tpu.vector_load %arg16[%swap3A_699, %swap3A_700] {strides = array<i32>} : memref<20x512xf32, #tpu.memory_space<vmem>>, vector<16xf32>,
        tpu.vector_store %arg16[%swap3A_699, %swap3A_700], %mul3A_697 {add = true, strides = array<i32>} : memref<20x512xf32, #tpu.memory_space<vmem>>, vector<16xf32>,
        %add3A_702 = arith.constant 12 : i32
        %add3A_703 = vector.broadcast %add3A_702 : i32 to vector<16xi32>
        %add3A_704 = arith.addi %mul3A_197, %add3A_703 : vector<16xi32>
        %gather3A_705 = tpu.vector_load_idx %arg14[%add3A_704, %broadcast_in_dim3A_589] : memref<1280x64xf32, #tpu.memory_space<vmem>>[vector<16xi32>, vector<16xi32>], vector<16xf32>,
        %mul3A_706 = arith.mulf %gather3A_705, %gather3A : vector<16xf32>
        %swap3A_707 = arith.constant 12 : i32
        %swap3A_708 = arith.index_cast %swap3A_707 : i32 to index
        %swap3A_709 = arith.index_cast %add3A_188 : i32 to index
        %swap3A_710 = tpu.vector_load %arg16[%swap3A_708, %swap3A_709] {strides = array<i32>} : memref<20x512xf32, #tpu.memory_space<vmem>>, vector<16xf32>,
        tpu.vector_store %arg16[%swap3A_708, %swap3A_709], %mul3A_706 {add = true, strides = array<i32>} : memref<20x512xf32, #tpu.memory_space<vmem>>, vector<16xf32>,
        %add3A_711 = arith.constant 13 : i32
        %add3A_712 = vector.broadcast %add3A_711 : i32 to vector<16xi32>
        %add3A_713 = arith.addi %mul3A_197, %add3A_712 : vector<16xi32>
        %gather3A_714 = tpu.vector_load_idx %arg14[%add3A_713, %broadcast_in_dim3A_589] : memref<1280x64xf32, #tpu.memory_space<vmem>>[vector<16xi32>, vector<16xi32>], vector<16xf32>,
        %mul3A_715 = arith.mulf %gather3A_714, %gather3A : vector<16xf32>
        %swap3A_716 = arith.constant 13 : i32
        %swap3A_717 = arith.index_cast %swap3A_716 : i32 to index
        %swap3A_718 = arith.index_cast %add3A_188 : i32 to index
        %swap3A_719 = tpu.vector_load %arg16[%swap3A_717, %swap3A_718] {strides = array<i32>} : memref<20x512xf32, #tpu.memory_space<vmem>>, vector<16xf32>,
        tpu.vector_store %arg16[%swap3A_717, %swap3A_718], %mul3A_715 {add = true, strides = array<i32>} : memref<20x512xf32, #tpu.memory_space<vmem>>, vector<16xf32>,
        %add3A_720 = arith.constant 14 : i32
        %add3A_721 = vector.broadcast %add3A_720 : i32 to vector<16xi32>
        %add3A_722 = arith.addi %mul3A_197, %add3A_721 : vector<16xi32>
        %gather3A_723 = tpu.vector_load_idx %arg14[%add3A_722, %broadcast_in_dim3A_589] : memref<1280x64xf32, #tpu.memory_space<vmem>>[vector<16xi32>, vector<16xi32>], vector<16xf32>,
        %mul3A_724 = arith.mulf %gather3A_723, %gather3A : vector<16xf32>
        %swap3A_725 = arith.constant 14 : i32
        %swap3A_726 = arith.index_cast %swap3A_725 : i32 to index
        %swap3A_727 = arith.index_cast %add3A_188 : i32 to index
        %swap3A_728 = tpu.vector_load %arg16[%swap3A_726, %swap3A_727] {strides = array<i32>} : memref<20x512xf32, #tpu.memory_space<vmem>>, vector<16xf32>,
        tpu.vector_store %arg16[%swap3A_726, %swap3A_727], %mul3A_724 {add = true, strides = array<i32>} : memref<20x512xf32, #tpu.memory_space<vmem>>, vector<16xf32>,
        %add3A_729 = arith.constant 15 : i32
        %add3A_730 = vector.broadcast %add3A_729 : i32 to vector<16xi32>
        %add3A_731 = arith.addi %mul3A_197, %add3A_730 : vector<16xi32>
        %gather3A_732 = tpu.vector_load_idx %arg14[%add3A_731, %broadcast_in_dim3A_589] : memref<1280x64xf32, #tpu.memory_space<vmem>>[vector<16xi32>, vector<16xi32>], vector<16xf32>,
        %mul3A_733 = arith.mulf %gather3A_732, %gather3A : vector<16xf32>
        %swap3A_734 = arith.constant 15 : i32
        %swap3A_735 = arith.index_cast %swap3A_734 : i32 to index
        %swap3A_736 = arith.index_cast %add3A_188 : i32 to index
        %swap3A_737 = tpu.vector_load %arg16[%swap3A_735, %swap3A_736] {strides = array<i32>} : memref<20x512xf32, #tpu.memory_space<vmem>>, vector<16xf32>,
        tpu.vector_store %arg16[%swap3A_735, %swap3A_736], %mul3A_733 {add = true, strides = array<i32>} : memref<20x512xf32, #tpu.memory_space<vmem>>, vector<16xf32>,
        %add3A_738 = arith.constant 16 : i32
        %add3A_739 = vector.broadcast %add3A_738 : i32 to vector<16xi32>
        %add3A_740 = arith.addi %mul3A_197, %add3A_739 : vector<16xi32>
        %gather3A_741 = tpu.vector_load_idx %arg14[%add3A_740, %broadcast_in_dim3A_589] : memref<1280x64xf32, #tpu.memory_space<vmem>>[vector<16xi32>, vector<16xi32>], vector<16xf32>,
        %mul3A_742 = arith.mulf %gather3A_741, %gather3A : vector<16xf32>
        %swap3A_743 = arith.constant 16 : i32
        %swap3A_744 = arith.index_cast %swap3A_743 : i32 to index
        %swap3A_745 = arith.index_cast %add3A_188 : i32 to index
        %swap3A_746 = tpu.vector_load %arg16[%swap3A_744, %swap3A_745] {strides = array<i32>} : memref<20x512xf32, #tpu.memory_space<vmem>>, vector<16xf32>,
        tpu.vector_store %arg16[%swap3A_744, %swap3A_745], %mul3A_742 {add = true, strides = array<i32>} : memref<20x512xf32, #tpu.memory_space<vmem>>, vector<16xf32>,
        %add3A_747 = arith.constant 17 : i32
        %add3A_748 = vector.broadcast %add3A_747 : i32 to vector<16xi32>
        %add3A_749 = arith.addi %mul3A_197, %add3A_748 : vector<16xi32>
        %gather3A_750 = tpu.vector_load_idx %arg14[%add3A_749, %broadcast_in_dim3A_589] : memref<1280x64xf32, #tpu.memory_space<vmem>>[vector<16xi32>, vector<16xi32>], vector<16xf32>,
        %mul3A_751 = arith.mulf %gather3A_750, %gather3A : vector<16xf32>
        %swap3A_752 = arith.constant 17 : i32
        %swap3A_753 = arith.index_cast %swap3A_752 : i32 to index
        %swap3A_754 = arith.index_cast %add3A_188 : i32 to index
        %swap3A_755 = tpu.vector_load %arg16[%swap3A_753, %swap3A_754] {strides = array<i32>} : memref<20x512xf32, #tpu.memory_space<vmem>>, vector<16xf32>,
        tpu.vector_store %arg16[%swap3A_753, %swap3A_754], %mul3A_751 {add = true, strides = array<i32>} : memref<20x512xf32, #tpu.memory_space<vmem>>, vector<16xf32>,
        %add3A_756 = arith.constant 18 : i32
        %add3A_757 = vector.broadcast %add3A_756 : i32 to vector<16xi32>
        %add3A_758 = arith.addi %mul3A_197, %add3A_757 : vector<16xi32>
        %gather3A_759 = tpu.vector_load_idx %arg14[%add3A_758, %broadcast_in_dim3A_589] : memref<1280x64xf32, #tpu.memory_space<vmem>>[vector<16xi32>, vector<16xi32>], vector<16xf32>,
        %mul3A_760 = arith.mulf %gather3A_759, %gather3A : vector<16xf32>
        %swap3A_761 = arith.constant 18 : i32
        %swap3A_762 = arith.index_cast %swap3A_761 : i32 to index
        %swap3A_763 = arith.index_cast %add3A_188 : i32 to index
        %swap3A_764 = tpu.vector_load %arg16[%swap3A_762, %swap3A_763] {strides = array<i32>} : memref<20x512xf32, #tpu.memory_space<vmem>>, vector<16xf32>,
        tpu.vector_store %arg16[%swap3A_762, %swap3A_763], %mul3A_760 {add = true, strides = array<i32>} : memref<20x512xf32, #tpu.memory_space<vmem>>, vector<16xf32>,
        %add3A_765 = arith.constant 19 : i32
        %add3A_766 = vector.broadcast %add3A_765 : i32 to vector<16xi32>
        %add3A_767 = arith.addi %mul3A_197, %add3A_766 : vector<16xi32>
        %gather3A_768 = tpu.vector_load_idx %arg14[%add3A_767, %broadcast_in_dim3A_589] : memref<1280x64xf32, #tpu.memory_space<vmem>>[vector<16xi32>, vector<16xi32>], vector<16xf32>,
        %mul3A_769 = arith.mulf %gather3A_768, %gather3A : vector<16xf32>
        %swap3A_770 = arith.constant 19 : i32
        %swap3A_771 = arith.index_cast %swap3A_770 : i32 to index
        %swap3A_772 = arith.index_cast %add3A_188 : i32 to index
        %swap3A_773 = tpu.vector_load %arg16[%swap3A_771, %swap3A_772] {strides = array<i32>} : memref<20x512xf32, #tpu.memory_space<vmem>>, vector<16xf32>,
        tpu.vector_store %arg16[%swap3A_771, %swap3A_772], %mul3A_769 {add = true, strides = array<i32>} : memref<20x512xf32, #tpu.memory_space<vmem>>, vector<16xf32>,
      }
      %scan3A_284 = arith.constant 64 : i32
      %mul3A_285 = arith.constant 64 : i32
      %mul3A_286 = arith.muli %scan3A_9, %mul3A_285 : i32
      %add3A_287 = arith.constant 16 : i32
      %add3A_288 = arith.addi %mul3A_286, %add3A_287 : i32
      %add3A_289 = arith.constant 16 : i32
      %add3A_290 = vector.broadcast %add3A_289 : i32 to vector<16xi32>
      %add3A_291 = arith.addi %iota3A, %add3A_290 : vector<16xi32>
      %add3A_292 = arith.constant 16 : i32
      %add3A_293 = vector.broadcast %add3A_292 : i32 to vector<16xi32>
      %add3A_294 = arith.addi %iota3A, %add3A_293 : vector<16xi32>
      %mul3A_295 = arith.constant 20 : i32
      %mul3A_296 = vector.broadcast %mul3A_295 : i32 to vector<16xi32>
      %mul3A_297 = arith.muli %add3A_294, %mul3A_296 : vector<16xi32>
      %swap3A_298 = arith.index_cast %add3A_288 : i32 to index
      %swap3A_299 = tpu.vector_load %arg15[%swap3A_298] {strides = array<i32>} : memref<512xf32, #tpu.memory_space<vmem>>, vector<16xf32>,
      tpu.vector_store %arg15[%swap3A_298], %broadcast_in_dim3A_3 {strides = array<i32>} : memref<512xf32, #tpu.memory_space<vmem>>, vector<16xf32>,
      %swap3A_300 = arith.constant 0 : i32
      %swap3A_301 = arith.index_cast %swap3A_300 : i32 to index
      %swap3A_302 = arith.index_cast %add3A_288 : i32 to index
      %swap3A_303 = tpu.vector_load %arg16[%swap3A_301, %swap3A_302] {strides = array<i32>} : memref<20x512xf32, #tpu.memory_space<vmem>>, vector<16xf32>,
      tpu.vector_store %arg16[%swap3A_301, %swap3A_302], %broadcast_in_dim3A_3 {strides = array<i32>} : memref<20x512xf32, #tpu.memory_space<vmem>>, vector<16xf32>,
      %swap3A_304 = arith.constant 1 : i32
      %swap3A_305 = arith.index_cast %swap3A_304 : i32 to index
      %swap3A_306 = arith.index_cast %add3A_288 : i32 to index
      %swap3A_307 = tpu.vector_load %arg16[%swap3A_305, %swap3A_306] {strides = array<i32>} : memref<20x512xf32, #tpu.memory_space<vmem>>, vector<16xf32>,
      tpu.vector_store %arg16[%swap3A_305, %swap3A_306], %broadcast_in_dim3A_3 {strides = array<i32>} : memref<20x512xf32, #tpu.memory_space<vmem>>, vector<16xf32>,
      %swap3A_308 = arith.constant 2 : i32
      %swap3A_309 = arith.index_cast %swap3A_308 : i32 to index
      %swap3A_310 = arith.index_cast %add3A_288 : i32 to index
      %swap3A_311 = tpu.vector_load %arg16[%swap3A_309, %swap3A_310] {strides = array<i32>} : memref<20x512xf32, #tpu.memory_space<vmem>>, vector<16xf32>,
      tpu.vector_store %arg16[%swap3A_309, %swap3A_310], %broadcast_in_dim3A_3 {strides = array<i32>} : memref<20x512xf32, #tpu.memory_space<vmem>>, vector<16xf32>,
      %swap3A_312 = arith.constant 3 : i32
      %swap3A_313 = arith.index_cast %swap3A_312 : i32 to index
      %swap3A_314 = arith.index_cast %add3A_288 : i32 to index
      %swap3A_315 = tpu.vector_load %arg16[%swap3A_313, %swap3A_314] {strides = array<i32>} : memref<20x512xf32, #tpu.memory_space<vmem>>, vector<16xf32>,
      tpu.vector_store %arg16[%swap3A_313, %swap3A_314], %broadcast_in_dim3A_3 {strides = array<i32>} : memref<20x512xf32, #tpu.memory_space<vmem>>, vector<16xf32>,
      %swap3A_316 = arith.constant 4 : i32
      %swap3A_317 = arith.index_cast %swap3A_316 : i32 to index
      %swap3A_318 = arith.index_cast %add3A_288 : i32 to index
      %swap3A_319 = tpu.vector_load %arg16[%swap3A_317, %swap3A_318] {strides = array<i32>} : memref<20x512xf32, #tpu.memory_space<vmem>>, vector<16xf32>,
      tpu.vector_store %arg16[%swap3A_317, %swap3A_318], %broadcast_in_dim3A_3 {strides = array<i32>} : memref<20x512xf32, #tpu.memory_space<vmem>>, vector<16xf32>,
      %swap3A_320 = arith.constant 5 : i32
      %swap3A_321 = arith.index_cast %swap3A_320 : i32 to index
      %swap3A_322 = arith.index_cast %add3A_288 : i32 to index
      %swap3A_323 = tpu.vector_load %arg16[%swap3A_321, %swap3A_322] {strides = array<i32>} : memref<20x512xf32, #tpu.memory_space<vmem>>, vector<16xf32>,
      tpu.vector_store %arg16[%swap3A_321, %swap3A_322], %broadcast_in_dim3A_3 {strides = array<i32>} : memref<20x512xf32, #tpu.memory_space<vmem>>, vector<16xf32>,
      %swap3A_324 = arith.constant 6 : i32
      %swap3A_325 = arith.index_cast %swap3A_324 : i32 to index
      %swap3A_326 = arith.index_cast %add3A_288 : i32 to index
      %swap3A_327 = tpu.vector_load %arg16[%swap3A_325, %swap3A_326] {strides = array<i32>} : memref<20x512xf32, #tpu.memory_space<vmem>>, vector<16xf32>,
      tpu.vector_store %arg16[%swap3A_325, %swap3A_326], %broadcast_in_dim3A_3 {strides = array<i32>} : memref<20x512xf32, #tpu.memory_space<vmem>>, vector<16xf32>,
      %swap3A_328 = arith.constant 7 : i32
      %swap3A_329 = arith.index_cast %swap3A_328 : i32 to index
      %swap3A_330 = arith.index_cast %add3A_288 : i32 to index
      %swap3A_331 = tpu.vector_load %arg16[%swap3A_329, %swap3A_330] {strides = array<i32>} : memref<20x512xf32, #tpu.memory_space<vmem>>, vector<16xf32>,
      tpu.vector_store %arg16[%swap3A_329, %swap3A_330], %broadcast_in_dim3A_3 {strides = array<i32>} : memref<20x512xf32, #tpu.memory_space<vmem>>, vector<16xf32>,
      %swap3A_332 = arith.constant 8 : i32
      %swap3A_333 = arith.index_cast %swap3A_332 : i32 to index
      %swap3A_334 = arith.index_cast %add3A_288 : i32 to index
      %swap3A_335 = tpu.vector_load %arg16[%swap3A_333, %swap3A_334] {strides = array<i32>} : memref<20x512xf32, #tpu.memory_space<vmem>>, vector<16xf32>,
      tpu.vector_store %arg16[%swap3A_333, %swap3A_334], %broadcast_in_dim3A_3 {strides = array<i32>} : memref<20x512xf32, #tpu.memory_space<vmem>>, vector<16xf32>,
      %swap3A_336 = arith.constant 9 : i32
      %swap3A_337 = arith.index_cast %swap3A_336 : i32 to index
      %swap3A_338 = arith.index_cast %add3A_288 : i32 to index
      %swap3A_339 = tpu.vector_load %arg16[%swap3A_337, %swap3A_338] {strides = array<i32>} : memref<20x512xf32, #tpu.memory_space<vmem>>, vector<16xf32>,
      tpu.vector_store %arg16[%swap3A_337, %swap3A_338], %broadcast_in_dim3A_3 {strides = array<i32>} : memref<20x512xf32, #tpu.memory_space<vmem>>, vector<16xf32>,
      %swap3A_340 = arith.constant 10 : i32
      %swap3A_341 = arith.index_cast %swap3A_340 : i32 to index
      %swap3A_342 = arith.index_cast %add3A_288 : i32 to index
      %swap3A_343 = tpu.vector_load %arg16[%swap3A_341, %swap3A_342] {strides = array<i32>} : memref<20x512xf32, #tpu.memory_space<vmem>>, vector<16xf32>,
      tpu.vector_store %arg16[%swap3A_341, %swap3A_342], %broadcast_in_dim3A_3 {strides = array<i32>} : memref<20x512xf32, #tpu.memory_space<vmem>>, vector<16xf32>,
      %swap3A_344 = arith.constant 11 : i32
      %swap3A_345 = arith.index_cast %swap3A_344 : i32 to index
      %swap3A_346 = arith.index_cast %add3A_288 : i32 to index
      %swap3A_347 = tpu.vector_load %arg16[%swap3A_345, %swap3A_346] {strides = array<i32>} : memref<20x512xf32, #tpu.memory_space<vmem>>, vector<16xf32>,
      tpu.vector_store %arg16[%swap3A_345, %swap3A_346], %broadcast_in_dim3A_3 {strides = array<i32>} : memref<20x512xf32, #tpu.memory_space<vmem>>, vector<16xf32>,
      %swap3A_348 = arith.constant 12 : i32
      %swap3A_349 = arith.index_cast %swap3A_348 : i32 to index
      %swap3A_350 = arith.index_cast %add3A_288 : i32 to index
      %swap3A_351 = tpu.vector_load %arg16[%swap3A_349, %swap3A_350] {strides = array<i32>} : memref<20x512xf32, #tpu.memory_space<vmem>>, vector<16xf32>,
      tpu.vector_store %arg16[%swap3A_349, %swap3A_350], %broadcast_in_dim3A_3 {strides = array<i32>} : memref<20x512xf32, #tpu.memory_space<vmem>>, vector<16xf32>,
      %swap3A_352 = arith.constant 13 : i32
      %swap3A_353 = arith.index_cast %swap3A_352 : i32 to index
      %swap3A_354 = arith.index_cast %add3A_288 : i32 to index
      %swap3A_355 = tpu.vector_load %arg16[%swap3A_353, %swap3A_354] {strides = array<i32>} : memref<20x512xf32, #tpu.memory_space<vmem>>, vector<16xf32>,
      tpu.vector_store %arg16[%swap3A_353, %swap3A_354], %broadcast_in_dim3A_3 {strides = array<i32>} : memref<20x512xf32, #tpu.memory_space<vmem>>, vector<16xf32>,
      %swap3A_356 = arith.constant 14 : i32
      %swap3A_357 = arith.index_cast %swap3A_356 : i32 to index
      %swap3A_358 = arith.index_cast %add3A_288 : i32 to index
      %swap3A_359 = tpu.vector_load %arg16[%swap3A_357, %swap3A_358] {strides = array<i32>} : memref<20x512xf32, #tpu.memory_space<vmem>>, vector<16xf32>,
      tpu.vector_store %arg16[%swap3A_357, %swap3A_358], %broadcast_in_dim3A_3 {strides = array<i32>} : memref<20x512xf32, #tpu.memory_space<vmem>>, vector<16xf32>,
      %swap3A_360 = arith.constant 15 : i32
      %swap3A_361 = arith.index_cast %swap3A_360 : i32 to index
      %swap3A_362 = arith.index_cast %add3A_288 : i32 to index
      %swap3A_363 = tpu.vector_load %arg16[%swap3A_361, %swap3A_362] {strides = array<i32>} : memref<20x512xf32, #tpu.memory_space<vmem>>, vector<16xf32>,
      tpu.vector_store %arg16[%swap3A_361, %swap3A_362], %broadcast_in_dim3A_3 {strides = array<i32>} : memref<20x512xf32, #tpu.memory_space<vmem>>, vector<16xf32>,
      %swap3A_364 = arith.constant 16 : i32
      %swap3A_365 = arith.index_cast %swap3A_364 : i32 to index
      %swap3A_366 = arith.index_cast %add3A_288 : i32 to index
      %swap3A_367 = tpu.vector_load %arg16[%swap3A_365, %swap3A_366] {strides = array<i32>} : memref<20x512xf32, #tpu.memory_space<vmem>>, vector<16xf32>,
      tpu.vector_store %arg16[%swap3A_365, %swap3A_366], %broadcast_in_dim3A_3 {strides = array<i32>} : memref<20x512xf32, #tpu.memory_space<vmem>>, vector<16xf32>,
      %swap3A_368 = arith.constant 17 : i32
      %swap3A_369 = arith.index_cast %swap3A_368 : i32 to index
      %swap3A_370 = arith.index_cast %add3A_288 : i32 to index
      %swap3A_371 = tpu.vector_load %arg16[%swap3A_369, %swap3A_370] {strides = array<i32>} : memref<20x512xf32, #tpu.memory_space<vmem>>, vector<16xf32>,
      tpu.vector_store %arg16[%swap3A_369, %swap3A_370], %broadcast_in_dim3A_3 {strides = array<i32>} : memref<20x512xf32, #tpu.memory_space<vmem>>, vector<16xf32>,
      %swap3A_372 = arith.constant 18 : i32
      %swap3A_373 = arith.index_cast %swap3A_372 : i32 to index
      %swap3A_374 = arith.index_cast %add3A_288 : i32 to index
      %swap3A_375 = tpu.vector_load %arg16[%swap3A_373, %swap3A_374] {strides = array<i32>} : memref<20x512xf32, #tpu.memory_space<vmem>>, vector<16xf32>,
      tpu.vector_store %arg16[%swap3A_373, %swap3A_374], %broadcast_in_dim3A_3 {strides = array<i32>} : memref<20x512xf32, #tpu.memory_space<vmem>>, vector<16xf32>,
      %swap3A_376 = arith.constant 19 : i32
      %swap3A_377 = arith.index_cast %swap3A_376 : i32 to index
      %swap3A_378 = arith.index_cast %add3A_288 : i32 to index
      %swap3A_379 = tpu.vector_load %arg16[%swap3A_377, %swap3A_378] {strides = array<i32>} : memref<20x512xf32, #tpu.memory_space<vmem>>, vector<16xf32>,
      tpu.vector_store %arg16[%swap3A_377, %swap3A_378], %broadcast_in_dim3A_3 {strides = array<i32>} : memref<20x512xf32, #tpu.memory_space<vmem>>, vector<16xf32>,
      %scan3A_380 = arith.constant 0 : i32
      %scan3A_381 = arith.constant 0 : i32
      %scan3A_382 = arith.constant 64 : i32
      %scan3A_383 = arith.addi %scan3A_381, %scan3A_382 : i32
      %scan3A_384 = arith.constant 1 : i32
      scf.for %scan3A_588 = %scan3A_381 to %scan3A_383 step %scan3A_384  : i32 {
        %broadcast_in_dim3A_589 = vector.broadcast %scan3A_588 : i32 to vector<16xi32>
        %gather3A = tpu.vector_load_idx %arg12[%add3A_291, %broadcast_in_dim3A_589] : memref<64x64xf32, #tpu.memory_space<vmem>>[vector<16xi32>, vector<16xi32>], vector<16xf32>,
        %gather3A_590 = tpu.vector_load_idx %arg13[%add3A_291, %broadcast_in_dim3A_589] : memref<64x64xf32, #tpu.memory_space<vmem>>[vector<16xi32>, vector<16xi32>], vector<16xf32>,
        %mul3A_591 = arith.mulf %gather3A, %gather3A_590 : vector<16xf32>
        %swap3A_592 = arith.index_cast %add3A_288 : i32 to index
        %swap3A_593 = tpu.vector_load %arg15[%swap3A_592] {strides = array<i32>} : memref<512xf32, #tpu.memory_space<vmem>>, vector<16xf32>,
        tpu.vector_store %arg15[%swap3A_592], %mul3A_591 {add = true, strides = array<i32>} : memref<512xf32, #tpu.memory_space<vmem>>, vector<16xf32>,
        %add3A_594 = arith.constant 0 : i32
        %add3A_595 = vector.broadcast %add3A_594 : i32 to vector<16xi32>
        %add3A_596 = arith.addi %mul3A_297, %add3A_595 : vector<16xi32>
        %gather3A_597 = tpu.vector_load_idx %arg14[%add3A_596, %broadcast_in_dim3A_589] : memref<1280x64xf32, #tpu.memory_space<vmem>>[vector<16xi32>, vector<16xi32>], vector<16xf32>,
        %mul3A_598 = arith.mulf %gather3A_597, %gather3A : vector<16xf32>
        %swap3A_599 = arith.constant 0 : i32
        %swap3A_600 = arith.index_cast %swap3A_599 : i32 to index
        %swap3A_601 = arith.index_cast %add3A_288 : i32 to index
        %swap3A_602 = tpu.vector_load %arg16[%swap3A_600, %swap3A_601] {strides = array<i32>} : memref<20x512xf32, #tpu.memory_space<vmem>>, vector<16xf32>,
        tpu.vector_store %arg16[%swap3A_600, %swap3A_601], %mul3A_598 {add = true, strides = array<i32>} : memref<20x512xf32, #tpu.memory_space<vmem>>, vector<16xf32>,
        %add3A_603 = arith.constant 1 : i32
        %add3A_604 = vector.broadcast %add3A_603 : i32 to vector<16xi32>
        %add3A_605 = arith.addi %mul3A_297, %add3A_604 : vector<16xi32>
        %gather3A_606 = tpu.vector_load_idx %arg14[%add3A_605, %broadcast_in_dim3A_589] : memref<1280x64xf32, #tpu.memory_space<vmem>>[vector<16xi32>, vector<16xi32>], vector<16xf32>,
        %mul3A_607 = arith.mulf %gather3A_606, %gather3A : vector<16xf32>
        %swap3A_608 = arith.constant 1 : i32
        %swap3A_609 = arith.index_cast %swap3A_608 : i32 to index
        %swap3A_610 = arith.index_cast %add3A_288 : i32 to index
        %swap3A_611 = tpu.vector_load %arg16[%swap3A_609, %swap3A_610] {strides = array<i32>} : memref<20x512xf32, #tpu.memory_space<vmem>>, vector<16xf32>,
        tpu.vector_store %arg16[%swap3A_609, %swap3A_610], %mul3A_607 {add = true, strides = array<i32>} : memref<20x512xf32, #tpu.memory_space<vmem>>, vector<16xf32>,
        %add3A_612 = arith.constant 2 : i32
        %add3A_613 = vector.broadcast %add3A_612 : i32 to vector<16xi32>
        %add3A_614 = arith.addi %mul3A_297, %add3A_613 : vector<16xi32>
        %gather3A_615 = tpu.vector_load_idx %arg14[%add3A_614, %broadcast_in_dim3A_589] : memref<1280x64xf32, #tpu.memory_space<vmem>>[vector<16xi32>, vector<16xi32>], vector<16xf32>,
        %mul3A_616 = arith.mulf %gather3A_615, %gather3A : vector<16xf32>
        %swap3A_617 = arith.constant 2 : i32
        %swap3A_618 = arith.index_cast %swap3A_617 : i32 to index
        %swap3A_619 = arith.index_cast %add3A_288 : i32 to index
        %swap3A_620 = tpu.vector_load %arg16[%swap3A_618, %swap3A_619] {strides = array<i32>} : memref<20x512xf32, #tpu.memory_space<vmem>>, vector<16xf32>,
        tpu.vector_store %arg16[%swap3A_618, %swap3A_619], %mul3A_616 {add = true, strides = array<i32>} : memref<20x512xf32, #tpu.memory_space<vmem>>, vector<16xf32>,
        %add3A_621 = arith.constant 3 : i32
        %add3A_622 = vector.broadcast %add3A_621 : i32 to vector<16xi32>
        %add3A_623 = arith.addi %mul3A_297, %add3A_622 : vector<16xi32>
        %gather3A_624 = tpu.vector_load_idx %arg14[%add3A_623, %broadcast_in_dim3A_589] : memref<1280x64xf32, #tpu.memory_space<vmem>>[vector<16xi32>, vector<16xi32>], vector<16xf32>,
        %mul3A_625 = arith.mulf %gather3A_624, %gather3A : vector<16xf32>
        %swap3A_626 = arith.constant 3 : i32
        %swap3A_627 = arith.index_cast %swap3A_626 : i32 to index
        %swap3A_628 = arith.index_cast %add3A_288 : i32 to index
        %swap3A_629 = tpu.vector_load %arg16[%swap3A_627, %swap3A_628] {strides = array<i32>} : memref<20x512xf32, #tpu.memory_space<vmem>>, vector<16xf32>,
        tpu.vector_store %arg16[%swap3A_627, %swap3A_628], %mul3A_625 {add = true, strides = array<i32>} : memref<20x512xf32, #tpu.memory_space<vmem>>, vector<16xf32>,
        %add3A_630 = arith.constant 4 : i32
        %add3A_631 = vector.broadcast %add3A_630 : i32 to vector<16xi32>
        %add3A_632 = arith.addi %mul3A_297, %add3A_631 : vector<16xi32>
        %gather3A_633 = tpu.vector_load_idx %arg14[%add3A_632, %broadcast_in_dim3A_589] : memref<1280x64xf32, #tpu.memory_space<vmem>>[vector<16xi32>, vector<16xi32>], vector<16xf32>,
        %mul3A_634 = arith.mulf %gather3A_633, %gather3A : vector<16xf32>
        %swap3A_635 = arith.constant 4 : i32
        %swap3A_636 = arith.index_cast %swap3A_635 : i32 to index
        %swap3A_637 = arith.index_cast %add3A_288 : i32 to index
        %swap3A_638 = tpu.vector_load %arg16[%swap3A_636, %swap3A_637] {strides = array<i32>} : memref<20x512xf32, #tpu.memory_space<vmem>>, vector<16xf32>,
        tpu.vector_store %arg16[%swap3A_636, %swap3A_637], %mul3A_634 {add = true, strides = array<i32>} : memref<20x512xf32, #tpu.memory_space<vmem>>, vector<16xf32>,
        %add3A_639 = arith.constant 5 : i32
        %add3A_640 = vector.broadcast %add3A_639 : i32 to vector<16xi32>
        %add3A_641 = arith.addi %mul3A_297, %add3A_640 : vector<16xi32>
        %gather3A_642 = tpu.vector_load_idx %arg14[%add3A_641, %broadcast_in_dim3A_589] : memref<1280x64xf32, #tpu.memory_space<vmem>>[vector<16xi32>, vector<16xi32>], vector<16xf32>,
        %mul3A_643 = arith.mulf %gather3A_642, %gather3A : vector<16xf32>
        %swap3A_644 = arith.constant 5 : i32
        %swap3A_645 = arith.index_cast %swap3A_644 : i32 to index
        %swap3A_646 = arith.index_cast %add3A_288 : i32 to index
        %swap3A_647 = tpu.vector_load %arg16[%swap3A_645, %swap3A_646] {strides = array<i32>} : memref<20x512xf32, #tpu.memory_space<vmem>>, vector<16xf32>,
        tpu.vector_store %arg16[%swap3A_645, %swap3A_646], %mul3A_643 {add = true, strides = array<i32>} : memref<20x512xf32, #tpu.memory_space<vmem>>, vector<16xf32>,
        %add3A_648 = arith.constant 6 : i32
        %add3A_649 = vector.broadcast %add3A_648 : i32 to vector<16xi32>
        %add3A_650 = arith.addi %mul3A_297, %add3A_649 : vector<16xi32>
        %gather3A_651 = tpu.vector_load_idx %arg14[%add3A_650, %broadcast_in_dim3A_589] : memref<1280x64xf32, #tpu.memory_space<vmem>>[vector<16xi32>, vector<16xi32>], vector<16xf32>,
        %mul3A_652 = arith.mulf %gather3A_651, %gather3A : vector<16xf32>
        %swap3A_653 = arith.constant 6 : i32
        %swap3A_654 = arith.index_cast %swap3A_653 : i32 to index
        %swap3A_655 = arith.index_cast %add3A_288 : i32 to index
        %swap3A_656 = tpu.vector_load %arg16[%swap3A_654, %swap3A_655] {strides = array<i32>} : memref<20x512xf32, #tpu.memory_space<vmem>>, vector<16xf32>,
        tpu.vector_store %arg16[%swap3A_654, %swap3A_655], %mul3A_652 {add = true, strides = array<i32>} : memref<20x512xf32, #tpu.memory_space<vmem>>, vector<16xf32>,
        %add3A_657 = arith.constant 7 : i32
        %add3A_658 = vector.broadcast %add3A_657 : i32 to vector<16xi32>
        %add3A_659 = arith.addi %mul3A_297, %add3A_658 : vector<16xi32>
        %gather3A_660 = tpu.vector_load_idx %arg14[%add3A_659, %broadcast_in_dim3A_589] : memref<1280x64xf32, #tpu.memory_space<vmem>>[vector<16xi32>, vector<16xi32>], vector<16xf32>,
        %mul3A_661 = arith.mulf %gather3A_660, %gather3A : vector<16xf32>
        %swap3A_662 = arith.constant 7 : i32
        %swap3A_663 = arith.index_cast %swap3A_662 : i32 to index
        %swap3A_664 = arith.index_cast %add3A_288 : i32 to index
        %swap3A_665 = tpu.vector_load %arg16[%swap3A_663, %swap3A_664] {strides = array<i32>} : memref<20x512xf32, #tpu.memory_space<vmem>>, vector<16xf32>,
        tpu.vector_store %arg16[%swap3A_663, %swap3A_664], %mul3A_661 {add = true, strides = array<i32>} : memref<20x512xf32, #tpu.memory_space<vmem>>, vector<16xf32>,
        %add3A_666 = arith.constant 8 : i32
        %add3A_667 = vector.broadcast %add3A_666 : i32 to vector<16xi32>
        %add3A_668 = arith.addi %mul3A_297, %add3A_667 : vector<16xi32>
        %gather3A_669 = tpu.vector_load_idx %arg14[%add3A_668, %broadcast_in_dim3A_589] : memref<1280x64xf32, #tpu.memory_space<vmem>>[vector<16xi32>, vector<16xi32>], vector<16xf32>,
        %mul3A_670 = arith.mulf %gather3A_669, %gather3A : vector<16xf32>
        %swap3A_671 = arith.constant 8 : i32
        %swap3A_672 = arith.index_cast %swap3A_671 : i32 to index
        %swap3A_673 = arith.index_cast %add3A_288 : i32 to index
        %swap3A_674 = tpu.vector_load %arg16[%swap3A_672, %swap3A_673] {strides = array<i32>} : memref<20x512xf32, #tpu.memory_space<vmem>>, vector<16xf32>,
        tpu.vector_store %arg16[%swap3A_672, %swap3A_673], %mul3A_670 {add = true, strides = array<i32>} : memref<20x512xf32, #tpu.memory_space<vmem>>, vector<16xf32>,
        %add3A_675 = arith.constant 9 : i32
        %add3A_676 = vector.broadcast %add3A_675 : i32 to vector<16xi32>
        %add3A_677 = arith.addi %mul3A_297, %add3A_676 : vector<16xi32>
        %gather3A_678 = tpu.vector_load_idx %arg14[%add3A_677, %broadcast_in_dim3A_589] : memref<1280x64xf32, #tpu.memory_space<vmem>>[vector<16xi32>, vector<16xi32>], vector<16xf32>,
        %mul3A_679 = arith.mulf %gather3A_678, %gather3A : vector<16xf32>
        %swap3A_680 = arith.constant 9 : i32
        %swap3A_681 = arith.index_cast %swap3A_680 : i32 to index
        %swap3A_682 = arith.index_cast %add3A_288 : i32 to index
        %swap3A_683 = tpu.vector_load %arg16[%swap3A_681, %swap3A_682] {strides = array<i32>} : memref<20x512xf32, #tpu.memory_space<vmem>>, vector<16xf32>,
        tpu.vector_store %arg16[%swap3A_681, %swap3A_682], %mul3A_679 {add = true, strides = array<i32>} : memref<20x512xf32, #tpu.memory_space<vmem>>, vector<16xf32>,
        %add3A_684 = arith.constant 10 : i32
        %add3A_685 = vector.broadcast %add3A_684 : i32 to vector<16xi32>
        %add3A_686 = arith.addi %mul3A_297, %add3A_685 : vector<16xi32>
        %gather3A_687 = tpu.vector_load_idx %arg14[%add3A_686, %broadcast_in_dim3A_589] : memref<1280x64xf32, #tpu.memory_space<vmem>>[vector<16xi32>, vector<16xi32>], vector<16xf32>,
        %mul3A_688 = arith.mulf %gather3A_687, %gather3A : vector<16xf32>
        %swap3A_689 = arith.constant 10 : i32
        %swap3A_690 = arith.index_cast %swap3A_689 : i32 to index
        %swap3A_691 = arith.index_cast %add3A_288 : i32 to index
        %swap3A_692 = tpu.vector_load %arg16[%swap3A_690, %swap3A_691] {strides = array<i32>} : memref<20x512xf32, #tpu.memory_space<vmem>>, vector<16xf32>,
        tpu.vector_store %arg16[%swap3A_690, %swap3A_691], %mul3A_688 {add = true, strides = array<i32>} : memref<20x512xf32, #tpu.memory_space<vmem>>, vector<16xf32>,
        %add3A_693 = arith.constant 11 : i32
        %add3A_694 = vector.broadcast %add3A_693 : i32 to vector<16xi32>
        %add3A_695 = arith.addi %mul3A_297, %add3A_694 : vector<16xi32>
        %gather3A_696 = tpu.vector_load_idx %arg14[%add3A_695, %broadcast_in_dim3A_589] : memref<1280x64xf32, #tpu.memory_space<vmem>>[vector<16xi32>, vector<16xi32>], vector<16xf32>,
        %mul3A_697 = arith.mulf %gather3A_696, %gather3A : vector<16xf32>
        %swap3A_698 = arith.constant 11 : i32
        %swap3A_699 = arith.index_cast %swap3A_698 : i32 to index
        %swap3A_700 = arith.index_cast %add3A_288 : i32 to index
        %swap3A_701 = tpu.vector_load %arg16[%swap3A_699, %swap3A_700] {strides = array<i32>} : memref<20x512xf32, #tpu.memory_space<vmem>>, vector<16xf32>,
        tpu.vector_store %arg16[%swap3A_699, %swap3A_700], %mul3A_697 {add = true, strides = array<i32>} : memref<20x512xf32, #tpu.memory_space<vmem>>, vector<16xf32>,
        %add3A_702 = arith.constant 12 : i32
        %add3A_703 = vector.broadcast %add3A_702 : i32 to vector<16xi32>
        %add3A_704 = arith.addi %mul3A_297, %add3A_703 : vector<16xi32>
        %gather3A_705 = tpu.vector_load_idx %arg14[%add3A_704, %broadcast_in_dim3A_589] : memref<1280x64xf32, #tpu.memory_space<vmem>>[vector<16xi32>, vector<16xi32>], vector<16xf32>,
        %mul3A_706 = arith.mulf %gather3A_705, %gather3A : vector<16xf32>
        %swap3A_707 = arith.constant 12 : i32
        %swap3A_708 = arith.index_cast %swap3A_707 : i32 to index
        %swap3A_709 = arith.index_cast %add3A_288 : i32 to index
        %swap3A_710 = tpu.vector_load %arg16[%swap3A_708, %swap3A_709] {strides = array<i32>} : memref<20x512xf32, #tpu.memory_space<vmem>>, vector<16xf32>,
        tpu.vector_store %arg16[%swap3A_708, %swap3A_709], %mul3A_706 {add = true, strides = array<i32>} : memref<20x512xf32, #tpu.memory_space<vmem>>, vector<16xf32>,
        %add3A_711 = arith.constant 13 : i32
        %add3A_712 = vector.broadcast %add3A_711 : i32 to vector<16xi32>
        %add3A_713 = arith.addi %mul3A_297, %add3A_712 : vector<16xi32>
        %gather3A_714 = tpu.vector_load_idx %arg14[%add3A_713, %broadcast_in_dim3A_589] : memref<1280x64xf32, #tpu.memory_space<vmem>>[vector<16xi32>, vector<16xi32>], vector<16xf32>,
        %mul3A_715 = arith.mulf %gather3A_714, %gather3A : vector<16xf32>
        %swap3A_716 = arith.constant 13 : i32
        %swap3A_717 = arith.index_cast %swap3A_716 : i32 to index
        %swap3A_718 = arith.index_cast %add3A_288 : i32 to index
        %swap3A_719 = tpu.vector_load %arg16[%swap3A_717, %swap3A_718] {strides = array<i32>} : memref<20x512xf32, #tpu.memory_space<vmem>>, vector<16xf32>,
        tpu.vector_store %arg16[%swap3A_717, %swap3A_718], %mul3A_715 {add = true, strides = array<i32>} : memref<20x512xf32, #tpu.memory_space<vmem>>, vector<16xf32>,
        %add3A_720 = arith.constant 14 : i32
        %add3A_721 = vector.broadcast %add3A_720 : i32 to vector<16xi32>
        %add3A_722 = arith.addi %mul3A_297, %add3A_721 : vector<16xi32>
        %gather3A_723 = tpu.vector_load_idx %arg14[%add3A_722, %broadcast_in_dim3A_589] : memref<1280x64xf32, #tpu.memory_space<vmem>>[vector<16xi32>, vector<16xi32>], vector<16xf32>,
        %mul3A_724 = arith.mulf %gather3A_723, %gather3A : vector<16xf32>
        %swap3A_725 = arith.constant 14 : i32
        %swap3A_726 = arith.index_cast %swap3A_725 : i32 to index
        %swap3A_727 = arith.index_cast %add3A_288 : i32 to index
        %swap3A_728 = tpu.vector_load %arg16[%swap3A_726, %swap3A_727] {strides = array<i32>} : memref<20x512xf32, #tpu.memory_space<vmem>>, vector<16xf32>,
        tpu.vector_store %arg16[%swap3A_726, %swap3A_727], %mul3A_724 {add = true, strides = array<i32>} : memref<20x512xf32, #tpu.memory_space<vmem>>, vector<16xf32>,
        %add3A_729 = arith.constant 15 : i32
        %add3A_730 = vector.broadcast %add3A_729 : i32 to vector<16xi32>
        %add3A_731 = arith.addi %mul3A_297, %add3A_730 : vector<16xi32>
        %gather3A_732 = tpu.vector_load_idx %arg14[%add3A_731, %broadcast_in_dim3A_589] : memref<1280x64xf32, #tpu.memory_space<vmem>>[vector<16xi32>, vector<16xi32>], vector<16xf32>,
        %mul3A_733 = arith.mulf %gather3A_732, %gather3A : vector<16xf32>
        %swap3A_734 = arith.constant 15 : i32
        %swap3A_735 = arith.index_cast %swap3A_734 : i32 to index
        %swap3A_736 = arith.index_cast %add3A_288 : i32 to index
        %swap3A_737 = tpu.vector_load %arg16[%swap3A_735, %swap3A_736] {strides = array<i32>} : memref<20x512xf32, #tpu.memory_space<vmem>>, vector<16xf32>,
        tpu.vector_store %arg16[%swap3A_735, %swap3A_736], %mul3A_733 {add = true, strides = array<i32>} : memref<20x512xf32, #tpu.memory_space<vmem>>, vector<16xf32>,
        %add3A_738 = arith.constant 16 : i32
        %add3A_739 = vector.broadcast %add3A_738 : i32 to vector<16xi32>
        %add3A_740 = arith.addi %mul3A_297, %add3A_739 : vector<16xi32>
        %gather3A_741 = tpu.vector_load_idx %arg14[%add3A_740, %broadcast_in_dim3A_589] : memref<1280x64xf32, #tpu.memory_space<vmem>>[vector<16xi32>, vector<16xi32>], vector<16xf32>,
        %mul3A_742 = arith.mulf %gather3A_741, %gather3A : vector<16xf32>
        %swap3A_743 = arith.constant 16 : i32
        %swap3A_744 = arith.index_cast %swap3A_743 : i32 to index
        %swap3A_745 = arith.index_cast %add3A_288 : i32 to index
        %swap3A_746 = tpu.vector_load %arg16[%swap3A_744, %swap3A_745] {strides = array<i32>} : memref<20x512xf32, #tpu.memory_space<vmem>>, vector<16xf32>,
        tpu.vector_store %arg16[%swap3A_744, %swap3A_745], %mul3A_742 {add = true, strides = array<i32>} : memref<20x512xf32, #tpu.memory_space<vmem>>, vector<16xf32>,
        %add3A_747 = arith.constant 17 : i32
        %add3A_748 = vector.broadcast %add3A_747 : i32 to vector<16xi32>
        %add3A_749 = arith.addi %mul3A_297, %add3A_748 : vector<16xi32>
        %gather3A_750 = tpu.vector_load_idx %arg14[%add3A_749, %broadcast_in_dim3A_589] : memref<1280x64xf32, #tpu.memory_space<vmem>>[vector<16xi32>, vector<16xi32>], vector<16xf32>,
        %mul3A_751 = arith.mulf %gather3A_750, %gather3A : vector<16xf32>
        %swap3A_752 = arith.constant 17 : i32
        %swap3A_753 = arith.index_cast %swap3A_752 : i32 to index
        %swap3A_754 = arith.index_cast %add3A_288 : i32 to index
        %swap3A_755 = tpu.vector_load %arg16[%swap3A_753, %swap3A_754] {strides = array<i32>} : memref<20x512xf32, #tpu.memory_space<vmem>>, vector<16xf32>,
        tpu.vector_store %arg16[%swap3A_753, %swap3A_754], %mul3A_751 {add = true, strides = array<i32>} : memref<20x512xf32, #tpu.memory_space<vmem>>, vector<16xf32>,
        %add3A_756 = arith.constant 18 : i32
        %add3A_757 = vector.broadcast %add3A_756 : i32 to vector<16xi32>
        %add3A_758 = arith.addi %mul3A_297, %add3A_757 : vector<16xi32>
        %gather3A_759 = tpu.vector_load_idx %arg14[%add3A_758, %broadcast_in_dim3A_589] : memref<1280x64xf32, #tpu.memory_space<vmem>>[vector<16xi32>, vector<16xi32>], vector<16xf32>,
        %mul3A_760 = arith.mulf %gather3A_759, %gather3A : vector<16xf32>
        %swap3A_761 = arith.constant 18 : i32
        %swap3A_762 = arith.index_cast %swap3A_761 : i32 to index
        %swap3A_763 = arith.index_cast %add3A_288 : i32 to index
        %swap3A_764 = tpu.vector_load %arg16[%swap3A_762, %swap3A_763] {strides = array<i32>} : memref<20x512xf32, #tpu.memory_space<vmem>>, vector<16xf32>,
        tpu.vector_store %arg16[%swap3A_762, %swap3A_763], %mul3A_760 {add = true, strides = array<i32>} : memref<20x512xf32, #tpu.memory_space<vmem>>, vector<16xf32>,
        %add3A_765 = arith.constant 19 : i32
        %add3A_766 = vector.broadcast %add3A_765 : i32 to vector<16xi32>
        %add3A_767 = arith.addi %mul3A_297, %add3A_766 : vector<16xi32>
        %gather3A_768 = tpu.vector_load_idx %arg14[%add3A_767, %broadcast_in_dim3A_589] : memref<1280x64xf32, #tpu.memory_space<vmem>>[vector<16xi32>, vector<16xi32>], vector<16xf32>,
        %mul3A_769 = arith.mulf %gather3A_768, %gather3A : vector<16xf32>
        %swap3A_770 = arith.constant 19 : i32
        %swap3A_771 = arith.index_cast %swap3A_770 : i32 to index
        %swap3A_772 = arith.index_cast %add3A_288 : i32 to index
        %swap3A_773 = tpu.vector_load %arg16[%swap3A_771, %swap3A_772] {strides = array<i32>} : memref<20x512xf32, #tpu.memory_space<vmem>>, vector<16xf32>,
        tpu.vector_store %arg16[%swap3A_771, %swap3A_772], %mul3A_769 {add = true, strides = array<i32>} : memref<20x512xf32, #tpu.memory_space<vmem>>, vector<16xf32>,
      }
      %scan3A_385 = arith.constant 64 : i32
      %mul3A_386 = arith.constant 64 : i32
      %mul3A_387 = arith.muli %scan3A_9, %mul3A_386 : i32
      %add3A_388 = arith.constant 32 : i32
      %add3A_389 = arith.addi %mul3A_387, %add3A_388 : i32
      %add3A_390 = arith.constant 32 : i32
      %add3A_391 = vector.broadcast %add3A_390 : i32 to vector<16xi32>
      %add3A_392 = arith.addi %iota3A, %add3A_391 : vector<16xi32>
      %add3A_393 = arith.constant 32 : i32
      %add3A_394 = vector.broadcast %add3A_393 : i32 to vector<16xi32>
      %add3A_395 = arith.addi %iota3A, %add3A_394 : vector<16xi32>
      %mul3A_396 = arith.constant 20 : i32
      %mul3A_397 = vector.broadcast %mul3A_396 : i32 to vector<16xi32>
      %mul3A_398 = arith.muli %add3A_395, %mul3A_397 : vector<16xi32>
      %swap3A_399 = arith.index_cast %add3A_389 : i32 to index
      %swap3A_400 = tpu.vector_load %arg15[%swap3A_399] {strides = array<i32>} : memref<512xf32, #tpu.memory_space<vmem>>, vector<16xf32>,
      tpu.vector_store %arg15[%swap3A_399], %broadcast_in_dim3A_3 {strides = array<i32>} : memref<512xf32, #tpu.memory_space<vmem>>, vector<16xf32>,
      %swap3A_401 = arith.constant 0 : i32
      %swap3A_402 = arith.index_cast %swap3A_401 : i32 to index
      %swap3A_403 = arith.index_cast %add3A_389 : i32 to index
      %swap3A_404 = tpu.vector_load %arg16[%swap3A_402, %swap3A_403] {strides = array<i32>} : memref<20x512xf32, #tpu.memory_space<vmem>>, vector<16xf32>,
      tpu.vector_store %arg16[%swap3A_402, %swap3A_403], %broadcast_in_dim3A_3 {strides = array<i32>} : memref<20x512xf32, #tpu.memory_space<vmem>>, vector<16xf32>,
      %swap3A_405 = arith.constant 1 : i32
      %swap3A_406 = arith.index_cast %swap3A_405 : i32 to index
      %swap3A_407 = arith.index_cast %add3A_389 : i32 to index
      %swap3A_408 = tpu.vector_load %arg16[%swap3A_406, %swap3A_407] {strides = array<i32>} : memref<20x512xf32, #tpu.memory_space<vmem>>, vector<16xf32>,
      tpu.vector_store %arg16[%swap3A_406, %swap3A_407], %broadcast_in_dim3A_3 {strides = array<i32>} : memref<20x512xf32, #tpu.memory_space<vmem>>, vector<16xf32>,
      %swap3A_409 = arith.constant 2 : i32
      %swap3A_410 = arith.index_cast %swap3A_409 : i32 to index
      %swap3A_411 = arith.index_cast %add3A_389 : i32 to index
      %swap3A_412 = tpu.vector_load %arg16[%swap3A_410, %swap3A_411] {strides = array<i32>} : memref<20x512xf32, #tpu.memory_space<vmem>>, vector<16xf32>,
      tpu.vector_store %arg16[%swap3A_410, %swap3A_411], %broadcast_in_dim3A_3 {strides = array<i32>} : memref<20x512xf32, #tpu.memory_space<vmem>>, vector<16xf32>,
      %swap3A_413 = arith.constant 3 : i32
      %swap3A_414 = arith.index_cast %swap3A_413 : i32 to index
      %swap3A_415 = arith.index_cast %add3A_389 : i32 to index
      %swap3A_416 = tpu.vector_load %arg16[%swap3A_414, %swap3A_415] {strides = array<i32>} : memref<20x512xf32, #tpu.memory_space<vmem>>, vector<16xf32>,
      tpu.vector_store %arg16[%swap3A_414, %swap3A_415], %broadcast_in_dim3A_3 {strides = array<i32>} : memref<20x512xf32, #tpu.memory_space<vmem>>, vector<16xf32>,
      %swap3A_417 = arith.constant 4 : i32
      %swap3A_418 = arith.index_cast %swap3A_417 : i32 to index
      %swap3A_419 = arith.index_cast %add3A_389 : i32 to index
      %swap3A_420 = tpu.vector_load %arg16[%swap3A_418, %swap3A_419] {strides = array<i32>} : memref<20x512xf32, #tpu.memory_space<vmem>>, vector<16xf32>,
      tpu.vector_store %arg16[%swap3A_418, %swap3A_419], %broadcast_in_dim3A_3 {strides = array<i32>} : memref<20x512xf32, #tpu.memory_space<vmem>>, vector<16xf32>,
      %swap3A_421 = arith.constant 5 : i32
      %swap3A_422 = arith.index_cast %swap3A_421 : i32 to index
      %swap3A_423 = arith.index_cast %add3A_389 : i32 to index
      %swap3A_424 = tpu.vector_load %arg16[%swap3A_422, %swap3A_423] {strides = array<i32>} : memref<20x512xf32, #tpu.memory_space<vmem>>, vector<16xf32>,
      tpu.vector_store %arg16[%swap3A_422, %swap3A_423], %broadcast_in_dim3A_3 {strides = array<i32>} : memref<20x512xf32, #tpu.memory_space<vmem>>, vector<16xf32>,
      %swap3A_425 = arith.constant 6 : i32
      %swap3A_426 = arith.index_cast %swap3A_425 : i32 to index
      %swap3A_427 = arith.index_cast %add3A_389 : i32 to index
      %swap3A_428 = tpu.vector_load %arg16[%swap3A_426, %swap3A_427] {strides = array<i32>} : memref<20x512xf32, #tpu.memory_space<vmem>>, vector<16xf32>,
      tpu.vector_store %arg16[%swap3A_426, %swap3A_427], %broadcast_in_dim3A_3 {strides = array<i32>} : memref<20x512xf32, #tpu.memory_space<vmem>>, vector<16xf32>,
      %swap3A_429 = arith.constant 7 : i32
      %swap3A_430 = arith.index_cast %swap3A_429 : i32 to index
      %swap3A_431 = arith.index_cast %add3A_389 : i32 to index
      %swap3A_432 = tpu.vector_load %arg16[%swap3A_430, %swap3A_431] {strides = array<i32>} : memref<20x512xf32, #tpu.memory_space<vmem>>, vector<16xf32>,
      tpu.vector_store %arg16[%swap3A_430, %swap3A_431], %broadcast_in_dim3A_3 {strides = array<i32>} : memref<20x512xf32, #tpu.memory_space<vmem>>, vector<16xf32>,
      %swap3A_433 = arith.constant 8 : i32
      %swap3A_434 = arith.index_cast %swap3A_433 : i32 to index
      %swap3A_435 = arith.index_cast %add3A_389 : i32 to index
      %swap3A_436 = tpu.vector_load %arg16[%swap3A_434, %swap3A_435] {strides = array<i32>} : memref<20x512xf32, #tpu.memory_space<vmem>>, vector<16xf32>,
      tpu.vector_store %arg16[%swap3A_434, %swap3A_435], %broadcast_in_dim3A_3 {strides = array<i32>} : memref<20x512xf32, #tpu.memory_space<vmem>>, vector<16xf32>,
      %swap3A_437 = arith.constant 9 : i32
      %swap3A_438 = arith.index_cast %swap3A_437 : i32 to index
      %swap3A_439 = arith.index_cast %add3A_389 : i32 to index
      %swap3A_440 = tpu.vector_load %arg16[%swap3A_438, %swap3A_439] {strides = array<i32>} : memref<20x512xf32, #tpu.memory_space<vmem>>, vector<16xf32>,
      tpu.vector_store %arg16[%swap3A_438, %swap3A_439], %broadcast_in_dim3A_3 {strides = array<i32>} : memref<20x512xf32, #tpu.memory_space<vmem>>, vector<16xf32>,
      %swap3A_441 = arith.constant 10 : i32
      %swap3A_442 = arith.index_cast %swap3A_441 : i32 to index
      %swap3A_443 = arith.index_cast %add3A_389 : i32 to index
      %swap3A_444 = tpu.vector_load %arg16[%swap3A_442, %swap3A_443] {strides = array<i32>} : memref<20x512xf32, #tpu.memory_space<vmem>>, vector<16xf32>,
      tpu.vector_store %arg16[%swap3A_442, %swap3A_443], %broadcast_in_dim3A_3 {strides = array<i32>} : memref<20x512xf32, #tpu.memory_space<vmem>>, vector<16xf32>,
      %swap3A_445 = arith.constant 11 : i32
      %swap3A_446 = arith.index_cast %swap3A_445 : i32 to index
      %swap3A_447 = arith.index_cast %add3A_389 : i32 to index
      %swap3A_448 = tpu.vector_load %arg16[%swap3A_446, %swap3A_447] {strides = array<i32>} : memref<20x512xf32, #tpu.memory_space<vmem>>, vector<16xf32>,
      tpu.vector_store %arg16[%swap3A_446, %swap3A_447], %broadcast_in_dim3A_3 {strides = array<i32>} : memref<20x512xf32, #tpu.memory_space<vmem>>, vector<16xf32>,
      %swap3A_449 = arith.constant 12 : i32
      %swap3A_450 = arith.index_cast %swap3A_449 : i32 to index
      %swap3A_451 = arith.index_cast %add3A_389 : i32 to index
      %swap3A_452 = tpu.vector_load %arg16[%swap3A_450, %swap3A_451] {strides = array<i32>} : memref<20x512xf32, #tpu.memory_space<vmem>>, vector<16xf32>,
      tpu.vector_store %arg16[%swap3A_450, %swap3A_451], %broadcast_in_dim3A_3 {strides = array<i32>} : memref<20x512xf32, #tpu.memory_space<vmem>>, vector<16xf32>,
      %swap3A_453 = arith.constant 13 : i32
      %swap3A_454 = arith.index_cast %swap3A_453 : i32 to index
      %swap3A_455 = arith.index_cast %add3A_389 : i32 to index
      %swap3A_456 = tpu.vector_load %arg16[%swap3A_454, %swap3A_455] {strides = array<i32>} : memref<20x512xf32, #tpu.memory_space<vmem>>, vector<16xf32>,
      tpu.vector_store %arg16[%swap3A_454, %swap3A_455], %broadcast_in_dim3A_3 {strides = array<i32>} : memref<20x512xf32, #tpu.memory_space<vmem>>, vector<16xf32>,
      %swap3A_457 = arith.constant 14 : i32
      %swap3A_458 = arith.index_cast %swap3A_457 : i32 to index
      %swap3A_459 = arith.index_cast %add3A_389 : i32 to index
      %swap3A_460 = tpu.vector_load %arg16[%swap3A_458, %swap3A_459] {strides = array<i32>} : memref<20x512xf32, #tpu.memory_space<vmem>>, vector<16xf32>,
      tpu.vector_store %arg16[%swap3A_458, %swap3A_459], %broadcast_in_dim3A_3 {strides = array<i32>} : memref<20x512xf32, #tpu.memory_space<vmem>>, vector<16xf32>,
      %swap3A_461 = arith.constant 15 : i32
      %swap3A_462 = arith.index_cast %swap3A_461 : i32 to index
      %swap3A_463 = arith.index_cast %add3A_389 : i32 to index
      %swap3A_464 = tpu.vector_load %arg16[%swap3A_462, %swap3A_463] {strides = array<i32>} : memref<20x512xf32, #tpu.memory_space<vmem>>, vector<16xf32>,
      tpu.vector_store %arg16[%swap3A_462, %swap3A_463], %broadcast_in_dim3A_3 {strides = array<i32>} : memref<20x512xf32, #tpu.memory_space<vmem>>, vector<16xf32>,
      %swap3A_465 = arith.constant 16 : i32
      %swap3A_466 = arith.index_cast %swap3A_465 : i32 to index
      %swap3A_467 = arith.index_cast %add3A_389 : i32 to index
      %swap3A_468 = tpu.vector_load %arg16[%swap3A_466, %swap3A_467] {strides = array<i32>} : memref<20x512xf32, #tpu.memory_space<vmem>>, vector<16xf32>,
      tpu.vector_store %arg16[%swap3A_466, %swap3A_467], %broadcast_in_dim3A_3 {strides = array<i32>} : memref<20x512xf32, #tpu.memory_space<vmem>>, vector<16xf32>,
      %swap3A_469 = arith.constant 17 : i32
      %swap3A_470 = arith.index_cast %swap3A_469 : i32 to index
      %swap3A_471 = arith.index_cast %add3A_389 : i32 to index
      %swap3A_472 = tpu.vector_load %arg16[%swap3A_470, %swap3A_471] {strides = array<i32>} : memref<20x512xf32, #tpu.memory_space<vmem>>, vector<16xf32>,
      tpu.vector_store %arg16[%swap3A_470, %swap3A_471], %broadcast_in_dim3A_3 {strides = array<i32>} : memref<20x512xf32, #tpu.memory_space<vmem>>, vector<16xf32>,
      %swap3A_473 = arith.constant 18 : i32
      %swap3A_474 = arith.index_cast %swap3A_473 : i32 to index
      %swap3A_475 = arith.index_cast %add3A_389 : i32 to index
      %swap3A_476 = tpu.vector_load %arg16[%swap3A_474, %swap3A_475] {strides = array<i32>} : memref<20x512xf32, #tpu.memory_space<vmem>>, vector<16xf32>,
      tpu.vector_store %arg16[%swap3A_474, %swap3A_475], %broadcast_in_dim3A_3 {strides = array<i32>} : memref<20x512xf32, #tpu.memory_space<vmem>>, vector<16xf32>,
      %swap3A_477 = arith.constant 19 : i32
      %swap3A_478 = arith.index_cast %swap3A_477 : i32 to index
      %swap3A_479 = arith.index_cast %add3A_389 : i32 to index
      %swap3A_480 = tpu.vector_load %arg16[%swap3A_478, %swap3A_479] {strides = array<i32>} : memref<20x512xf32, #tpu.memory_space<vmem>>, vector<16xf32>,
      tpu.vector_store %arg16[%swap3A_478, %swap3A_479], %broadcast_in_dim3A_3 {strides = array<i32>} : memref<20x512xf32, #tpu.memory_space<vmem>>, vector<16xf32>,
      %scan3A_481 = arith.constant 0 : i32
      %scan3A_482 = arith.constant 0 : i32
      %scan3A_483 = arith.constant 64 : i32
      %scan3A_484 = arith.addi %scan3A_482, %scan3A_483 : i32
      %scan3A_485 = arith.constant 1 : i32
      scf.for %scan3A_588 = %scan3A_482 to %scan3A_484 step %scan3A_485  : i32 {
        %broadcast_in_dim3A_589 = vector.broadcast %scan3A_588 : i32 to vector<16xi32>
        %gather3A = tpu.vector_load_idx %arg12[%add3A_392, %broadcast_in_dim3A_589] : memref<64x64xf32, #tpu.memory_space<vmem>>[vector<16xi32>, vector<16xi32>], vector<16xf32>,
        %gather3A_590 = tpu.vector_load_idx %arg13[%add3A_392, %broadcast_in_dim3A_589] : memref<64x64xf32, #tpu.memory_space<vmem>>[vector<16xi32>, vector<16xi32>], vector<16xf32>,
        %mul3A_591 = arith.mulf %gather3A, %gather3A_590 : vector<16xf32>
        %swap3A_592 = arith.index_cast %add3A_389 : i32 to index
        %swap3A_593 = tpu.vector_load %arg15[%swap3A_592] {strides = array<i32>} : memref<512xf32, #tpu.memory_space<vmem>>, vector<16xf32>,
        tpu.vector_store %arg15[%swap3A_592], %mul3A_591 {add = true, strides = array<i32>} : memref<512xf32, #tpu.memory_space<vmem>>, vector<16xf32>,
        %add3A_594 = arith.constant 0 : i32
        %add3A_595 = vector.broadcast %add3A_594 : i32 to vector<16xi32>
        %add3A_596 = arith.addi %mul3A_398, %add3A_595 : vector<16xi32>
        %gather3A_597 = tpu.vector_load_idx %arg14[%add3A_596, %broadcast_in_dim3A_589] : memref<1280x64xf32, #tpu.memory_space<vmem>>[vector<16xi32>, vector<16xi32>], vector<16xf32>,
        %mul3A_598 = arith.mulf %gather3A_597, %gather3A : vector<16xf32>
        %swap3A_599 = arith.constant 0 : i32
        %swap3A_600 = arith.index_cast %swap3A_599 : i32 to index
        %swap3A_601 = arith.index_cast %add3A_389 : i32 to index
        %swap3A_602 = tpu.vector_load %arg16[%swap3A_600, %swap3A_601] {strides = array<i32>} : memref<20x512xf32, #tpu.memory_space<vmem>>, vector<16xf32>,
        tpu.vector_store %arg16[%swap3A_600, %swap3A_601], %mul3A_598 {add = true, strides = array<i32>} : memref<20x512xf32, #tpu.memory_space<vmem>>, vector<16xf32>,
        %add3A_603 = arith.constant 1 : i32
        %add3A_604 = vector.broadcast %add3A_603 : i32 to vector<16xi32>
        %add3A_605 = arith.addi %mul3A_398, %add3A_604 : vector<16xi32>
        %gather3A_606 = tpu.vector_load_idx %arg14[%add3A_605, %broadcast_in_dim3A_589] : memref<1280x64xf32, #tpu.memory_space<vmem>>[vector<16xi32>, vector<16xi32>], vector<16xf32>,
        %mul3A_607 = arith.mulf %gather3A_606, %gather3A : vector<16xf32>
        %swap3A_608 = arith.constant 1 : i32
        %swap3A_609 = arith.index_cast %swap3A_608 : i32 to index
        %swap3A_610 = arith.index_cast %add3A_389 : i32 to index
        %swap3A_611 = tpu.vector_load %arg16[%swap3A_609, %swap3A_610] {strides = array<i32>} : memref<20x512xf32, #tpu.memory_space<vmem>>, vector<16xf32>,
        tpu.vector_store %arg16[%swap3A_609, %swap3A_610], %mul3A_607 {add = true, strides = array<i32>} : memref<20x512xf32, #tpu.memory_space<vmem>>, vector<16xf32>,
        %add3A_612 = arith.constant 2 : i32
        %add3A_613 = vector.broadcast %add3A_612 : i32 to vector<16xi32>
        %add3A_614 = arith.addi %mul3A_398, %add3A_613 : vector<16xi32>
        %gather3A_615 = tpu.vector_load_idx %arg14[%add3A_614, %broadcast_in_dim3A_589] : memref<1280x64xf32, #tpu.memory_space<vmem>>[vector<16xi32>, vector<16xi32>], vector<16xf32>,
        %mul3A_616 = arith.mulf %gather3A_615, %gather3A : vector<16xf32>
        %swap3A_617 = arith.constant 2 : i32
        %swap3A_618 = arith.index_cast %swap3A_617 : i32 to index
        %swap3A_619 = arith.index_cast %add3A_389 : i32 to index
        %swap3A_620 = tpu.vector_load %arg16[%swap3A_618, %swap3A_619] {strides = array<i32>} : memref<20x512xf32, #tpu.memory_space<vmem>>, vector<16xf32>,
        tpu.vector_store %arg16[%swap3A_618, %swap3A_619], %mul3A_616 {add = true, strides = array<i32>} : memref<20x512xf32, #tpu.memory_space<vmem>>, vector<16xf32>,
        %add3A_621 = arith.constant 3 : i32
        %add3A_622 = vector.broadcast %add3A_621 : i32 to vector<16xi32>
        %add3A_623 = arith.addi %mul3A_398, %add3A_622 : vector<16xi32>
        %gather3A_624 = tpu.vector_load_idx %arg14[%add3A_623, %broadcast_in_dim3A_589] : memref<1280x64xf32, #tpu.memory_space<vmem>>[vector<16xi32>, vector<16xi32>], vector<16xf32>,
        %mul3A_625 = arith.mulf %gather3A_624, %gather3A : vector<16xf32>
        %swap3A_626 = arith.constant 3 : i32
        %swap3A_627 = arith.index_cast %swap3A_626 : i32 to index
        %swap3A_628 = arith.index_cast %add3A_389 : i32 to index
        %swap3A_629 = tpu.vector_load %arg16[%swap3A_627, %swap3A_628] {strides = array<i32>} : memref<20x512xf32, #tpu.memory_space<vmem>>, vector<16xf32>,
        tpu.vector_store %arg16[%swap3A_627, %swap3A_628], %mul3A_625 {add = true, strides = array<i32>} : memref<20x512xf32, #tpu.memory_space<vmem>>, vector<16xf32>,
        %add3A_630 = arith.constant 4 : i32
        %add3A_631 = vector.broadcast %add3A_630 : i32 to vector<16xi32>
        %add3A_632 = arith.addi %mul3A_398, %add3A_631 : vector<16xi32>
        %gather3A_633 = tpu.vector_load_idx %arg14[%add3A_632, %broadcast_in_dim3A_589] : memref<1280x64xf32, #tpu.memory_space<vmem>>[vector<16xi32>, vector<16xi32>], vector<16xf32>,
        %mul3A_634 = arith.mulf %gather3A_633, %gather3A : vector<16xf32>
        %swap3A_635 = arith.constant 4 : i32
        %swap3A_636 = arith.index_cast %swap3A_635 : i32 to index
        %swap3A_637 = arith.index_cast %add3A_389 : i32 to index
        %swap3A_638 = tpu.vector_load %arg16[%swap3A_636, %swap3A_637] {strides = array<i32>} : memref<20x512xf32, #tpu.memory_space<vmem>>, vector<16xf32>,
        tpu.vector_store %arg16[%swap3A_636, %swap3A_637], %mul3A_634 {add = true, strides = array<i32>} : memref<20x512xf32, #tpu.memory_space<vmem>>, vector<16xf32>,
        %add3A_639 = arith.constant 5 : i32
        %add3A_640 = vector.broadcast %add3A_639 : i32 to vector<16xi32>
        %add3A_641 = arith.addi %mul3A_398, %add3A_640 : vector<16xi32>
        %gather3A_642 = tpu.vector_load_idx %arg14[%add3A_641, %broadcast_in_dim3A_589] : memref<1280x64xf32, #tpu.memory_space<vmem>>[vector<16xi32>, vector<16xi32>], vector<16xf32>,
        %mul3A_643 = arith.mulf %gather3A_642, %gather3A : vector<16xf32>
        %swap3A_644 = arith.constant 5 : i32
        %swap3A_645 = arith.index_cast %swap3A_644 : i32 to index
        %swap3A_646 = arith.index_cast %add3A_389 : i32 to index
        %swap3A_647 = tpu.vector_load %arg16[%swap3A_645, %swap3A_646] {strides = array<i32>} : memref<20x512xf32, #tpu.memory_space<vmem>>, vector<16xf32>,
        tpu.vector_store %arg16[%swap3A_645, %swap3A_646], %mul3A_643 {add = true, strides = array<i32>} : memref<20x512xf32, #tpu.memory_space<vmem>>, vector<16xf32>,
        %add3A_648 = arith.constant 6 : i32
        %add3A_649 = vector.broadcast %add3A_648 : i32 to vector<16xi32>
        %add3A_650 = arith.addi %mul3A_398, %add3A_649 : vector<16xi32>
        %gather3A_651 = tpu.vector_load_idx %arg14[%add3A_650, %broadcast_in_dim3A_589] : memref<1280x64xf32, #tpu.memory_space<vmem>>[vector<16xi32>, vector<16xi32>], vector<16xf32>,
        %mul3A_652 = arith.mulf %gather3A_651, %gather3A : vector<16xf32>
        %swap3A_653 = arith.constant 6 : i32
        %swap3A_654 = arith.index_cast %swap3A_653 : i32 to index
        %swap3A_655 = arith.index_cast %add3A_389 : i32 to index
        %swap3A_656 = tpu.vector_load %arg16[%swap3A_654, %swap3A_655] {strides = array<i32>} : memref<20x512xf32, #tpu.memory_space<vmem>>, vector<16xf32>,
        tpu.vector_store %arg16[%swap3A_654, %swap3A_655], %mul3A_652 {add = true, strides = array<i32>} : memref<20x512xf32, #tpu.memory_space<vmem>>, vector<16xf32>,
        %add3A_657 = arith.constant 7 : i32
        %add3A_658 = vector.broadcast %add3A_657 : i32 to vector<16xi32>
        %add3A_659 = arith.addi %mul3A_398, %add3A_658 : vector<16xi32>
        %gather3A_660 = tpu.vector_load_idx %arg14[%add3A_659, %broadcast_in_dim3A_589] : memref<1280x64xf32, #tpu.memory_space<vmem>>[vector<16xi32>, vector<16xi32>], vector<16xf32>,
        %mul3A_661 = arith.mulf %gather3A_660, %gather3A : vector<16xf32>
        %swap3A_662 = arith.constant 7 : i32
        %swap3A_663 = arith.index_cast %swap3A_662 : i32 to index
        %swap3A_664 = arith.index_cast %add3A_389 : i32 to index
        %swap3A_665 = tpu.vector_load %arg16[%swap3A_663, %swap3A_664] {strides = array<i32>} : memref<20x512xf32, #tpu.memory_space<vmem>>, vector<16xf32>,
        tpu.vector_store %arg16[%swap3A_663, %swap3A_664], %mul3A_661 {add = true, strides = array<i32>} : memref<20x512xf32, #tpu.memory_space<vmem>>, vector<16xf32>,
        %add3A_666 = arith.constant 8 : i32
        %add3A_667 = vector.broadcast %add3A_666 : i32 to vector<16xi32>
        %add3A_668 = arith.addi %mul3A_398, %add3A_667 : vector<16xi32>
        %gather3A_669 = tpu.vector_load_idx %arg14[%add3A_668, %broadcast_in_dim3A_589] : memref<1280x64xf32, #tpu.memory_space<vmem>>[vector<16xi32>, vector<16xi32>], vector<16xf32>,
        %mul3A_670 = arith.mulf %gather3A_669, %gather3A : vector<16xf32>
        %swap3A_671 = arith.constant 8 : i32
        %swap3A_672 = arith.index_cast %swap3A_671 : i32 to index
        %swap3A_673 = arith.index_cast %add3A_389 : i32 to index
        %swap3A_674 = tpu.vector_load %arg16[%swap3A_672, %swap3A_673] {strides = array<i32>} : memref<20x512xf32, #tpu.memory_space<vmem>>, vector<16xf32>,
        tpu.vector_store %arg16[%swap3A_672, %swap3A_673], %mul3A_670 {add = true, strides = array<i32>} : memref<20x512xf32, #tpu.memory_space<vmem>>, vector<16xf32>,
        %add3A_675 = arith.constant 9 : i32
        %add3A_676 = vector.broadcast %add3A_675 : i32 to vector<16xi32>
        %add3A_677 = arith.addi %mul3A_398, %add3A_676 : vector<16xi32>
        %gather3A_678 = tpu.vector_load_idx %arg14[%add3A_677, %broadcast_in_dim3A_589] : memref<1280x64xf32, #tpu.memory_space<vmem>>[vector<16xi32>, vector<16xi32>], vector<16xf32>,
        %mul3A_679 = arith.mulf %gather3A_678, %gather3A : vector<16xf32>
        %swap3A_680 = arith.constant 9 : i32
        %swap3A_681 = arith.index_cast %swap3A_680 : i32 to index
        %swap3A_682 = arith.index_cast %add3A_389 : i32 to index
        %swap3A_683 = tpu.vector_load %arg16[%swap3A_681, %swap3A_682] {strides = array<i32>} : memref<20x512xf32, #tpu.memory_space<vmem>>, vector<16xf32>,
        tpu.vector_store %arg16[%swap3A_681, %swap3A_682], %mul3A_679 {add = true, strides = array<i32>} : memref<20x512xf32, #tpu.memory_space<vmem>>, vector<16xf32>,
        %add3A_684 = arith.constant 10 : i32
        %add3A_685 = vector.broadcast %add3A_684 : i32 to vector<16xi32>
        %add3A_686 = arith.addi %mul3A_398, %add3A_685 : vector<16xi32>
        %gather3A_687 = tpu.vector_load_idx %arg14[%add3A_686, %broadcast_in_dim3A_589] : memref<1280x64xf32, #tpu.memory_space<vmem>>[vector<16xi32>, vector<16xi32>], vector<16xf32>,
        %mul3A_688 = arith.mulf %gather3A_687, %gather3A : vector<16xf32>
        %swap3A_689 = arith.constant 10 : i32
        %swap3A_690 = arith.index_cast %swap3A_689 : i32 to index
        %swap3A_691 = arith.index_cast %add3A_389 : i32 to index
        %swap3A_692 = tpu.vector_load %arg16[%swap3A_690, %swap3A_691] {strides = array<i32>} : memref<20x512xf32, #tpu.memory_space<vmem>>, vector<16xf32>,
        tpu.vector_store %arg16[%swap3A_690, %swap3A_691], %mul3A_688 {add = true, strides = array<i32>} : memref<20x512xf32, #tpu.memory_space<vmem>>, vector<16xf32>,
        %add3A_693 = arith.constant 11 : i32
        %add3A_694 = vector.broadcast %add3A_693 : i32 to vector<16xi32>
        %add3A_695 = arith.addi %mul3A_398, %add3A_694 : vector<16xi32>
        %gather3A_696 = tpu.vector_load_idx %arg14[%add3A_695, %broadcast_in_dim3A_589] : memref<1280x64xf32, #tpu.memory_space<vmem>>[vector<16xi32>, vector<16xi32>], vector<16xf32>,
        %mul3A_697 = arith.mulf %gather3A_696, %gather3A : vector<16xf32>
        %swap3A_698 = arith.constant 11 : i32
        %swap3A_699 = arith.index_cast %swap3A_698 : i32 to index
        %swap3A_700 = arith.index_cast %add3A_389 : i32 to index
        %swap3A_701 = tpu.vector_load %arg16[%swap3A_699, %swap3A_700] {strides = array<i32>} : memref<20x512xf32, #tpu.memory_space<vmem>>, vector<16xf32>,
        tpu.vector_store %arg16[%swap3A_699, %swap3A_700], %mul3A_697 {add = true, strides = array<i32>} : memref<20x512xf32, #tpu.memory_space<vmem>>, vector<16xf32>,
        %add3A_702 = arith.constant 12 : i32
        %add3A_703 = vector.broadcast %add3A_702 : i32 to vector<16xi32>
        %add3A_704 = arith.addi %mul3A_398, %add3A_703 : vector<16xi32>
        %gather3A_705 = tpu.vector_load_idx %arg14[%add3A_704, %broadcast_in_dim3A_589] : memref<1280x64xf32, #tpu.memory_space<vmem>>[vector<16xi32>, vector<16xi32>], vector<16xf32>,
        %mul3A_706 = arith.mulf %gather3A_705, %gather3A : vector<16xf32>
        %swap3A_707 = arith.constant 12 : i32
        %swap3A_708 = arith.index_cast %swap3A_707 : i32 to index
        %swap3A_709 = arith.index_cast %add3A_389 : i32 to index
        %swap3A_710 = tpu.vector_load %arg16[%swap3A_708, %swap3A_709] {strides = array<i32>} : memref<20x512xf32, #tpu.memory_space<vmem>>, vector<16xf32>,
        tpu.vector_store %arg16[%swap3A_708, %swap3A_709], %mul3A_706 {add = true, strides = array<i32>} : memref<20x512xf32, #tpu.memory_space<vmem>>, vector<16xf32>,
        %add3A_711 = arith.constant 13 : i32
        %add3A_712 = vector.broadcast %add3A_711 : i32 to vector<16xi32>
        %add3A_713 = arith.addi %mul3A_398, %add3A_712 : vector<16xi32>
        %gather3A_714 = tpu.vector_load_idx %arg14[%add3A_713, %broadcast_in_dim3A_589] : memref<1280x64xf32, #tpu.memory_space<vmem>>[vector<16xi32>, vector<16xi32>], vector<16xf32>,
        %mul3A_715 = arith.mulf %gather3A_714, %gather3A : vector<16xf32>
        %swap3A_716 = arith.constant 13 : i32
        %swap3A_717 = arith.index_cast %swap3A_716 : i32 to index
        %swap3A_718 = arith.index_cast %add3A_389 : i32 to index
        %swap3A_719 = tpu.vector_load %arg16[%swap3A_717, %swap3A_718] {strides = array<i32>} : memref<20x512xf32, #tpu.memory_space<vmem>>, vector<16xf32>,
        tpu.vector_store %arg16[%swap3A_717, %swap3A_718], %mul3A_715 {add = true, strides = array<i32>} : memref<20x512xf32, #tpu.memory_space<vmem>>, vector<16xf32>,
        %add3A_720 = arith.constant 14 : i32
        %add3A_721 = vector.broadcast %add3A_720 : i32 to vector<16xi32>
        %add3A_722 = arith.addi %mul3A_398, %add3A_721 : vector<16xi32>
        %gather3A_723 = tpu.vector_load_idx %arg14[%add3A_722, %broadcast_in_dim3A_589] : memref<1280x64xf32, #tpu.memory_space<vmem>>[vector<16xi32>, vector<16xi32>], vector<16xf32>,
        %mul3A_724 = arith.mulf %gather3A_723, %gather3A : vector<16xf32>
        %swap3A_725 = arith.constant 14 : i32
        %swap3A_726 = arith.index_cast %swap3A_725 : i32 to index
        %swap3A_727 = arith.index_cast %add3A_389 : i32 to index
        %swap3A_728 = tpu.vector_load %arg16[%swap3A_726, %swap3A_727] {strides = array<i32>} : memref<20x512xf32, #tpu.memory_space<vmem>>, vector<16xf32>,
        tpu.vector_store %arg16[%swap3A_726, %swap3A_727], %mul3A_724 {add = true, strides = array<i32>} : memref<20x512xf32, #tpu.memory_space<vmem>>, vector<16xf32>,
        %add3A_729 = arith.constant 15 : i32
        %add3A_730 = vector.broadcast %add3A_729 : i32 to vector<16xi32>
        %add3A_731 = arith.addi %mul3A_398, %add3A_730 : vector<16xi32>
        %gather3A_732 = tpu.vector_load_idx %arg14[%add3A_731, %broadcast_in_dim3A_589] : memref<1280x64xf32, #tpu.memory_space<vmem>>[vector<16xi32>, vector<16xi32>], vector<16xf32>,
        %mul3A_733 = arith.mulf %gather3A_732, %gather3A : vector<16xf32>
        %swap3A_734 = arith.constant 15 : i32
        %swap3A_735 = arith.index_cast %swap3A_734 : i32 to index
        %swap3A_736 = arith.index_cast %add3A_389 : i32 to index
        %swap3A_737 = tpu.vector_load %arg16[%swap3A_735, %swap3A_736] {strides = array<i32>} : memref<20x512xf32, #tpu.memory_space<vmem>>, vector<16xf32>,
        tpu.vector_store %arg16[%swap3A_735, %swap3A_736], %mul3A_733 {add = true, strides = array<i32>} : memref<20x512xf32, #tpu.memory_space<vmem>>, vector<16xf32>,
        %add3A_738 = arith.constant 16 : i32
        %add3A_739 = vector.broadcast %add3A_738 : i32 to vector<16xi32>
        %add3A_740 = arith.addi %mul3A_398, %add3A_739 : vector<16xi32>
        %gather3A_741 = tpu.vector_load_idx %arg14[%add3A_740, %broadcast_in_dim3A_589] : memref<1280x64xf32, #tpu.memory_space<vmem>>[vector<16xi32>, vector<16xi32>], vector<16xf32>,
        %mul3A_742 = arith.mulf %gather3A_741, %gather3A : vector<16xf32>
        %swap3A_743 = arith.constant 16 : i32
        %swap3A_744 = arith.index_cast %swap3A_743 : i32 to index
        %swap3A_745 = arith.index_cast %add3A_389 : i32 to index
        %swap3A_746 = tpu.vector_load %arg16[%swap3A_744, %swap3A_745] {strides = array<i32>} : memref<20x512xf32, #tpu.memory_space<vmem>>, vector<16xf32>,
        tpu.vector_store %arg16[%swap3A_744, %swap3A_745], %mul3A_742 {add = true, strides = array<i32>} : memref<20x512xf32, #tpu.memory_space<vmem>>, vector<16xf32>,
        %add3A_747 = arith.constant 17 : i32
        %add3A_748 = vector.broadcast %add3A_747 : i32 to vector<16xi32>
        %add3A_749 = arith.addi %mul3A_398, %add3A_748 : vector<16xi32>
        %gather3A_750 = tpu.vector_load_idx %arg14[%add3A_749, %broadcast_in_dim3A_589] : memref<1280x64xf32, #tpu.memory_space<vmem>>[vector<16xi32>, vector<16xi32>], vector<16xf32>,
        %mul3A_751 = arith.mulf %gather3A_750, %gather3A : vector<16xf32>
        %swap3A_752 = arith.constant 17 : i32
        %swap3A_753 = arith.index_cast %swap3A_752 : i32 to index
        %swap3A_754 = arith.index_cast %add3A_389 : i32 to index
        %swap3A_755 = tpu.vector_load %arg16[%swap3A_753, %swap3A_754] {strides = array<i32>} : memref<20x512xf32, #tpu.memory_space<vmem>>, vector<16xf32>,
        tpu.vector_store %arg16[%swap3A_753, %swap3A_754], %mul3A_751 {add = true, strides = array<i32>} : memref<20x512xf32, #tpu.memory_space<vmem>>, vector<16xf32>,
        %add3A_756 = arith.constant 18 : i32
        %add3A_757 = vector.broadcast %add3A_756 : i32 to vector<16xi32>
        %add3A_758 = arith.addi %mul3A_398, %add3A_757 : vector<16xi32>
        %gather3A_759 = tpu.vector_load_idx %arg14[%add3A_758, %broadcast_in_dim3A_589] : memref<1280x64xf32, #tpu.memory_space<vmem>>[vector<16xi32>, vector<16xi32>], vector<16xf32>,
        %mul3A_760 = arith.mulf %gather3A_759, %gather3A : vector<16xf32>
        %swap3A_761 = arith.constant 18 : i32
        %swap3A_762 = arith.index_cast %swap3A_761 : i32 to index
        %swap3A_763 = arith.index_cast %add3A_389 : i32 to index
        %swap3A_764 = tpu.vector_load %arg16[%swap3A_762, %swap3A_763] {strides = array<i32>} : memref<20x512xf32, #tpu.memory_space<vmem>>, vector<16xf32>,
        tpu.vector_store %arg16[%swap3A_762, %swap3A_763], %mul3A_760 {add = true, strides = array<i32>} : memref<20x512xf32, #tpu.memory_space<vmem>>, vector<16xf32>,
        %add3A_765 = arith.constant 19 : i32
        %add3A_766 = vector.broadcast %add3A_765 : i32 to vector<16xi32>
        %add3A_767 = arith.addi %mul3A_398, %add3A_766 : vector<16xi32>
        %gather3A_768 = tpu.vector_load_idx %arg14[%add3A_767, %broadcast_in_dim3A_589] : memref<1280x64xf32, #tpu.memory_space<vmem>>[vector<16xi32>, vector<16xi32>], vector<16xf32>,
        %mul3A_769 = arith.mulf %gather3A_768, %gather3A : vector<16xf32>
        %swap3A_770 = arith.constant 19 : i32
        %swap3A_771 = arith.index_cast %swap3A_770 : i32 to index
        %swap3A_772 = arith.index_cast %add3A_389 : i32 to index
        %swap3A_773 = tpu.vector_load %arg16[%swap3A_771, %swap3A_772] {strides = array<i32>} : memref<20x512xf32, #tpu.memory_space<vmem>>, vector<16xf32>,
        tpu.vector_store %arg16[%swap3A_771, %swap3A_772], %mul3A_769 {add = true, strides = array<i32>} : memref<20x512xf32, #tpu.memory_space<vmem>>, vector<16xf32>,
      }
      %scan3A_486 = arith.constant 64 : i32
      %mul3A_487 = arith.constant 64 : i32
      %mul3A_488 = arith.muli %scan3A_9, %mul3A_487 : i32
      %add3A_489 = arith.constant 48 : i32
      %add3A_490 = arith.addi %mul3A_488, %add3A_489 : i32
      %add3A_491 = arith.constant 48 : i32
      %add3A_492 = vector.broadcast %add3A_491 : i32 to vector<16xi32>
      %add3A_493 = arith.addi %iota3A, %add3A_492 : vector<16xi32>
      %add3A_494 = arith.constant 48 : i32
      %add3A_495 = vector.broadcast %add3A_494 : i32 to vector<16xi32>
      %add3A_496 = arith.addi %iota3A, %add3A_495 : vector<16xi32>
      %mul3A_497 = arith.constant 20 : i32
      %mul3A_498 = vector.broadcast %mul3A_497 : i32 to vector<16xi32>
      %mul3A_499 = arith.muli %add3A_496, %mul3A_498 : vector<16xi32>
      %swap3A_500 = arith.index_cast %add3A_490 : i32 to index
      %swap3A_501 = tpu.vector_load %arg15[%swap3A_500] {strides = array<i32>} : memref<512xf32, #tpu.memory_space<vmem>>, vector<16xf32>,
      tpu.vector_store %arg15[%swap3A_500], %broadcast_in_dim3A_3 {strides = array<i32>} : memref<512xf32, #tpu.memory_space<vmem>>, vector<16xf32>,
      %swap3A_502 = arith.constant 0 : i32
      %swap3A_503 = arith.index_cast %swap3A_502 : i32 to index
      %swap3A_504 = arith.index_cast %add3A_490 : i32 to index
      %swap3A_505 = tpu.vector_load %arg16[%swap3A_503, %swap3A_504] {strides = array<i32>} : memref<20x512xf32, #tpu.memory_space<vmem>>, vector<16xf32>,
      tpu.vector_store %arg16[%swap3A_503, %swap3A_504], %broadcast_in_dim3A_3 {strides = array<i32>} : memref<20x512xf32, #tpu.memory_space<vmem>>, vector<16xf32>,
      %swap3A_506 = arith.constant 1 : i32
      %swap3A_507 = arith.index_cast %swap3A_506 : i32 to index
      %swap3A_508 = arith.index_cast %add3A_490 : i32 to index
      %swap3A_509 = tpu.vector_load %arg16[%swap3A_507, %swap3A_508] {strides = array<i32>} : memref<20x512xf32, #tpu.memory_space<vmem>>, vector<16xf32>,
      tpu.vector_store %arg16[%swap3A_507, %swap3A_508], %broadcast_in_dim3A_3 {strides = array<i32>} : memref<20x512xf32, #tpu.memory_space<vmem>>, vector<16xf32>,
      %swap3A_510 = arith.constant 2 : i32
      %swap3A_511 = arith.index_cast %swap3A_510 : i32 to index
      %swap3A_512 = arith.index_cast %add3A_490 : i32 to index
      %swap3A_513 = tpu.vector_load %arg16[%swap3A_511, %swap3A_512] {strides = array<i32>} : memref<20x512xf32, #tpu.memory_space<vmem>>, vector<16xf32>,
      tpu.vector_store %arg16[%swap3A_511, %swap3A_512], %broadcast_in_dim3A_3 {strides = array<i32>} : memref<20x512xf32, #tpu.memory_space<vmem>>, vector<16xf32>,
      %swap3A_514 = arith.constant 3 : i32
      %swap3A_515 = arith.index_cast %swap3A_514 : i32 to index
      %swap3A_516 = arith.index_cast %add3A_490 : i32 to index
      %swap3A_517 = tpu.vector_load %arg16[%swap3A_515, %swap3A_516] {strides = array<i32>} : memref<20x512xf32, #tpu.memory_space<vmem>>, vector<16xf32>,
      tpu.vector_store %arg16[%swap3A_515, %swap3A_516], %broadcast_in_dim3A_3 {strides = array<i32>} : memref<20x512xf32, #tpu.memory_space<vmem>>, vector<16xf32>,
      %swap3A_518 = arith.constant 4 : i32
      %swap3A_519 = arith.index_cast %swap3A_518 : i32 to index
      %swap3A_520 = arith.index_cast %add3A_490 : i32 to index
      %swap3A_521 = tpu.vector_load %arg16[%swap3A_519, %swap3A_520] {strides = array<i32>} : memref<20x512xf32, #tpu.memory_space<vmem>>, vector<16xf32>,
      tpu.vector_store %arg16[%swap3A_519, %swap3A_520], %broadcast_in_dim3A_3 {strides = array<i32>} : memref<20x512xf32, #tpu.memory_space<vmem>>, vector<16xf32>,
      %swap3A_522 = arith.constant 5 : i32
      %swap3A_523 = arith.index_cast %swap3A_522 : i32 to index
      %swap3A_524 = arith.index_cast %add3A_490 : i32 to index
      %swap3A_525 = tpu.vector_load %arg16[%swap3A_523, %swap3A_524] {strides = array<i32>} : memref<20x512xf32, #tpu.memory_space<vmem>>, vector<16xf32>,
      tpu.vector_store %arg16[%swap3A_523, %swap3A_524], %broadcast_in_dim3A_3 {strides = array<i32>} : memref<20x512xf32, #tpu.memory_space<vmem>>, vector<16xf32>,
      %swap3A_526 = arith.constant 6 : i32
      %swap3A_527 = arith.index_cast %swap3A_526 : i32 to index
      %swap3A_528 = arith.index_cast %add3A_490 : i32 to index
      %swap3A_529 = tpu.vector_load %arg16[%swap3A_527, %swap3A_528] {strides = array<i32>} : memref<20x512xf32, #tpu.memory_space<vmem>>, vector<16xf32>,
      tpu.vector_store %arg16[%swap3A_527, %swap3A_528], %broadcast_in_dim3A_3 {strides = array<i32>} : memref<20x512xf32, #tpu.memory_space<vmem>>, vector<16xf32>,
      %swap3A_530 = arith.constant 7 : i32
      %swap3A_531 = arith.index_cast %swap3A_530 : i32 to index
      %swap3A_532 = arith.index_cast %add3A_490 : i32 to index
      %swap3A_533 = tpu.vector_load %arg16[%swap3A_531, %swap3A_532] {strides = array<i32>} : memref<20x512xf32, #tpu.memory_space<vmem>>, vector<16xf32>,
      tpu.vector_store %arg16[%swap3A_531, %swap3A_532], %broadcast_in_dim3A_3 {strides = array<i32>} : memref<20x512xf32, #tpu.memory_space<vmem>>, vector<16xf32>,
      %swap3A_534 = arith.constant 8 : i32
      %swap3A_535 = arith.index_cast %swap3A_534 : i32 to index
      %swap3A_536 = arith.index_cast %add3A_490 : i32 to index
      %swap3A_537 = tpu.vector_load %arg16[%swap3A_535, %swap3A_536] {strides = array<i32>} : memref<20x512xf32, #tpu.memory_space<vmem>>, vector<16xf32>,
      tpu.vector_store %arg16[%swap3A_535, %swap3A_536], %broadcast_in_dim3A_3 {strides = array<i32>} : memref<20x512xf32, #tpu.memory_space<vmem>>, vector<16xf32>,
      %swap3A_538 = arith.constant 9 : i32
      %swap3A_539 = arith.index_cast %swap3A_538 : i32 to index
      %swap3A_540 = arith.index_cast %add3A_490 : i32 to index
      %swap3A_541 = tpu.vector_load %arg16[%swap3A_539, %swap3A_540] {strides = array<i32>} : memref<20x512xf32, #tpu.memory_space<vmem>>, vector<16xf32>,
      tpu.vector_store %arg16[%swap3A_539, %swap3A_540], %broadcast_in_dim3A_3 {strides = array<i32>} : memref<20x512xf32, #tpu.memory_space<vmem>>, vector<16xf32>,
      %swap3A_542 = arith.constant 10 : i32
      %swap3A_543 = arith.index_cast %swap3A_542 : i32 to index
      %swap3A_544 = arith.index_cast %add3A_490 : i32 to index
      %swap3A_545 = tpu.vector_load %arg16[%swap3A_543, %swap3A_544] {strides = array<i32>} : memref<20x512xf32, #tpu.memory_space<vmem>>, vector<16xf32>,
      tpu.vector_store %arg16[%swap3A_543, %swap3A_544], %broadcast_in_dim3A_3 {strides = array<i32>} : memref<20x512xf32, #tpu.memory_space<vmem>>, vector<16xf32>,
      %swap3A_546 = arith.constant 11 : i32
      %swap3A_547 = arith.index_cast %swap3A_546 : i32 to index
      %swap3A_548 = arith.index_cast %add3A_490 : i32 to index
      %swap3A_549 = tpu.vector_load %arg16[%swap3A_547, %swap3A_548] {strides = array<i32>} : memref<20x512xf32, #tpu.memory_space<vmem>>, vector<16xf32>,
      tpu.vector_store %arg16[%swap3A_547, %swap3A_548], %broadcast_in_dim3A_3 {strides = array<i32>} : memref<20x512xf32, #tpu.memory_space<vmem>>, vector<16xf32>,
      %swap3A_550 = arith.constant 12 : i32
      %swap3A_551 = arith.index_cast %swap3A_550 : i32 to index
      %swap3A_552 = arith.index_cast %add3A_490 : i32 to index
      %swap3A_553 = tpu.vector_load %arg16[%swap3A_551, %swap3A_552] {strides = array<i32>} : memref<20x512xf32, #tpu.memory_space<vmem>>, vector<16xf32>,
      tpu.vector_store %arg16[%swap3A_551, %swap3A_552], %broadcast_in_dim3A_3 {strides = array<i32>} : memref<20x512xf32, #tpu.memory_space<vmem>>, vector<16xf32>,
      %swap3A_554 = arith.constant 13 : i32
      %swap3A_555 = arith.index_cast %swap3A_554 : i32 to index
      %swap3A_556 = arith.index_cast %add3A_490 : i32 to index
      %swap3A_557 = tpu.vector_load %arg16[%swap3A_555, %swap3A_556] {strides = array<i32>} : memref<20x512xf32, #tpu.memory_space<vmem>>, vector<16xf32>,
      tpu.vector_store %arg16[%swap3A_555, %swap3A_556], %broadcast_in_dim3A_3 {strides = array<i32>} : memref<20x512xf32, #tpu.memory_space<vmem>>, vector<16xf32>,
      %swap3A_558 = arith.constant 14 : i32
      %swap3A_559 = arith.index_cast %swap3A_558 : i32 to index
      %swap3A_560 = arith.index_cast %add3A_490 : i32 to index
      %swap3A_561 = tpu.vector_load %arg16[%swap3A_559, %swap3A_560] {strides = array<i32>} : memref<20x512xf32, #tpu.memory_space<vmem>>, vector<16xf32>,
      tpu.vector_store %arg16[%swap3A_559, %swap3A_560], %broadcast_in_dim3A_3 {strides = array<i32>} : memref<20x512xf32, #tpu.memory_space<vmem>>, vector<16xf32>,
      %swap3A_562 = arith.constant 15 : i32
      %swap3A_563 = arith.index_cast %swap3A_562 : i32 to index
      %swap3A_564 = arith.index_cast %add3A_490 : i32 to index
      %swap3A_565 = tpu.vector_load %arg16[%swap3A_563, %swap3A_564] {strides = array<i32>} : memref<20x512xf32, #tpu.memory_space<vmem>>, vector<16xf32>,
      tpu.vector_store %arg16[%swap3A_563, %swap3A_564], %broadcast_in_dim3A_3 {strides = array<i32>} : memref<20x512xf32, #tpu.memory_space<vmem>>, vector<16xf32>,
      %swap3A_566 = arith.constant 16 : i32
      %swap3A_567 = arith.index_cast %swap3A_566 : i32 to index
      %swap3A_568 = arith.index_cast %add3A_490 : i32 to index
      %swap3A_569 = tpu.vector_load %arg16[%swap3A_567, %swap3A_568] {strides = array<i32>} : memref<20x512xf32, #tpu.memory_space<vmem>>, vector<16xf32>,
      tpu.vector_store %arg16[%swap3A_567, %swap3A_568], %broadcast_in_dim3A_3 {strides = array<i32>} : memref<20x512xf32, #tpu.memory_space<vmem>>, vector<16xf32>,
      %swap3A_570 = arith.constant 17 : i32
      %swap3A_571 = arith.index_cast %swap3A_570 : i32 to index
      %swap3A_572 = arith.index_cast %add3A_490 : i32 to index
      %swap3A_573 = tpu.vector_load %arg16[%swap3A_571, %swap3A_572] {strides = array<i32>} : memref<20x512xf32, #tpu.memory_space<vmem>>, vector<16xf32>,
      tpu.vector_store %arg16[%swap3A_571, %swap3A_572], %broadcast_in_dim3A_3 {strides = array<i32>} : memref<20x512xf32, #tpu.memory_space<vmem>>, vector<16xf32>,
      %swap3A_574 = arith.constant 18 : i32
      %swap3A_575 = arith.index_cast %swap3A_574 : i32 to index
      %swap3A_576 = arith.index_cast %add3A_490 : i32 to index
      %swap3A_577 = tpu.vector_load %arg16[%swap3A_575, %swap3A_576] {strides = array<i32>} : memref<20x512xf32, #tpu.memory_space<vmem>>, vector<16xf32>,
      tpu.vector_store %arg16[%swap3A_575, %swap3A_576], %broadcast_in_dim3A_3 {strides = array<i32>} : memref<20x512xf32, #tpu.memory_space<vmem>>, vector<16xf32>,
      %swap3A_578 = arith.constant 19 : i32
      %swap3A_579 = arith.index_cast %swap3A_578 : i32 to index
      %swap3A_580 = arith.index_cast %add3A_490 : i32 to index
      %swap3A_581 = tpu.vector_load %arg16[%swap3A_579, %swap3A_580] {strides = array<i32>} : memref<20x512xf32, #tpu.memory_space<vmem>>, vector<16xf32>,
      tpu.vector_store %arg16[%swap3A_579, %swap3A_580], %broadcast_in_dim3A_3 {strides = array<i32>} : memref<20x512xf32, #tpu.memory_space<vmem>>, vector<16xf32>,
      %scan3A_582 = arith.constant 0 : i32
      %scan3A_583 = arith.constant 0 : i32
      %scan3A_584 = arith.constant 64 : i32
      %scan3A_585 = arith.addi %scan3A_583, %scan3A_584 : i32
      %scan3A_586 = arith.constant 1 : i32
      scf.for %scan3A_588 = %scan3A_583 to %scan3A_585 step %scan3A_586  : i32 {
        %broadcast_in_dim3A_589 = vector.broadcast %scan3A_588 : i32 to vector<16xi32>
        %gather3A = tpu.vector_load_idx %arg12[%add3A_493, %broadcast_in_dim3A_589] : memref<64x64xf32, #tpu.memory_space<vmem>>[vector<16xi32>, vector<16xi32>], vector<16xf32>,
        %gather3A_590 = tpu.vector_load_idx %arg13[%add3A_493, %broadcast_in_dim3A_589] : memref<64x64xf32, #tpu.memory_space<vmem>>[vector<16xi32>, vector<16xi32>], vector<16xf32>,
        %mul3A_591 = arith.mulf %gather3A, %gather3A_590 : vector<16xf32>
        %swap3A_592 = arith.index_cast %add3A_490 : i32 to index
        %swap3A_593 = tpu.vector_load %arg15[%swap3A_592] {strides = array<i32>} : memref<512xf32, #tpu.memory_space<vmem>>, vector<16xf32>,
        tpu.vector_store %arg15[%swap3A_592], %mul3A_591 {add = true, strides = array<i32>} : memref<512xf32, #tpu.memory_space<vmem>>, vector<16xf32>,
        %add3A_594 = arith.constant 0 : i32
        %add3A_595 = vector.broadcast %add3A_594 : i32 to vector<16xi32>
        %add3A_596 = arith.addi %mul3A_499, %add3A_595 : vector<16xi32>
        %gather3A_597 = tpu.vector_load_idx %arg14[%add3A_596, %broadcast_in_dim3A_589] : memref<1280x64xf32, #tpu.memory_space<vmem>>[vector<16xi32>, vector<16xi32>], vector<16xf32>,
        %mul3A_598 = arith.mulf %gather3A_597, %gather3A : vector<16xf32>
        %swap3A_599 = arith.constant 0 : i32
        %swap3A_600 = arith.index_cast %swap3A_599 : i32 to index
        %swap3A_601 = arith.index_cast %add3A_490 : i32 to index
        %swap3A_602 = tpu.vector_load %arg16[%swap3A_600, %swap3A_601] {strides = array<i32>} : memref<20x512xf32, #tpu.memory_space<vmem>>, vector<16xf32>,
        tpu.vector_store %arg16[%swap3A_600, %swap3A_601], %mul3A_598 {add = true, strides = array<i32>} : memref<20x512xf32, #tpu.memory_space<vmem>>, vector<16xf32>,
        %add3A_603 = arith.constant 1 : i32
        %add3A_604 = vector.broadcast %add3A_603 : i32 to vector<16xi32>
        %add3A_605 = arith.addi %mul3A_499, %add3A_604 : vector<16xi32>
        %gather3A_606 = tpu.vector_load_idx %arg14[%add3A_605, %broadcast_in_dim3A_589] : memref<1280x64xf32, #tpu.memory_space<vmem>>[vector<16xi32>, vector<16xi32>], vector<16xf32>,
        %mul3A_607 = arith.mulf %gather3A_606, %gather3A : vector<16xf32>
        %swap3A_608 = arith.constant 1 : i32
        %swap3A_609 = arith.index_cast %swap3A_608 : i32 to index
        %swap3A_610 = arith.index_cast %add3A_490 : i32 to index
        %swap3A_611 = tpu.vector_load %arg16[%swap3A_609, %swap3A_610] {strides = array<i32>} : memref<20x512xf32, #tpu.memory_space<vmem>>, vector<16xf32>,
        tpu.vector_store %arg16[%swap3A_609, %swap3A_610], %mul3A_607 {add = true, strides = array<i32>} : memref<20x512xf32, #tpu.memory_space<vmem>>, vector<16xf32>,
        %add3A_612 = arith.constant 2 : i32
        %add3A_613 = vector.broadcast %add3A_612 : i32 to vector<16xi32>
        %add3A_614 = arith.addi %mul3A_499, %add3A_613 : vector<16xi32>
        %gather3A_615 = tpu.vector_load_idx %arg14[%add3A_614, %broadcast_in_dim3A_589] : memref<1280x64xf32, #tpu.memory_space<vmem>>[vector<16xi32>, vector<16xi32>], vector<16xf32>,
        %mul3A_616 = arith.mulf %gather3A_615, %gather3A : vector<16xf32>
        %swap3A_617 = arith.constant 2 : i32
        %swap3A_618 = arith.index_cast %swap3A_617 : i32 to index
        %swap3A_619 = arith.index_cast %add3A_490 : i32 to index
        %swap3A_620 = tpu.vector_load %arg16[%swap3A_618, %swap3A_619] {strides = array<i32>} : memref<20x512xf32, #tpu.memory_space<vmem>>, vector<16xf32>,
        tpu.vector_store %arg16[%swap3A_618, %swap3A_619], %mul3A_616 {add = true, strides = array<i32>} : memref<20x512xf32, #tpu.memory_space<vmem>>, vector<16xf32>,
        %add3A_621 = arith.constant 3 : i32
        %add3A_622 = vector.broadcast %add3A_621 : i32 to vector<16xi32>
        %add3A_623 = arith.addi %mul3A_499, %add3A_622 : vector<16xi32>
        %gather3A_624 = tpu.vector_load_idx %arg14[%add3A_623, %broadcast_in_dim3A_589] : memref<1280x64xf32, #tpu.memory_space<vmem>>[vector<16xi32>, vector<16xi32>], vector<16xf32>,
        %mul3A_625 = arith.mulf %gather3A_624, %gather3A : vector<16xf32>
        %swap3A_626 = arith.constant 3 : i32
        %swap3A_627 = arith.index_cast %swap3A_626 : i32 to index
        %swap3A_628 = arith.index_cast %add3A_490 : i32 to index
        %swap3A_629 = tpu.vector_load %arg16[%swap3A_627, %swap3A_628] {strides = array<i32>} : memref<20x512xf32, #tpu.memory_space<vmem>>, vector<16xf32>,
        tpu.vector_store %arg16[%swap3A_627, %swap3A_628], %mul3A_625 {add = true, strides = array<i32>} : memref<20x512xf32, #tpu.memory_space<vmem>>, vector<16xf32>,
        %add3A_630 = arith.constant 4 : i32
        %add3A_631 = vector.broadcast %add3A_630 : i32 to vector<16xi32>
        %add3A_632 = arith.addi %mul3A_499, %add3A_631 : vector<16xi32>
        %gather3A_633 = tpu.vector_load_idx %arg14[%add3A_632, %broadcast_in_dim3A_589] : memref<1280x64xf32, #tpu.memory_space<vmem>>[vector<16xi32>, vector<16xi32>], vector<16xf32>,
        %mul3A_634 = arith.mulf %gather3A_633, %gather3A : vector<16xf32>
        %swap3A_635 = arith.constant 4 : i32
        %swap3A_636 = arith.index_cast %swap3A_635 : i32 to index
        %swap3A_637 = arith.index_cast %add3A_490 : i32 to index
        %swap3A_638 = tpu.vector_load %arg16[%swap3A_636, %swap3A_637] {strides = array<i32>} : memref<20x512xf32, #tpu.memory_space<vmem>>, vector<16xf32>,
        tpu.vector_store %arg16[%swap3A_636, %swap3A_637], %mul3A_634 {add = true, strides = array<i32>} : memref<20x512xf32, #tpu.memory_space<vmem>>, vector<16xf32>,
        %add3A_639 = arith.constant 5 : i32
        %add3A_640 = vector.broadcast %add3A_639 : i32 to vector<16xi32>
        %add3A_641 = arith.addi %mul3A_499, %add3A_640 : vector<16xi32>
        %gather3A_642 = tpu.vector_load_idx %arg14[%add3A_641, %broadcast_in_dim3A_589] : memref<1280x64xf32, #tpu.memory_space<vmem>>[vector<16xi32>, vector<16xi32>], vector<16xf32>,
        %mul3A_643 = arith.mulf %gather3A_642, %gather3A : vector<16xf32>
        %swap3A_644 = arith.constant 5 : i32
        %swap3A_645 = arith.index_cast %swap3A_644 : i32 to index
        %swap3A_646 = arith.index_cast %add3A_490 : i32 to index
        %swap3A_647 = tpu.vector_load %arg16[%swap3A_645, %swap3A_646] {strides = array<i32>} : memref<20x512xf32, #tpu.memory_space<vmem>>, vector<16xf32>,
        tpu.vector_store %arg16[%swap3A_645, %swap3A_646], %mul3A_643 {add = true, strides = array<i32>} : memref<20x512xf32, #tpu.memory_space<vmem>>, vector<16xf32>,
        %add3A_648 = arith.constant 6 : i32
        %add3A_649 = vector.broadcast %add3A_648 : i32 to vector<16xi32>
        %add3A_650 = arith.addi %mul3A_499, %add3A_649 : vector<16xi32>
        %gather3A_651 = tpu.vector_load_idx %arg14[%add3A_650, %broadcast_in_dim3A_589] : memref<1280x64xf32, #tpu.memory_space<vmem>>[vector<16xi32>, vector<16xi32>], vector<16xf32>,
        %mul3A_652 = arith.mulf %gather3A_651, %gather3A : vector<16xf32>
        %swap3A_653 = arith.constant 6 : i32
        %swap3A_654 = arith.index_cast %swap3A_653 : i32 to index
        %swap3A_655 = arith.index_cast %add3A_490 : i32 to index
        %swap3A_656 = tpu.vector_load %arg16[%swap3A_654, %swap3A_655] {strides = array<i32>} : memref<20x512xf32, #tpu.memory_space<vmem>>, vector<16xf32>,
        tpu.vector_store %arg16[%swap3A_654, %swap3A_655], %mul3A_652 {add = true, strides = array<i32>} : memref<20x512xf32, #tpu.memory_space<vmem>>, vector<16xf32>,
        %add3A_657 = arith.constant 7 : i32
        %add3A_658 = vector.broadcast %add3A_657 : i32 to vector<16xi32>
        %add3A_659 = arith.addi %mul3A_499, %add3A_658 : vector<16xi32>
        %gather3A_660 = tpu.vector_load_idx %arg14[%add3A_659, %broadcast_in_dim3A_589] : memref<1280x64xf32, #tpu.memory_space<vmem>>[vector<16xi32>, vector<16xi32>], vector<16xf32>,
        %mul3A_661 = arith.mulf %gather3A_660, %gather3A : vector<16xf32>
        %swap3A_662 = arith.constant 7 : i32
        %swap3A_663 = arith.index_cast %swap3A_662 : i32 to index
        %swap3A_664 = arith.index_cast %add3A_490 : i32 to index
        %swap3A_665 = tpu.vector_load %arg16[%swap3A_663, %swap3A_664] {strides = array<i32>} : memref<20x512xf32, #tpu.memory_space<vmem>>, vector<16xf32>,
        tpu.vector_store %arg16[%swap3A_663, %swap3A_664], %mul3A_661 {add = true, strides = array<i32>} : memref<20x512xf32, #tpu.memory_space<vmem>>, vector<16xf32>,
        %add3A_666 = arith.constant 8 : i32
        %add3A_667 = vector.broadcast %add3A_666 : i32 to vector<16xi32>
        %add3A_668 = arith.addi %mul3A_499, %add3A_667 : vector<16xi32>
        %gather3A_669 = tpu.vector_load_idx %arg14[%add3A_668, %broadcast_in_dim3A_589] : memref<1280x64xf32, #tpu.memory_space<vmem>>[vector<16xi32>, vector<16xi32>], vector<16xf32>,
        %mul3A_670 = arith.mulf %gather3A_669, %gather3A : vector<16xf32>
        %swap3A_671 = arith.constant 8 : i32
        %swap3A_672 = arith.index_cast %swap3A_671 : i32 to index
        %swap3A_673 = arith.index_cast %add3A_490 : i32 to index
        %swap3A_674 = tpu.vector_load %arg16[%swap3A_672, %swap3A_673] {strides = array<i32>} : memref<20x512xf32, #tpu.memory_space<vmem>>, vector<16xf32>,
        tpu.vector_store %arg16[%swap3A_672, %swap3A_673], %mul3A_670 {add = true, strides = array<i32>} : memref<20x512xf32, #tpu.memory_space<vmem>>, vector<16xf32>,
        %add3A_675 = arith.constant 9 : i32
        %add3A_676 = vector.broadcast %add3A_675 : i32 to vector<16xi32>
        %add3A_677 = arith.addi %mul3A_499, %add3A_676 : vector<16xi32>
        %gather3A_678 = tpu.vector_load_idx %arg14[%add3A_677, %broadcast_in_dim3A_589] : memref<1280x64xf32, #tpu.memory_space<vmem>>[vector<16xi32>, vector<16xi32>], vector<16xf32>,
        %mul3A_679 = arith.mulf %gather3A_678, %gather3A : vector<16xf32>
        %swap3A_680 = arith.constant 9 : i32
        %swap3A_681 = arith.index_cast %swap3A_680 : i32 to index
        %swap3A_682 = arith.index_cast %add3A_490 : i32 to index
        %swap3A_683 = tpu.vector_load %arg16[%swap3A_681, %swap3A_682] {strides = array<i32>} : memref<20x512xf32, #tpu.memory_space<vmem>>, vector<16xf32>,
        tpu.vector_store %arg16[%swap3A_681, %swap3A_682], %mul3A_679 {add = true, strides = array<i32>} : memref<20x512xf32, #tpu.memory_space<vmem>>, vector<16xf32>,
        %add3A_684 = arith.constant 10 : i32
        %add3A_685 = vector.broadcast %add3A_684 : i32 to vector<16xi32>
        %add3A_686 = arith.addi %mul3A_499, %add3A_685 : vector<16xi32>
        %gather3A_687 = tpu.vector_load_idx %arg14[%add3A_686, %broadcast_in_dim3A_589] : memref<1280x64xf32, #tpu.memory_space<vmem>>[vector<16xi32>, vector<16xi32>], vector<16xf32>,
        %mul3A_688 = arith.mulf %gather3A_687, %gather3A : vector<16xf32>
        %swap3A_689 = arith.constant 10 : i32
        %swap3A_690 = arith.index_cast %swap3A_689 : i32 to index
        %swap3A_691 = arith.index_cast %add3A_490 : i32 to index
        %swap3A_692 = tpu.vector_load %arg16[%swap3A_690, %swap3A_691] {strides = array<i32>} : memref<20x512xf32, #tpu.memory_space<vmem>>, vector<16xf32>,
        tpu.vector_store %arg16[%swap3A_690, %swap3A_691], %mul3A_688 {add = true, strides = array<i32>} : memref<20x512xf32, #tpu.memory_space<vmem>>, vector<16xf32>,
        %add3A_693 = arith.constant 11 : i32
        %add3A_694 = vector.broadcast %add3A_693 : i32 to vector<16xi32>
        %add3A_695 = arith.addi %mul3A_499, %add3A_694 : vector<16xi32>
        %gather3A_696 = tpu.vector_load_idx %arg14[%add3A_695, %broadcast_in_dim3A_589] : memref<1280x64xf32, #tpu.memory_space<vmem>>[vector<16xi32>, vector<16xi32>], vector<16xf32>,
        %mul3A_697 = arith.mulf %gather3A_696, %gather3A : vector<16xf32>
        %swap3A_698 = arith.constant 11 : i32
        %swap3A_699 = arith.index_cast %swap3A_698 : i32 to index
        %swap3A_700 = arith.index_cast %add3A_490 : i32 to index
        %swap3A_701 = tpu.vector_load %arg16[%swap3A_699, %swap3A_700] {strides = array<i32>} : memref<20x512xf32, #tpu.memory_space<vmem>>, vector<16xf32>,
        tpu.vector_store %arg16[%swap3A_699, %swap3A_700], %mul3A_697 {add = true, strides = array<i32>} : memref<20x512xf32, #tpu.memory_space<vmem>>, vector<16xf32>,
        %add3A_702 = arith.constant 12 : i32
        %add3A_703 = vector.broadcast %add3A_702 : i32 to vector<16xi32>
        %add3A_704 = arith.addi %mul3A_499, %add3A_703 : vector<16xi32>
        %gather3A_705 = tpu.vector_load_idx %arg14[%add3A_704, %broadcast_in_dim3A_589] : memref<1280x64xf32, #tpu.memory_space<vmem>>[vector<16xi32>, vector<16xi32>], vector<16xf32>,
        %mul3A_706 = arith.mulf %gather3A_705, %gather3A : vector<16xf32>
        %swap3A_707 = arith.constant 12 : i32
        %swap3A_708 = arith.index_cast %swap3A_707 : i32 to index
        %swap3A_709 = arith.index_cast %add3A_490 : i32 to index
        %swap3A_710 = tpu.vector_load %arg16[%swap3A_708, %swap3A_709] {strides = array<i32>} : memref<20x512xf32, #tpu.memory_space<vmem>>, vector<16xf32>,
        tpu.vector_store %arg16[%swap3A_708, %swap3A_709], %mul3A_706 {add = true, strides = array<i32>} : memref<20x512xf32, #tpu.memory_space<vmem>>, vector<16xf32>,
        %add3A_711 = arith.constant 13 : i32
        %add3A_712 = vector.broadcast %add3A_711 : i32 to vector<16xi32>
        %add3A_713 = arith.addi %mul3A_499, %add3A_712 : vector<16xi32>
        %gather3A_714 = tpu.vector_load_idx %arg14[%add3A_713, %broadcast_in_dim3A_589] : memref<1280x64xf32, #tpu.memory_space<vmem>>[vector<16xi32>, vector<16xi32>], vector<16xf32>,
        %mul3A_715 = arith.mulf %gather3A_714, %gather3A : vector<16xf32>
        %swap3A_716 = arith.constant 13 : i32
        %swap3A_717 = arith.index_cast %swap3A_716 : i32 to index
        %swap3A_718 = arith.index_cast %add3A_490 : i32 to index
        %swap3A_719 = tpu.vector_load %arg16[%swap3A_717, %swap3A_718] {strides = array<i32>} : memref<20x512xf32, #tpu.memory_space<vmem>>, vector<16xf32>,
        tpu.vector_store %arg16[%swap3A_717, %swap3A_718], %mul3A_715 {add = true, strides = array<i32>} : memref<20x512xf32, #tpu.memory_space<vmem>>, vector<16xf32>,
        %add3A_720 = arith.constant 14 : i32
        %add3A_721 = vector.broadcast %add3A_720 : i32 to vector<16xi32>
        %add3A_722 = arith.addi %mul3A_499, %add3A_721 : vector<16xi32>
        %gather3A_723 = tpu.vector_load_idx %arg14[%add3A_722, %broadcast_in_dim3A_589] : memref<1280x64xf32, #tpu.memory_space<vmem>>[vector<16xi32>, vector<16xi32>], vector<16xf32>,
        %mul3A_724 = arith.mulf %gather3A_723, %gather3A : vector<16xf32>
        %swap3A_725 = arith.constant 14 : i32
        %swap3A_726 = arith.index_cast %swap3A_725 : i32 to index
        %swap3A_727 = arith.index_cast %add3A_490 : i32 to index
        %swap3A_728 = tpu.vector_load %arg16[%swap3A_726, %swap3A_727] {strides = array<i32>} : memref<20x512xf32, #tpu.memory_space<vmem>>, vector<16xf32>,
        tpu.vector_store %arg16[%swap3A_726, %swap3A_727], %mul3A_724 {add = true, strides = array<i32>} : memref<20x512xf32, #tpu.memory_space<vmem>>, vector<16xf32>,
        %add3A_729 = arith.constant 15 : i32
        %add3A_730 = vector.broadcast %add3A_729 : i32 to vector<16xi32>
        %add3A_731 = arith.addi %mul3A_499, %add3A_730 : vector<16xi32>
        %gather3A_732 = tpu.vector_load_idx %arg14[%add3A_731, %broadcast_in_dim3A_589] : memref<1280x64xf32, #tpu.memory_space<vmem>>[vector<16xi32>, vector<16xi32>], vector<16xf32>,
        %mul3A_733 = arith.mulf %gather3A_732, %gather3A : vector<16xf32>
        %swap3A_734 = arith.constant 15 : i32
        %swap3A_735 = arith.index_cast %swap3A_734 : i32 to index
        %swap3A_736 = arith.index_cast %add3A_490 : i32 to index
        %swap3A_737 = tpu.vector_load %arg16[%swap3A_735, %swap3A_736] {strides = array<i32>} : memref<20x512xf32, #tpu.memory_space<vmem>>, vector<16xf32>,
        tpu.vector_store %arg16[%swap3A_735, %swap3A_736], %mul3A_733 {add = true, strides = array<i32>} : memref<20x512xf32, #tpu.memory_space<vmem>>, vector<16xf32>,
        %add3A_738 = arith.constant 16 : i32
        %add3A_739 = vector.broadcast %add3A_738 : i32 to vector<16xi32>
        %add3A_740 = arith.addi %mul3A_499, %add3A_739 : vector<16xi32>
        %gather3A_741 = tpu.vector_load_idx %arg14[%add3A_740, %broadcast_in_dim3A_589] : memref<1280x64xf32, #tpu.memory_space<vmem>>[vector<16xi32>, vector<16xi32>], vector<16xf32>,
        %mul3A_742 = arith.mulf %gather3A_741, %gather3A : vector<16xf32>
        %swap3A_743 = arith.constant 16 : i32
        %swap3A_744 = arith.index_cast %swap3A_743 : i32 to index
        %swap3A_745 = arith.index_cast %add3A_490 : i32 to index
        %swap3A_746 = tpu.vector_load %arg16[%swap3A_744, %swap3A_745] {strides = array<i32>} : memref<20x512xf32, #tpu.memory_space<vmem>>, vector<16xf32>,
        tpu.vector_store %arg16[%swap3A_744, %swap3A_745], %mul3A_742 {add = true, strides = array<i32>} : memref<20x512xf32, #tpu.memory_space<vmem>>, vector<16xf32>,
        %add3A_747 = arith.constant 17 : i32
        %add3A_748 = vector.broadcast %add3A_747 : i32 to vector<16xi32>
        %add3A_749 = arith.addi %mul3A_499, %add3A_748 : vector<16xi32>
        %gather3A_750 = tpu.vector_load_idx %arg14[%add3A_749, %broadcast_in_dim3A_589] : memref<1280x64xf32, #tpu.memory_space<vmem>>[vector<16xi32>, vector<16xi32>], vector<16xf32>,
        %mul3A_751 = arith.mulf %gather3A_750, %gather3A : vector<16xf32>
        %swap3A_752 = arith.constant 17 : i32
        %swap3A_753 = arith.index_cast %swap3A_752 : i32 to index
        %swap3A_754 = arith.index_cast %add3A_490 : i32 to index
        %swap3A_755 = tpu.vector_load %arg16[%swap3A_753, %swap3A_754] {strides = array<i32>} : memref<20x512xf32, #tpu.memory_space<vmem>>, vector<16xf32>,
        tpu.vector_store %arg16[%swap3A_753, %swap3A_754], %mul3A_751 {add = true, strides = array<i32>} : memref<20x512xf32, #tpu.memory_space<vmem>>, vector<16xf32>,
        %add3A_756 = arith.constant 18 : i32
        %add3A_757 = vector.broadcast %add3A_756 : i32 to vector<16xi32>
        %add3A_758 = arith.addi %mul3A_499, %add3A_757 : vector<16xi32>
        %gather3A_759 = tpu.vector_load_idx %arg14[%add3A_758, %broadcast_in_dim3A_589] : memref<1280x64xf32, #tpu.memory_space<vmem>>[vector<16xi32>, vector<16xi32>], vector<16xf32>,
        %mul3A_760 = arith.mulf %gather3A_759, %gather3A : vector<16xf32>
        %swap3A_761 = arith.constant 18 : i32
        %swap3A_762 = arith.index_cast %swap3A_761 : i32 to index
        %swap3A_763 = arith.index_cast %add3A_490 : i32 to index
        %swap3A_764 = tpu.vector_load %arg16[%swap3A_762, %swap3A_763] {strides = array<i32>} : memref<20x512xf32, #tpu.memory_space<vmem>>, vector<16xf32>,
        tpu.vector_store %arg16[%swap3A_762, %swap3A_763], %mul3A_760 {add = true, strides = array<i32>} : memref<20x512xf32, #tpu.memory_space<vmem>>, vector<16xf32>,
        %add3A_765 = arith.constant 19 : i32
        %add3A_766 = vector.broadcast %add3A_765 : i32 to vector<16xi32>
        %add3A_767 = arith.addi %mul3A_499, %add3A_766 : vector<16xi32>
        %gather3A_768 = tpu.vector_load_idx %arg14[%add3A_767, %broadcast_in_dim3A_589] : memref<1280x64xf32, #tpu.memory_space<vmem>>[vector<16xi32>, vector<16xi32>], vector<16xf32>,
        %mul3A_769 = arith.mulf %gather3A_768, %gather3A : vector<16xf32>
        %swap3A_770 = arith.constant 19 : i32
        %swap3A_771 = arith.index_cast %swap3A_770 : i32 to index
        %swap3A_772 = arith.index_cast %add3A_490 : i32 to index
        %swap3A_773 = tpu.vector_load %arg16[%swap3A_771, %swap3A_772] {strides = array<i32>} : memref<20x512xf32, #tpu.memory_space<vmem>>, vector<16xf32>,
        tpu.vector_store %arg16[%swap3A_771, %swap3A_772], %mul3A_769 {add = true, strides = array<i32>} : memref<20x512xf32, #tpu.memory_space<vmem>>, vector<16xf32>,
      }
      %scan3A_587 = arith.constant 64 : i32
    }
    %scan3A_8 = arith.constant 8 : i32
    "tpu.region"() ({
      %run_scoped3A = tpu.sem_alloc : memref<!tpu.dma_semaphore, #tpu.memory_space<semaphore_mem>>
      %dma_start3A = arith.constant 0 : i32
      %dma_start3A_9 = tpu.memref_slice %arg7[%add3A, %dma_start3A] : memref<32x512xf32, #tpu.memory_space<hbm>> -> memref<1x512xf32, #tpu.memory_space<hbm>>
      %dma_start3A_10 = tpu.memref_squeeze %dma_start3A_9 : memref<1x512xf32, #tpu.memory_space<hbm>> -> memref<512xf32, #tpu.memory_space<hbm>>
      %dma_start3A_11 = arith.constant 0 : i32
      %dma_start3A_12 = tpu.memref_slice %arg7[%add3A, %dma_start3A_11] : memref<32x512xf32, #tpu.memory_space<hbm>> -> memref<1x512xf32, #tpu.memory_space<hbm>>
      %dma_start3A_13 = tpu.memref_squeeze %dma_start3A_12 : memref<1x512xf32, #tpu.memory_space<hbm>> -> memref<512xf32, #tpu.memory_space<hbm>>
      tpu.enqueue_dma source(%arg15 : memref<512xf32, #tpu.memory_space<vmem>>) target(%dma_start3A_13 : memref<512xf32, #tpu.memory_space<hbm>>) target_semaphore(%run_scoped3A : memref<!tpu.dma_semaphore, #tpu.memory_space<semaphore_mem>>)
      %dma_wait3A = arith.constant 0 : i32
      %dma_wait3A_14 = tpu.memref_slice %arg7[%add3A, %dma_wait3A] : memref<32x512xf32, #tpu.memory_space<hbm>> -> memref<1x512xf32, #tpu.memory_space<hbm>>
      %dma_wait3A_15 = tpu.memref_squeeze %dma_wait3A_14 : memref<1x512xf32, #tpu.memory_space<hbm>> -> memref<512xf32, #tpu.memory_space<hbm>>
      %dma_wait3A_16 = arith.constant 0 : i32
      %dma_wait3A_17 = tpu.memref_slice %arg7[%add3A, %dma_wait3A_16] : memref<32x512xf32, #tpu.memory_space<hbm>> -> memref<1x512xf32, #tpu.memory_space<hbm>>
      %dma_wait3A_18 = tpu.memref_squeeze %dma_wait3A_17 : memref<1x512xf32, #tpu.memory_space<hbm>> -> memref<512xf32, #tpu.memory_space<hbm>>
      tpu.wait_dma2 semaphore(%run_scoped3A : memref<!tpu.dma_semaphore, #tpu.memory_space<semaphore_mem>>) src(%arg15 : memref<512xf32, #tpu.memory_space<vmem>>) dst(%dma_wait3A_18 : memref<512xf32, #tpu.memory_space<hbm>>)
      tpu.yield
    }) : () -> ()
    "tpu.region"() ({
      %run_scoped3A = tpu.sem_alloc : memref<!tpu.dma_semaphore, #tpu.memory_space<semaphore_mem>>
      %dma_start3A = arith.constant 0 : i32
      %dma_start3A_9 = arith.constant 0 : i32
      %dma_start3A_10 = tpu.memref_slice %arg8[%add3A, %dma_start3A, %dma_start3A_9] : memref<32x20x512xf32, #tpu.memory_space<hbm>> -> memref<1x20x512xf32, #tpu.memory_space<hbm>>
      %dma_start3A_11 = tpu.memref_squeeze %dma_start3A_10 : memref<1x20x512xf32, #tpu.memory_space<hbm>> -> memref<20x512xf32, #tpu.memory_space<hbm>>
      %dma_start3A_12 = arith.constant 0 : i32
      %dma_start3A_13 = arith.constant 0 : i32
      %dma_start3A_14 = tpu.memref_slice %arg8[%add3A, %dma_start3A_12, %dma_start3A_13] : memref<32x20x512xf32, #tpu.memory_space<hbm>> -> memref<1x20x512xf32, #tpu.memory_space<hbm>>
      %dma_start3A_15 = tpu.memref_squeeze %dma_start3A_14 : memref<1x20x512xf32, #tpu.memory_space<hbm>> -> memref<20x512xf32, #tpu.memory_space<hbm>>
      tpu.enqueue_dma source(%arg16 : memref<20x512xf32, #tpu.memory_space<vmem>>) target(%dma_start3A_15 : memref<20x512xf32, #tpu.memory_space<hbm>>) target_semaphore(%run_scoped3A : memref<!tpu.dma_semaphore, #tpu.memory_space<semaphore_mem>>)
      %dma_wait3A = arith.constant 0 : i32
      %dma_wait3A_16 = arith.constant 0 : i32
      %dma_wait3A_17 = tpu.memref_slice %arg8[%add3A, %dma_wait3A, %dma_wait3A_16] : memref<32x20x512xf32, #tpu.memory_space<hbm>> -> memref<1x20x512xf32, #tpu.memory_space<hbm>>
      %dma_wait3A_18 = tpu.memref_squeeze %dma_wait3A_17 : memref<1x20x512xf32, #tpu.memory_space<hbm>> -> memref<20x512xf32, #tpu.memory_space<hbm>>
      %dma_wait3A_19 = arith.constant 0 : i32
      %dma_wait3A_20 = arith.constant 0 : i32
      %dma_wait3A_21 = tpu.memref_slice %arg8[%add3A, %dma_wait3A_19, %dma_wait3A_20] : memref<32x20x512xf32, #tpu.memory_space<hbm>> -> memref<1x20x512xf32, #tpu.memory_space<hbm>>
      %dma_wait3A_22 = tpu.memref_squeeze %dma_wait3A_21 : memref<1x20x512xf32, #tpu.memory_space<hbm>> -> memref<20x512xf32, #tpu.memory_space<hbm>>
      tpu.wait_dma2 semaphore(%run_scoped3A : memref<!tpu.dma_semaphore, #tpu.memory_space<semaphore_mem>>) src(%arg16 : memref<20x512xf32, #tpu.memory_space<vmem>>) dst(%dma_wait3A_22 : memref<20x512xf32, #tpu.memory_space<hbm>>)
      tpu.yield
    }) : () -> ()
    return
  }
}

module attributes {stable_mosaic.version = 14 : i64} {
  func.func @tc_body(%arg0: memref<128x128xf32, #tpu.memory_space<vmem>>, %arg1: memref<2560x128xf32, #tpu.memory_space<vmem>>, %arg2: memref<1x1xf32, #tpu.memory_space<smem>>) attributes {dimension_semantics = [], scalar_prefetch = 0 : i64, scratch_operands = 0 : i64, tpu.core_type = #tpu.core_type<tc>} {
    %get3A = arith.constant 0 : index
    %get3A_0 = arith.constant 0 : index
    %get3A_1 = vector.load %arg0[%get3A, %get3A_0] : memref<128x128xf32, #tpu.memory_space<vmem>>, vector<128x128xf32>
    %get3A_2 = arith.constant 0 : index
    %get3A_3 = arith.constant 0 : index
    %get3A_4 = vector.load %arg1[%get3A_2, %get3A_3] : memref<2560x128xf32, #tpu.memory_space<vmem>>, vector<2560x128xf32>
    %min3A = arith.constant 0.000000e+00 : f32
    %min3A_5 = vector.broadcast %min3A : f32 to vector<128x128xf32>
    %min3A_6 = arith.minimumf %get3A_1, %min3A_5 : vector<128x128xf32>
    %abs3A = math.absf %get3A_1 : vector<128x128xf32>
    %neg3A = arith.constant 0.000000e+00 : f32
    %neg3A_7 = vector.broadcast %neg3A : f32 to vector<128x128xf32>
    %neg3A_8 = arith.subf %neg3A_7, %abs3A : vector<128x128xf32>
    %exp3A = math.exp %neg3A_8 : vector<128x128xf32>
    %add3A = arith.constant 1.000000e+00 : f32
    %add3A_9 = vector.broadcast %add3A : f32 to vector<128x128xf32>
    %add3A_10 = arith.addf %add3A_9, %exp3A : vector<128x128xf32>
    %log3A = math.log %add3A_10 : vector<128x128xf32>
    %sub3A = arith.subf %min3A_6, %log3A : vector<128x128xf32>
    %neg3A_11 = arith.constant 0.000000e+00 : f32
    %neg3A_12 = vector.broadcast %neg3A_11 : f32 to vector<2560x128xf32>
    %neg3A_13 = arith.subf %neg3A_12, %get3A_4 : vector<2560x128xf32>
    %min3A_14 = arith.constant 0.000000e+00 : f32
    %min3A_15 = vector.broadcast %min3A_14 : f32 to vector<2560x128xf32>
    %min3A_16 = arith.minimumf %neg3A_13, %min3A_15 : vector<2560x128xf32>
    %abs3A_17 = math.absf %get3A_4 : vector<2560x128xf32>
    %neg3A_18 = arith.constant 0.000000e+00 : f32
    %neg3A_19 = vector.broadcast %neg3A_18 : f32 to vector<2560x128xf32>
    %neg3A_20 = arith.subf %neg3A_19, %abs3A_17 : vector<2560x128xf32>
    %exp3A_21 = math.exp %neg3A_20 : vector<2560x128xf32>
    %add3A_22 = arith.constant 1.000000e+00 : f32
    %add3A_23 = vector.broadcast %add3A_22 : f32 to vector<2560x128xf32>
    %add3A_24 = arith.addf %add3A_23, %exp3A_21 : vector<2560x128xf32>
    %log3A_25 = math.log %add3A_24 : vector<2560x128xf32>
    %sub3A_26 = arith.subf %min3A_16, %log3A_25 : vector<2560x128xf32>
    %reduce_sum3A = vector.shape_cast %sub3A : vector<128x128xf32> to vector<1x128x128xf32>
    %reduce_sum3A_27 = arith.constant dense<0.000000e+00> : vector<1xf32>
    %reduce_sum3A_28 = vector.multi_reduction <add>, %reduce_sum3A, %reduce_sum3A_27 [1, 2] : vector<1x128x128xf32> to vector<1xf32>
    %reduce_sum3A_29 = vector.shape_cast %reduce_sum3A_28 : vector<1xf32> to vector<1x1x1xf32>
    %reduce_sum3A_30 = vector.extract %reduce_sum3A_29[0, 0, 0] : f32 from vector<1x1x1xf32>
    %reduce_sum3A_31 = vector.shape_cast %sub3A_26 : vector<2560x128xf32> to vector<1x2560x128xf32>
    %reduce_sum3A_32 = arith.constant dense<0.000000e+00> : vector<1xf32>
    %reduce_sum3A_33 = vector.multi_reduction <add>, %reduce_sum3A_31, %reduce_sum3A_32 [1, 2] : vector<1x2560x128xf32> to vector<1xf32>
    %reduce_sum3A_34 = vector.shape_cast %reduce_sum3A_33 : vector<1xf32> to vector<1x1x1xf32>
    %reduce_sum3A_35 = vector.extract %reduce_sum3A_34[0, 0, 0] : f32 from vector<1x1x1xf32>
    %add3A_36 = arith.addf %reduce_sum3A_30, %reduce_sum3A_35 : f32
    %neg3A_37 = arith.constant 0.000000e+00 : f32
    %neg3A_38 = arith.subf %neg3A_37, %add3A_36 : f32
    %mul3A = arith.constant 6.10351563E-5 : f32
    %mul3A_39 = arith.mulf %neg3A_38, %mul3A : f32
    %swap3A = arith.constant 0 : index
    %swap3A_40 = arith.constant 0 : index
    %swap3A_41 = memref.load %arg2[%swap3A, %swap3A_40] : memref<1x1xf32, #tpu.memory_space<smem>>
    memref.store %mul3A_39, %arg2[%swap3A, %swap3A_40] : memref<1x1xf32, #tpu.memory_space<smem>>
    return
  }
}

</mosaic_0001>

<sc_bundles>
// kernel: kernel.4.cloned.1.call-start
scs
__scs_entry_jumppad:
0x0: {  	(pc) =	sbr.rel $0x88, $3  }
0x1: {  	(tag) =	ssettag $0x0;
	lr =	simm.s32 $0x1  }
0x2: {  	[smem:$0x3F9C] =	sst lr;
	_ =	strace $0xD0000000  }
0x3: {  	_ = 	snop  }
0x4: {  	_ = 	snop  }
0x5: {  	_ = 	snop  }
0x6: {  	_ = 	snop  }
0x7: {  	_ = 	snop  }
__scs_overlays_trampoline_lowered:
0x8: {  	[smem:$0x3FAB] =	sst s0  }
0x9: {  	[smem:$0x3FAC] =	sst s1  }
0xa: {  	[smem:$0x3FAD] =	sst s2  }
0xb: {  	[smem:$0x3FAE] =	sst s3  }
0xc: {  	[smem:$0x3FAF] =	sst s4  }
0xd: {  	[smem:$0x3FB0] =	sst s5  }
0xe: {  	[smem:$0x3FB1] =	sst s6  }
0xf: {  	[smem:$0x3FB2] =	sst s7  }
0x10: {  	[smem:$0x3FB3] =	sst s8  }
0x11: {  	[smem:$0x3FB4] =	sst s9;
	s0 =	simm.s32 @!p0 $0x0  }
0x12: {  	s1 =	sld [smem:$0x3F9A];
	s0 =	simm.s32 @p0 $0x1  }
0x13: {  	[smem:$0x3FB5] =	sst s0;
	s0 =	simm.s32 @!p1 $0x0  }
0x14: {  	s2 =	sld [smem:$0x3F99];
	s0 =	simm.s32 @p1 $0x1  }
0x15: {  	[smem:$0x3FB6] =	sst s0;
	s0 =	simm.s32 @!p2 $0x0  }
0x16: {  	s3 =	sld [smem:$0x3FDB];
	s0 =	simm.s32 @p2 $0x1  }
0x17: {  	s4 =	simm.s32 $0x1BF5;
	[smem:$0x3FB8] =	sst s0  }
0x18: {  	s0 =	sld [smem:$0x3F9B];
	_ =	swait.ge [sflag:s4], $0x0  }
0x19: {  	s7 =	sld [smem:$0x3F9C]  }
0x1a: {  	s8 =	sadd.s32 $0xFFFFE003, lr  }
0x1b: {  	s9 =	sadd.s32 $0xFFFFFEF7, lr;
	s5 =	simm.s32 $0xFFFFFFFF;
	p2 =	slt.u32 s8, $0xFFFFF086  }
0x1c: {  	p1 =	slt.u32 s9, $0xF7A;
	s5 =	simm.s32 @!p2 $0x0  }
0x1d: {  	s5 =	simm.s32 @p1 $0x1;
	p0 =	seq.s32 s7, s2  }
0x1e: {  	s7 =	smul.u32 @!p0 $0xF7A, s2;
	p2 =	seq.s32 @!p0 s5, $0x0  }
0x1f: {  	s9 =	smul.u32 $0xF7A, s1;
	s8 =	simm.s32 @!p0 $0x1BF5;
	p2 =	por !p2, p0  }
0x20: {  	[sflag:s8] =	ssyncset.s32 @!p0 $0xFFFFF086;
	s6 =	sadd.s32 @!p0 s3, s7;
	s7 =	simm.s32 @!p0 $0x108  }
0x21: {  	s3 =	sadd.s32 s3, s9;
	s6 =	sadd.s32 @!p0 $0x88, s6;
	s7 =	simm.s32 @p2 $0x1082  }
0x22: {  	[simem:s7], [sflag:s8] =	dma.local @!p0 [hbm:s6], $0xF7A  }
0x23: {  	s9 =	sor.u32 $0xD0000000, s2;
	s6 =	simm.s32 $0x108;
	_ =	swait.ge @!p0 [sflag:s8], $0x0  }
0x24: {  	s3 =	sadd.s32 $0x88, s3;
	s6 =	simm.s32 @!p1 $0x1082;
	[sflag:s4] =	ssyncset.s32 $0xFFFFF086  }
0x25: {  	[simem:s6], [sflag:s4] =	dma.local [hbm:s3], $0xF7A  }
0x26: {  	[smem:$0x3F9C] =	sst s1;
	(tag) =	ssettag s2;
	_ =	strace s9  }
0x27: {  	s1 =	sld [smem:$0x3FAC]  }
0x28: {  	s2 =	sld [smem:$0x3FAD]  }
0x29: {  	s4 =	sld [smem:$0x3FAF]  }
0x2a: {  	p0 =	seq.s32 s5, $0x0;
	s5 =	sld [smem:$0x3FB0]  }
0x2b: {  	s6 =	sld [smem:$0x3FB1]  }
0x2c: {  	s7 =	sld [smem:$0x3FB2]  }
0x2d: {  	s3 =	simm.s32 $0x108;
	s8 =	sld [smem:$0x3FB3]  }
0x2e: {  	s3 =	simm.s32 @!p0 $0x1082;
	s9 =	sld [smem:$0x3FB4]  }
0x2f: {  	lr =	sadd.s32 s0, s3;
	s0 =	sld [smem:$0x3FAB]  }
0x30: {  	s3 =	sld [smem:$0x3FAE]  }
0x31: {  	[smem:$0x3FB7] =	sst s10  }
0x32: {  	s10 =	sld [smem:$0x3FB5];
	_ =	sdelay $0x3  }
0x33: {  	p0 =	seq.s32 s10, $0x1;
	s10 =	sld [smem:$0x3FB7];
	_ =	sdelay $0x3  }
0x34: {  	[smem:$0x3FB7] =	sst s10  }
0x35: {  	s10 =	sld [smem:$0x3FB6];
	_ =	sdelay $0x3  }
0x36: {  	p1 =	seq.s32 s10, $0x1;
	s10 =	sld [smem:$0x3FB7];
	_ =	sdelay $0x3  }
0x37: {  	[smem:$0x3FB7] =	sst s10  }
0x38: {  	s10 =	sld [smem:$0x3FB8]  }
0x39: {  	_ = 	snop;
	(pc) =	sbr.ind lr, $3  }
0x3a: {  	_ = 	snop  }
0x3b: {  	_ = 	snop  }
0x3c: {  	p2 =	seq.s32 s10, $0x1;
	s10 =	sld [smem:$0x3FB7]  }
0x3d: {  	_ =	shalt  }
0x3e: {  	_ =	shalt  }
0x3f: {  	_ =	shalt  }
0x40: {  	_ =	shalt  }
0x41: {  	_ =	shalt  }
0x42: {  	_ =	shalt  }
0x43: {  	_ =	shalt  }
0x44: {  	_ =	shalt  }
0x45: {  	_ =	shalt  }
0x46: {  	_ =	shalt  }
0x47: {  	_ =	shalt  }
0x48: {  	_ =	shalt  }
0x49: {  	_ =	shalt  }
0x4a: {  	_ =	shalt  }
0x4b: {  	_ =	shalt  }
0x4c: {  	_ =	shalt  }
0x4d: {  	_ =	shalt  }
0x4e: {  	_ =	shalt  }
0x4f: {  	_ =	shalt  }
0x50: {  	_ =	shalt  }
0x51: {  	_ =	shalt  }
0x52: {  	_ =	shalt  }
0x53: {  	_ =	shalt  }
0x54: {  	_ =	shalt  }
0x55: {  	_ =	shalt  }
0x56: {  	_ =	shalt  }
0x57: {  	_ =	shalt  }
0x58: {  	_ =	shalt  }
0x59: {  	_ =	shalt  }
0x5a: {  	_ =	shalt  }
0x5b: {  	_ =	shalt  }
0x5c: {  	_ =	shalt  }
0x5d: {  	_ =	shalt  }
0x5e: {  	_ =	shalt  }
0x5f: {  	_ =	shalt  }
0x60: {  	_ =	shalt  }
0x61: {  	_ =	shalt  }
0x62: {  	_ =	shalt  }
0x63: {  	_ =	shalt  }
0x64: {  	_ =	shalt  }
0x65: {  	_ =	shalt  }
0x66: {  	_ =	shalt  }
0x67: {  	_ =	shalt  }
0x68: {  	_ =	shalt  }
0x69: {  	_ =	shalt  }
0x6a: {  	_ =	shalt  }
0x6b: {  	_ =	shalt  }
0x6c: {  	_ =	shalt  }
0x6d: {  	_ =	shalt  }
0x6e: {  	_ =	shalt  }
0x6f: {  	_ =	shalt  }
0x70: {  	_ =	shalt  }
0x71: {  	_ =	shalt  }
0x72: {  	_ =	shalt  }
0x73: {  	_ =	shalt  }
0x74: {  	_ =	shalt  }
0x75: {  	_ =	shalt  }
0x76: {  	_ =	shalt  }
0x77: {  	_ =	shalt  }
0x78: {  	_ =	shalt  }
0x79: {  	_ =	shalt  }
0x7a: {  	_ =	shalt  }
0x7b: {  	_ =	shalt  }
0x7c: {  	_ =	shalt  }
0x7d: {  	_ =	shalt  }
0x7e: {  	_ =	shalt  }
0x7f: {  	_ =	shalt  }
0x80: {  	_ =	shalt  }
0x81: {  	_ =	shalt  }
0x82: {  	_ =	shalt  }
0x83: {  	_ =	shalt  }
0x84: {  	_ =	shalt  }
0x85: {  	_ =	shalt  }
0x86: {  	_ =	shalt  }
0x87: {  	_ =	shalt  }
.Lfunc_end0:
.L_simem_size_0:
called_computation_lowered:
.L_overlay_start_0:
0x88: {  	s2 =	sld [smem:$0x3FD9]  }
0x89: {  	s3 =	sld [smem:$0x3FFE];
	_ =	sdelay $0x1  }
0x8a: {  	s1 =	srdreg.scid  }
0x8b: {  	s0 =	sand.u32 $0x1, s1  }
0x8c: {  	s17 =	sshll.u32 s0, $0xA;
	s2 =	sadd.s32 s3, s2  }
0x8d: {  	s2 =	sadd.s32 s2, s17  }
0x8e: {  	[smem:$0x3FC3] =	sst s2  }
0x8f: {  	_ = 	snop  }
0x90: {  	s2 =	sld [smem:$0x3FC9]  }
0x91: {  	s18 =	sld [smem:$0x3FC8];
	(tm) =	ssettm $0x1  }
0x92: {  	s4 =	sld [smem:$0x3FFB];
	_ =	sdelay $0x3  }
0x93: {  	_ =	strace s4  }
0x94: {  	s4 =	sld [smem:$0x3FFC];
	_ =	sdelay $0x3  }
0x95: {  	_ =	strace s4  }
0x96: {  	s4 =	sld [smem:$0x3FFD];
	_ =	sdelay $0x3  }
0x97: {  	_ =	strace s4  }
0x98: {  	_ =	strace $0x8FFFFFFF  }
0x99: {  	s19 =	sld [smem:$0x3FDB];
	_ =	sdelay $0x1  }
0x9a: {  	s5 =	simm.s32 $_scs_section_size  }
0x9b: {  	s6 =	simm.s32 $_size__tile_overlayer_lowered;
	s7 =	simm.s32 $_tile_overlayer_lowered  }
0x9c: {  	s22 =	simm.s32 $0x1BFF;
	s21 =	sshll.u32 s7, $0x1;
	s4 =	sadd.s32 s5, s19  }
0x9d: {  	s8 =	simm.s32 $0x0;
	s20 =	sshll.u32 s6, $0x1;
	s6 =	sadd.s32 s21, s4  }
0x9e: {  	[timem:s8], [sflag:s22] =	dma.local [hbm:s6], s20  }
0x9f: {  	_ =	swait.ge [sflag:s22], s20  }
0xa0: {  	s5 =	ssub.s32 $0x0, s20;
	[sflag:s22] =	ssyncset.done $0x0  }
0xa1: {  	[sflag:s22] =	ssyncadd.s32 s5;
	_ =	sdelay $0x1  }
0xa2: {  	s23 =	simm.s32 $0x1B8B  }
0xa3: {  	_ =	swait.ge [sflag:s23], $0x1  }
0xa4: {  	[sflag:s23] =	ssyncset.done $0x0  }
0xa5: {  	s25 =	simm.s32 $0x1B8E;
	s24 =	sld [smem:$0x3FFE];
	[sflag:s23] =	ssyncadd.s32 $0xFFFFFFFF  }
0xa6: {  	s26 =	simm.s32 $execute0_lowered;
	[smem:$0x3FD2] =	sst s25  }
0xa7: {  	s6 =	sshll.u32 s26, $0x1;
	_ =	strace $0x80000046;
	[dreg:$0x1] =	wrdreg $0xFFFFFFFF  }
0xa8: {  	s28 =	simm.s32 $_size_execute0_lowered;
	s4 =	sadd.s32 s4, s6;
	[dreg:$0x0] =	wrdreg $0x0  }
0xa9: {  	s6 =	sshll.u32 s28, $0x1;
	[dreg:$0x2] =	wrdreg s4  }
0xaa: {  	[dreg:$0x3] =	wrdreg s6  }
0xab: {  	[dreg:$0x4] =	wrdreg $0xC0  }
0xac: {  	_ =	task [dreg:s8], $0x5FFFF  }
0xad: {  	[dreg:$0x1] =	wrdreg $0xFFFFFFFF  }
0xae: {  	[dreg:$0x0] =	wrdreg $0x60  }
0xaf: {  	[dreg:$0x2] =	wrdreg s2  }
0xb0: {  	[dreg:$0x3] =	wrdreg s18  }
0xb1: {  	[dreg:$0x4] =	wrdreg s24  }
0xb2: {  	[dreg:$0x5] =	wrdreg $0x9  }
0xb3: {  	_ =	task.clear_ibuf [dreg:s8], $0x6FFFF;
	_ =	strace $0x90000046  }
0xb4: {  	s29 =	simm.s32 $0x9;
	_ =	strace $0x80000048  }
0xb5: {  	_ =	swait.ge [sflag:s29], $0x1  }
0xb6: {  	[sflag:s29] =	ssyncadd.s32 $0xFFFFFFFF  }
0xb7: {  	_ =	strace $0x90000048  }
0xb8: {  	_ =	sfence  }
0xb9: {  	s30 =	sld [smem:$0x0];
	_ =	sdelay $0x2  }
0xba: {  	s31 =	sshll.u32 s1, $0xD;
	s1 =	sshrl.u32 s1, $0x2  }
0xbb: {  	s3 =	sand.u32 $0x4000, s31;
	s1 =	sadd.s32 s1, s30  }
0xbc: {  	s0 =	sor.u32 s3, s0;
	s1 =	sshll.u32 s1, $0x11  }
0xbd: {  	s0 =	sor.u32 s1, s0  }
0xbe: {  	s0 =	sadd.s32 $0x8F2B, s0  }
0xbf: {  	[sflag:s0] =	ssyncadd.remote.s32 $0x1  }
0xc0: {  	_ =	sfence.sel $0xFFFF  }
0xc1: {  	[dreg:$0x0] =	wrdreg $0xFFFFFFFF;
	(pc) =	sbr.abs _section_cstart, $3  }
0xc2: {  	[dreg:$0x1] =	wrdreg $0xFFFFFFFF  }
0xc3: {  	_ =	task.clear_ibuf [dreg:s8], $0x2FFFF;
	_ =	strace $0x9FFFFFFF  }
0xc4: {  	(tm) =	ssettm $0x7FFFFFFF  }
0xc5: {  	_ =	shalt  }
tec
execute0_lowered:
.L_overlay_start_1:
0x0: {  	(tag) =	ssettag $0x1  }
0x1: {  	v1 =	vlaneseq.u32  }
0x2: {  	s3 =	simm.s32 $0x0;
	v7 =	vmul.u32 $0x40, v1  }
0x3: {  	v26 =	vmul.u32 $0x500, v1;
	[smem:$0x7FF] =	sst s3  }
0x4: {  	s0 =	rddreg [dreg:$0x2];
	_ =	strace $0x80000047;
	[tilespmem:$0x1FE90] =	vst v7  }
0x5: {  	v1 =	vor.u32 $0x400, v7;
	[tilespmem:$0x1FFF0] =	vst v26  }
0x6: {  	v61 =	vadd.s32 $0x5000, v26;
	[tilespmem:$0x1FE60] =	vst v1  }
0x7: {  	v62 =	vadd.s32 $0x5040, v26;
	[tilespmem:$0x1FE70] =	vst v61  }
0x8: {  	v5 =	vor.u32 $0x40, v26;
	[tilespmem:$0x1FE80] =	vst v62  }
0x9: {  	v8 =	vor.u32 $0x80, v26;
	[tilespmem:$0x1FEA0] =	vst v5  }
0xa: {  	v9 =	vor.u32 $0xC0, v26;
	[tilespmem:$0x1FEB0] =	vst v8  }
0xb: {  	v10 =	vadd.s32 $0x100, v26;
	[tilespmem:$0x1FEC0] =	vst v9  }
0xc: {  	v6 =	vimm.f32 $0.0e+00;
	v11 =	vadd.s32 $0x140, v26;
	v12 =	vadd.s32 $0x180, v26;
	[tilespmem:$0x1FED0] =	vst v10  }
0xd: {  	v13 =	vadd.s32 $0x1C0, v26;
	v14 =	vadd.s32 $0x200, v26;
	v15 =	vadd.s32 $0x240, v26;
	[tilespmem:$0x1FEE0] =	vst v11  }
0xe: {  	v16 =	vadd.s32 $0x280, v26;
	v17 =	vadd.s32 $0x2C0, v26;
	v18 =	vadd.s32 $0x300, v26;
	[tilespmem:$0x1FEF0] =	vst v12  }
0xf: {  	s15 =	simm.s32 $0x580;
	s16 =	simm.s32 $0x1580;
	v19 =	vadd.s32 $0x340, v26;
	v20 =	vadd.s32 $0x380, v26;
	v21 =	vadd.s32 $0x3C0, v26;
	[tilespmem:$0x1FF00] =	vst v13  }
0x10: {  	s1 =	srdreg.scid;
	s17 =	simm.s32 $0x2580;
	s22 =	simm.s32 $0x200;
	v22 =	vadd.s32 $0x400, v26;
	v23 =	vadd.s32 $0x440, v26;
	v24 =	vadd.s32 $0x480, v26;
	[tilespmem:$0x1FF10] =	vst v14  }
0x11: {  	s2 =	stileid.u32;
	s28 =	simm.s32 $0xC580;
	s29 =	simm.s32 $0x380;
	v63 =	vadd.s32 $0x4C0, v26;
	v25 =	vadd.s32 $0x5080, v26;
	v0 =	vadd.s32 $0x50C0, v26;
	[tilespmem:$0x1FF20] =	vst v15  }
0x12: {  	s12 =	simm.s32 $0x2;
	s30 =	simm.s32 $0xE580;
	s31 =	simm.s32 $0x400;
	v27 =	vadd.s32 $0x5100, v26;
	v28 =	vadd.s32 $0x5140, v26;
	v29 =	vadd.s32 $0x5180, v26;
	[tilespmem:$0x1FF30] =	vst v16  }
0x13: {  	s13 =	simm.s32 $0x40;
	s9 =	simm.s32 $0x500;
	s10 =	simm.s32 $0x14580;
	v30 =	vadd.s32 $0x51C0, v26;
	v31 =	vadd.s32 $0x5200, v26;
	v32 =	vadd.s32 $0x5240, v26;
	[tilespmem:$0x1FF40] =	vst v17  }
0x14: {  	s14 =	simm.s32 $0x80;
	s11 =	simm.s32 $0x1;
	s6 =	sadd.s32 $0x16E4400, s0;
	v33 =	vadd.s32 $0x5280, v26;
	v34 =	vadd.s32 $0x52C0, v26;
	v35 =	vadd.s32 $0x5300, v26;
	[tilespmem:$0x1FF50] =	vst v18  }
0x15: {  	s1 =	sand.u32 $0x1, s1;
	s2 =	sshll.u32 s2, $0x1;
	s7 =	sadd.s32 $0xF43200, s0;
	v36 =	vadd.s32 $0x5340, v26;
	v37 =	vadd.s32 $0x5380, v26;
	v38 =	vadd.s32 $0x53C0, v26;
	[tilespmem:$0x1FF60] =	vst v19  }
0x16: {  	s5 =	sadd.s32 $0xE00, s0;
	s3 =	simm.s32 $0x480;
	s2 =	sor.u32 s1, s2;
	v39 =	vadd.s32 $0x5400, v26;
	v40 =	vadd.s32 $0x5440, v26;
	v41 =	vadd.s32 $0x5480, v26;
	[tilespmem:$0x1FF70] =	vst v20  }
0x17: {  	s1 =	ssub.s32 $0x2, s1;
	s23 =	smul.u32 $0x500, s2;
	s4 =	sshll.u32 s2, $0x6;
	v42 =	vadd.s32 $0x54C0, v26;
	v43 =	vor.u32 $0x800, v7;
	v44 =	vadd.s32 $0xA000, v26;
	[tilespmem:$0x1FF80] =	vst v21  }
0x18: {  	s24 =	sshrl.u32 s1, $0x1;
	s8 =	sshll.u32 s2, $0x9;
	v45 =	vadd.s32 $0xA040, v26;
	v46 =	vadd.s32 $0xA080, v26;
	v47 =	vadd.s32 $0xA0C0, v26;
	s2 =	simm.s32 $0x10580;
	[tilespmem:$0x1FF90] =	vst v22  }
0x19: {  	v48 =	vadd.s32 $0xA100, v26;
	v49 =	vadd.s32 $0xA140, v26;
	v50 =	vadd.s32 $0xA180, v26;
	s4 =	sadd.s32 s4, s0;
	s1 =	ssub.s32 s1, s24;
	s24 =	simm.s32 $0x280;
	[tilespmem:$0x1FFA0] =	vst v23  }
0x1a: {  	v51 =	vadd.s32 $0xA1C0, v26;
	v52 =	vadd.s32 $0xA200, v26;
	v53 =	vadd.s32 $0xA240, v26;
	[tilespmem:$0x1FFB0] =	vst v24;
	s0 =	sadd.s32 s23, s0;
	s25 =	sadd.s32 $0x14E00, s4;
	s26 =	smax.u32 s1, $0x1  }
0x1b: {  	v54 =	vadd.s32 $0xA280, v26;
	v55 =	vadd.s32 $0xA2C0, v26;
	v56 =	vadd.s32 $0xA300, v26;
	[tilespmem:$0x1FFC0] =	vst v63;
	s23 =	simm.s32 $0x8580;
	s4 =	simm.s32 $0x12580;
	[dreg:$0x4] =	wrdreg s25  }
0x1c: {  	v57 =	vadd.s32 $0xA340, v26;
	v58 =	vadd.s32 $0xA380, v26;
	v59 =	vadd.s32 $0xA3C0, v26;
	[tilespmem:$0x1FFD0] =	vst v25;
	s1 =	simm.s32 $0x0;
	s0 =	sadd.s32 $0xAE00, s0;
	[dreg:$0x6] =	wrdreg s26  }
0x1d: {  	v60 =	vadd.s32 $0xA400, v26;
	v61 =	vadd.s32 $0xA440, v26;
	v62 =	vadd.s32 $0xA480, v26;
	[tilespmem:$0x1FFE0] =	vst v0;
	s25 =	simm.s32 $0xA580;
	s26 =	simm.s32 $0x300;
	[dreg:$0x5] =	wrdreg s0  }
.LBB2_1:
0x1e: {  	[dreg:$0x7] =	wrdreg s1;
	s0 =	simm.s32 $0x0  }
.LBB2_2:
0x1f: {  	s1 =	sshll.u32 s0, $0x6  }
0x20: {  	s19 =	sadd.s32 s8, s1  }
0x21: {  	s18 =	rddreg [dreg:$0x0];
	s20 =	sshrl.u32 s19, $0x3  }
0x22: {  	s21 =	sadd.s32 s18, s20;
	s18 =	simm.s32 $0x0  }
0x23: {  	[tilespmem:s18], [sflag:$0x2] =	stream.linear.gather [hbm4b:s21+s18], $0x40, $0x38;
	[tilespmem:$0x18F80] =	vst v63  }
0x24: {  	_ =	swait.ge [sflag:s12], $0x40  }
0x25: {  	[sflag:s12] =	ssyncset.done $0x0  }
0x26: {  	[sflag:s12] =	ssyncadd.s32 $0xFFFFFFC0  }
0x27: {  	s21 =	rddreg [dreg:$0x1]  }
0x28: {  	s19 =	smul.u32 $0x14, s19;
	s20 =	sadd.s32 s21, s20  }
0x29: {  	[tilespmem:s13], [sflag:$0x2] =	stream.linear.gather [hbm4b:s20+s18], $0x40, $0x38;
	[tilespmem:$0x18F80] =	vst v63  }
0x2a: {  	_ =	swait.ge [sflag:s12], $0x40  }
0x2b: {  	s19 =	sshrl.u32 s19, $0x3;
	[sflag:s12] =	ssyncset.done $0x0  }
0x2c: {  	s19 =	sadd.s32 s5, s19;
	[sflag:s12] =	ssyncadd.s32 $0xFFFFFFC0  }
0x2d: {  	[tilespmem:s14], [sflag:$0x2] =	stream.linear.gather [hbm4b:s19+s18], $0x500, $0x38;
	[tilespmem:$0x18F80] =	vst v63  }
0x2e: {  	_ =	swait.ge [sflag:s12], $0x500  }
0x2f: {  	[sflag:s12] =	ssyncset.done $0x0  }
0x30: {  	[sflag:s12] =	ssyncadd.s32 $0xFFFFFB00  }
0x31: {  	[tilespmem:s15], [sflag:$0x1] =	stream.indirect.gather [hbm4b:s6+s13], $0x40, s18, s13, $0xb8;
	[tilespmem:$0x18F80] =	vst v63  }
0x32: {  	_ = 	snop  }
0x33: {  	[tilespmem:s16], [sflag:$0x1] =	stream.indirect.gather [hbm4b:s7+s13], $0x40, s13, s13, $0xb8;
	[tilespmem:$0x18F80] =	vst v63  }
0x34: {  	_ = 	snop  }
0x35: {  	[tilespmem:s17], [sflag:$0x1] =	stream.indirect.gather [hbm4b:s7+s14], $0x40, s14, s14, $0xb8;
	[tilespmem:$0x18F80] =	vst v63  }
0x36: {  	s21 =	simm.s32 $0x4580;
	s20 =	simm.s32 $0x100  }
0x37: {  	[tilespmem:s21], [sflag:$0x1] =	stream.indirect.gather [hbm4b:s7+s14], $0x40, s20, s14, $0xb8;
	[tilespmem:$0x18F80] =	vst v63  }
0x38: {  	s20 =	simm.s32 $0x180;
	s21 =	simm.s32 $0x6580  }
0x39: {  	[tilespmem:s21], [sflag:$0x1] =	stream.indirect.gather [hbm4b:s7+s14], $0x40, s20, s14, $0xb8;
	[tilespmem:$0x18F80] =	vst v63  }
0x3a: {  	_ = 	snop  }
0x3b: {  	[tilespmem:s23], [sflag:$0x1] =	stream.indirect.gather [hbm4b:s7+s14], $0x40, s22, s14, $0xb8;
	[tilespmem:$0x18F80] =	vst v63  }
0x3c: {  	_ = 	snop  }
0x3d: {  	[tilespmem:s25], [sflag:$0x1] =	stream.indirect.gather [hbm4b:s7+s14], $0x40, s24, s14, $0xb8;
	[tilespmem:$0x18F80] =	vst v63  }
0x3e: {  	_ = 	snop  }
0x3f: {  	[tilespmem:s28], [sflag:$0x1] =	stream.indirect.gather [hbm4b:s7+s14], $0x40, s26, s14, $0xb8;
	[tilespmem:$0x18F80] =	vst v63  }
0x40: {  	_ = 	snop  }
0x41: {  	[tilespmem:s30], [sflag:$0x1] =	stream.indirect.gather [hbm4b:s7+s14], $0x40, s29, s14, $0xb8;
	[tilespmem:$0x18F80] =	vst v63  }
0x42: {  	_ = 	snop  }
0x43: {  	[tilespmem:s2], [sflag:$0x1] =	stream.indirect.gather [hbm4b:s7+s14], $0x40, s31, s14, $0xb8;
	[tilespmem:$0x18F80] =	vst v63  }
0x44: {  	_ = 	snop  }
0x45: {  	[tilespmem:s4], [sflag:$0x1] =	stream.indirect.gather [hbm4b:s7+s14], $0x40, s3, s14, $0xb8;
	[tilespmem:$0x18F80] =	vst v63  }
0x46: {  	_ = 	snop  }
0x47: {  	[tilespmem:s10], [sflag:$0x1] =	stream.indirect.gather [hbm4b:s7+s14], $0x40, s9, s14, $0xb8;
	[tilespmem:$0x18F80] =	vst v63  }
0x48: {  	_ =	swait.ge [sflag:s11], $0x1000  }
0x49: {  	[sflag:s11] =	ssyncset.done $0x0  }
0x4a: {  	[sflag:s11] =	ssyncadd.s32 $0xFFFFF000  }
0x4b: {  	_ =	swait.ge [sflag:s11], $0x1000  }
0x4c: {  	[sflag:s11] =	ssyncset.done $0x0  }
0x4d: {  	[sflag:s11] =	ssyncadd.s32 $0xFFFFF000  }
0x4e: {  	_ =	swait.ge [sflag:s11], $0x2000  }
0x4f: {  	[sflag:s11] =	ssyncset.done $0x0  }
0x50: {  	[sflag:s11] =	ssyncadd.s32 $0xFFFFE000  }
0x51: {  	_ =	swait.ge [sflag:s11], $0x2000  }
0x52: {  	[sflag:s11] =	ssyncset.done $0x0  }
0x53: {  	[sflag:s11] =	ssyncadd.s32 $0xFFFFE000  }
0x54: {  	_ =	swait.ge [sflag:s11], $0x2000  }
0x55: {  	[sflag:s11] =	ssyncset.done $0x0  }
0x56: {  	[sflag:s11] =	ssyncadd.s32 $0xFFFFE000  }
0x57: {  	_ =	swait.ge [sflag:s11], $0x2000  }
0x58: {  	[sflag:s11] =	ssyncset.done $0x0  }
0x59: {  	[sflag:s11] =	ssyncadd.s32 $0xFFFFE000  }
0x5a: {  	_ =	swait.ge [sflag:s11], $0x2000  }
0x5b: {  	[sflag:s11] =	ssyncset.done $0x0  }
0x5c: {  	[sflag:s11] =	ssyncadd.s32 $0xFFFFE000  }
0x5d: {  	_ =	swait.ge [sflag:s11], $0x2000  }
0x5e: {  	[sflag:s11] =	ssyncset.done $0x0  }
0x5f: {  	[sflag:s11] =	ssyncadd.s32 $0xFFFFE000  }
0x60: {  	_ =	swait.ge [sflag:s11], $0x2000  }
0x61: {  	[sflag:s11] =	ssyncset.done $0x0  }
0x62: {  	[sflag:s11] =	ssyncadd.s32 $0xFFFFE000  }
0x63: {  	_ =	swait.ge [sflag:s11], $0x2000  }
0x64: {  	[sflag:s11] =	ssyncset.done $0x0  }
0x65: {  	[sflag:s11] =	ssyncadd.s32 $0xFFFFE000  }
0x66: {  	_ =	swait.ge [sflag:s11], $0x2000  }
0x67: {  	[sflag:s11] =	ssyncset.done $0x0  }
0x68: {  	[sflag:s11] =	ssyncadd.s32 $0xFFFFE000  }
0x69: {  	_ =	swait.ge [sflag:s11], $0x2000  }
0x6a: {  	[sflag:s11] =	ssyncset.done $0x0  }
0x6b: {  	[sflag:s11] =	ssyncadd.s32 $0xFFFFE000  }
0x6c: {  	[tilespmem:s1+$0x16580] =	vst v6  }
0x6d: {  	[tilespmem:s1+$0x16780] =	vst v6  }
0x6e: {  	[tilespmem:s1+$0x16980] =	vst v6  }
0x6f: {  	[tilespmem:s1+$0x16B80] =	vst v6  }
0x70: {  	[tilespmem:s1+$0x16D80] =	vst v6  }
0x71: {  	[tilespmem:s1+$0x16F80] =	vst v6  }
0x72: {  	[tilespmem:s1+$0x17180] =	vst v6  }
0x73: {  	[tilespmem:s1+$0x17380] =	vst v6  }
0x74: {  	[tilespmem:s1+$0x17580] =	vst v6  }
0x75: {  	[tilespmem:s1+$0x17780] =	vst v6  }
0x76: {  	[tilespmem:s1+$0x17980] =	vst v6  }
0x77: {  	[tilespmem:s1+$0x17B80] =	vst v6  }
0x78: {  	v1 =	vmov s18;
	[tilespmem:s1+$0x17D80] =	vst v6  }
0x79: {  	v1 =	vand.u32 $0x3F, v1;
	[tilespmem:s1+$0x17F80] =	vst v6  }
0x7a: {  	v2 =	vbroadcast v1, $0x0;
	[tilespmem:s1+$0x18180] =	vst v6  }
0x7b: {  	[tilespmem:s1+$0x18380] =	vst v6  }
0x7c: {  	v3 =	vor.u32 v7, v2;
	[tilespmem:s1+$0x18580] =	vst v6  }
0x7d: {  	[tilespmem:s1+$0x18780] =	vst v6  }
0x7e: {  	[tilespmem:s1+$0x18980] =	vst v6  }
0x7f: {  	[tilespmem:s1+$0x18B80] =	vst v6  }
0x80: {  	[tilespmem:s1+$0x18D80] =	vst v6  }
0x81: {  	v1 =	vld.idx.msk [tilespmem:v3+s15+$0x0], $0xffff  }
0x82: {  	v3 =	vld.idx.msk [tilespmem:v3+s16+$0x0], $0xffff;
	_ =	sdelay $0x2  }
0x83: {  	v4 =	vor.u32 v26, v2;
	_ =	sdelay $0x1  }
0x84: {  	v3 =	vmul.f32 v3, v1;
	_ =	sdelay $0x1  }
0x85: {  	[tilespmem:s1+$0x16580] =	vst.add.f32.msk $0xffff, v3  }
0x86: {  	v3 =	vld.idx.msk [tilespmem:v4+s17+$0x0], $0xffff;
	_ =	sdelay $0x2  }
0x87: {  	v4 =	vor.u32 v5, v2;
	_ =	sdelay $0x1  }
0x88: {  	v3 =	vmul.f32 v3, v1;
	_ =	sdelay $0x1  }
0x89: {  	[tilespmem:s1+$0x16780] =	vst.add.f32.msk $0xffff, v3  }
0x8a: {  	v3 =	vld.idx.msk [tilespmem:v4+s17+$0x0], $0xffff;
	_ =	sdelay $0x2  }
0x8b: {  	v4 =	vor.u32 v8, v2;
	_ =	sdelay $0x1  }
0x8c: {  	v3 =	vmul.f32 v3, v1;
	_ =	sdelay $0x1  }
0x8d: {  	[tilespmem:s1+$0x16980] =	vst.add.f32.msk $0xffff, v3  }
0x8e: {  	v3 =	vld.idx.msk [tilespmem:v4+s17+$0x0], $0xffff;
	_ =	sdelay $0x2  }
0x8f: {  	v4 =	vor.u32 v9, v2;
	_ =	sdelay $0x1  }
0x90: {  	v3 =	vmul.f32 v3, v1;
	_ =	sdelay $0x1  }
0x91: {  	[tilespmem:s1+$0x16B80] =	vst.add.f32.msk $0xffff, v3  }
0x92: {  	v3 =	vld.idx.msk [tilespmem:v4+s17+$0x0], $0xffff;
	_ =	sdelay $0x2  }
0x93: {  	v4 =	vor.u32 v10, v2;
	_ =	sdelay $0x1  }
0x94: {  	v3 =	vmul.f32 v3, v1;
	_ =	sdelay $0x1  }
0x95: {  	[tilespmem:s1+$0x16D80] =	vst.add.f32.msk $0xffff, v3  }
0x96: {  	v3 =	vld.idx.msk [tilespmem:v4+s17+$0x0], $0xffff;
	_ =	sdelay $0x2  }
0x97: {  	v4 =	vor.u32 v11, v2;
	_ =	sdelay $0x1  }
0x98: {  	v3 =	vmul.f32 v3, v1;
	_ =	sdelay $0x1  }
0x99: {  	[tilespmem:s1+$0x16F80] =	vst.add.f32.msk $0xffff, v3  }
0x9a: {  	v3 =	vld.idx.msk [tilespmem:v4+s17+$0x0], $0xffff;
	_ =	sdelay $0x2  }
0x9b: {  	v4 =	vor.u32 v12, v2;
	_ =	sdelay $0x1  }
0x9c: {  	v3 =	vmul.f32 v3, v1;
	_ =	sdelay $0x1  }
0x9d: {  	[tilespmem:s1+$0x17180] =	vst.add.f32.msk $0xffff, v3  }
0x9e: {  	v3 =	vld.idx.msk [tilespmem:v4+s17+$0x0], $0xffff;
	_ =	sdelay $0x2  }
0x9f: {  	v4 =	vor.u32 v13, v2;
	_ =	sdelay $0x1  }
0xa0: {  	v3 =	vmul.f32 v3, v1;
	_ =	sdelay $0x1  }
0xa1: {  	[tilespmem:s1+$0x17380] =	vst.add.f32.msk $0xffff, v3  }
0xa2: {  	v3 =	vld.idx.msk [tilespmem:v4+s17+$0x0], $0xffff;
	_ =	sdelay $0x2  }
0xa3: {  	v4 =	vor.u32 v14, v2;
	_ =	sdelay $0x1  }
0xa4: {  	v3 =	vmul.f32 v3, v1;
	_ =	sdelay $0x1  }
0xa5: {  	[tilespmem:s1+$0x17580] =	vst.add.f32.msk $0xffff, v3  }
0xa6: {  	v3 =	vld.idx.msk [tilespmem:v4+s17+$0x0], $0xffff;
	_ =	sdelay $0x2  }
0xa7: {  	v4 =	vor.u32 v15, v2;
	_ =	sdelay $0x1  }
0xa8: {  	v3 =	vmul.f32 v3, v1;
	_ =	sdelay $0x1  }
0xa9: {  	[tilespmem:s1+$0x17780] =	vst.add.f32.msk $0xffff, v3  }
0xaa: {  	v3 =	vld.idx.msk [tilespmem:v4+s17+$0x0], $0xffff;
	_ =	sdelay $0x2  }
0xab: {  	v4 =	vor.u32 v16, v2;
	_ =	sdelay $0x1  }
0xac: {  	v3 =	vmul.f32 v3, v1;
	_ =	sdelay $0x1  }
0xad: {  	[tilespmem:s1+$0x17980] =	vst.add.f32.msk $0xffff, v3  }
0xae: {  	v3 =	vld.idx.msk [tilespmem:v4+s17+$0x0], $0xffff;
	_ =	sdelay $0x2  }
0xaf: {  	v4 =	vor.u32 v17, v2;
	_ =	sdelay $0x1  }
0xb0: {  	v3 =	vmul.f32 v3, v1;
	_ =	sdelay $0x1  }
0xb1: {  	[tilespmem:s1+$0x17B80] =	vst.add.f32.msk $0xffff, v3  }
0xb2: {  	v3 =	vld.idx.msk [tilespmem:v4+s17+$0x0], $0xffff;
	_ =	sdelay $0x2  }
0xb3: {  	v4 =	vor.u32 v18, v2;
	_ =	sdelay $0x1  }
0xb4: {  	v3 =	vmul.f32 v3, v1;
	_ =	sdelay $0x1  }
0xb5: {  	[tilespmem:s1+$0x17D80] =	vst.add.f32.msk $0xffff, v3  }
0xb6: {  	v3 =	vld.idx.msk [tilespmem:v4+s17+$0x0], $0xffff;
	_ =	sdelay $0x2  }
0xb7: {  	v4 =	vor.u32 v19, v2;
	_ =	sdelay $0x1  }
0xb8: {  	v3 =	vmul.f32 v3, v1;
	_ =	sdelay $0x1  }
0xb9: {  	[tilespmem:s1+$0x17F80] =	vst.add.f32.msk $0xffff, v3  }
0xba: {  	v3 =	vld.idx.msk [tilespmem:v4+s17+$0x0], $0xffff;
	_ =	sdelay $0x2  }
0xbb: {  	v4 =	vor.u32 v20, v2;
	_ =	sdelay $0x1  }
0xbc: {  	v3 =	vmul.f32 v3, v1;
	_ =	sdelay $0x1  }
0xbd: {  	[tilespmem:s1+$0x18180] =	vst.add.f32.msk $0xffff, v3  }
0xbe: {  	v3 =	vld.idx.msk [tilespmem:v4+s17+$0x0], $0xffff;
	_ =	sdelay $0x2  }
0xbf: {  	v4 =	vor.u32 v21, v2;
	_ =	sdelay $0x1  }
0xc0: {  	v3 =	vmul.f32 v3, v1;
	_ =	sdelay $0x1  }
0xc1: {  	[tilespmem:s1+$0x18380] =	vst.add.f32.msk $0xffff, v3  }
0xc2: {  	v3 =	vld.idx.msk [tilespmem:v4+s17+$0x0], $0xffff;
	_ =	sdelay $0x2  }
0xc3: {  	v4 =	vor.u32 v22, v2;
	_ =	sdelay $0x1  }
0xc4: {  	v3 =	vmul.f32 v3, v1;
	_ =	sdelay $0x1  }
0xc5: {  	[tilespmem:s1+$0x18580] =	vst.add.f32.msk $0xffff, v3  }
0xc6: {  	v3 =	vld.idx.msk [tilespmem:v4+s17+$0x0], $0xffff;
	_ =	sdelay $0x2  }
0xc7: {  	v4 =	vor.u32 v23, v2;
	_ =	sdelay $0x1  }
0xc8: {  	v3 =	vmul.f32 v3, v1;
	_ =	sdelay $0x1  }
0xc9: {  	[tilespmem:s1+$0x18780] =	vst.add.f32.msk $0xffff, v3  }
0xca: {  	v3 =	vld.idx.msk [tilespmem:v4+s17+$0x0], $0xffff;
	_ =	sdelay $0x2  }
0xcb: {  	v4 =	vor.u32 v24, v2;
	_ =	sdelay $0x1  }
0xcc: {  	v3 =	vmul.f32 v3, v1;
	_ =	sdelay $0x1  }
0xcd: {  	[tilespmem:s1+$0x18980] =	vst.add.f32.msk $0xffff, v3  }
0xce: {  	v3 =	vld.idx.msk [tilespmem:v4+s17+$0x0], $0xffff;
	_ =	sdelay $0x2  }
0xcf: {  	v2 =	vor.u32 v63, v2;
	_ =	sdelay $0x1  }
0xd0: {  	v3 =	vmul.f32 v3, v1  }
0xd1: {  	s21 =	simm.s32 $0x1  }
0xd2: {  	v4 =	vmov s21;
	[tilespmem:s1+$0x18B80] =	vst.add.f32.msk $0xffff, v3  }
0xd3: {  	s18 =	simm.s32 $0x2;
	v3 =	vld.idx.msk [tilespmem:v2+s17+$0x0], $0xffff;
	v2 =	vand.u32 $0x3F, v4  }
.LBB2_3:
0xd4: {  	p0 =	sne.s32 s18, $0x3F;
	v2 =	vbroadcast v2, $0x0;
	_ =	sdelay $0x1  }
0xd5: {  	v4 =	vor.u32 v7, v2;
	_ =	sdelay $0x1  }
0xd6: {  	v1 =	vmul.f32 v3, v1;
	_ =	sdelay $0x1  }
0xd7: {  	[tilespmem:s1+$0x18D80] =	vst.add.f32.msk $0xffff, v1  }
0xd8: {  	v1 =	vld.idx.msk [tilespmem:v4+s15+$0x0], $0xffff  }
0xd9: {  	v3 =	vld.idx.msk [tilespmem:v4+s16+$0x0], $0xffff;
	_ =	sdelay $0x3  }
0xda: {  	v4 =	vor.u32 v26, v2;
	_ =	sdelay $0x1  }
0xdb: {  	v3 =	vmul.f32 v3, v1;
	_ =	sdelay $0x1  }
0xdc: {  	[tilespmem:s1+$0x16580] =	vst.add.f32.msk $0xffff, v3  }
0xdd: {  	v3 =	vld.idx.msk [tilespmem:v4+s17+$0x0], $0xffff;
	_ =	sdelay $0x3  }
0xde: {  	v4 =	vor.u32 v5, v2;
	_ =	sdelay $0x1  }
0xdf: {  	v3 =	vmul.f32 v3, v1;
	_ =	sdelay $0x1  }
0xe0: {  	[tilespmem:s1+$0x16780] =	vst.add.f32.msk $0xffff, v3  }
0xe1: {  	v3 =	vld.idx.msk [tilespmem:v4+s17+$0x0], $0xffff;
	_ =	sdelay $0x3  }
0xe2: {  	v4 =	vor.u32 v8, v2;
	_ =	sdelay $0x1  }
0xe3: {  	v3 =	vmul.f32 v3, v1;
	_ =	sdelay $0x1  }
0xe4: {  	[tilespmem:s1+$0x16980] =	vst.add.f32.msk $0xffff, v3  }
0xe5: {  	v3 =	vld.idx.msk [tilespmem:v4+s17+$0x0], $0xffff;
	_ =	sdelay $0x3  }
0xe6: {  	v4 =	vor.u32 v9, v2;
	_ =	sdelay $0x1  }
0xe7: {  	v3 =	vmul.f32 v3, v1;
	_ =	sdelay $0x1  }
0xe8: {  	[tilespmem:s1+$0x16B80] =	vst.add.f32.msk $0xffff, v3  }
0xe9: {  	v3 =	vld.idx.msk [tilespmem:v4+s17+$0x0], $0xffff;
	_ =	sdelay $0x3  }
0xea: {  	v4 =	vor.u32 v10, v2;
	_ =	sdelay $0x1  }
0xeb: {  	v3 =	vmul.f32 v3, v1;
	_ =	sdelay $0x1  }
0xec: {  	[tilespmem:s1+$0x16D80] =	vst.add.f32.msk $0xffff, v3  }
0xed: {  	v3 =	vld.idx.msk [tilespmem:v4+s17+$0x0], $0xffff;
	_ =	sdelay $0x3  }
0xee: {  	v4 =	vor.u32 v11, v2;
	_ =	sdelay $0x1  }
0xef: {  	v3 =	vmul.f32 v3, v1;
	_ =	sdelay $0x1  }
0xf0: {  	[tilespmem:s1+$0x16F80] =	vst.add.f32.msk $0xffff, v3  }
0xf1: {  	v3 =	vld.idx.msk [tilespmem:v4+s17+$0x0], $0xffff;
	_ =	sdelay $0x3  }
0xf2: {  	v4 =	vor.u32 v12, v2;
	_ =	sdelay $0x1  }
0xf3: {  	v3 =	vmul.f32 v3, v1;
	_ =	sdelay $0x1  }
0xf4: {  	[tilespmem:s1+$0x17180] =	vst.add.f32.msk $0xffff, v3  }
0xf5: {  	v3 =	vld.idx.msk [tilespmem:v4+s17+$0x0], $0xffff;
	_ =	sdelay $0x3  }
0xf6: {  	v4 =	vor.u32 v13, v2;
	_ =	sdelay $0x1  }
0xf7: {  	v3 =	vmul.f32 v3, v1;
	_ =	sdelay $0x1  }
0xf8: {  	[tilespmem:s1+$0x17380] =	vst.add.f32.msk $0xffff, v3  }
0xf9: {  	v3 =	vld.idx.msk [tilespmem:v4+s17+$0x0], $0xffff;
	_ =	sdelay $0x3  }
0xfa: {  	v4 =	vor.u32 v14, v2;
	_ =	sdelay $0x1  }
0xfb: {  	v3 =	vmul.f32 v3, v1;
	_ =	sdelay $0x1  }
0xfc: {  	[tilespmem:s1+$0x17580] =	vst.add.f32.msk $0xffff, v3  }
0xfd: {  	v3 =	vld.idx.msk [tilespmem:v4+s17+$0x0], $0xffff;
	_ =	sdelay $0x3  }
0xfe: {  	v4 =	vor.u32 v15, v2;
	_ =	sdelay $0x1  }
0xff: {  	v3 =	vmul.f32 v3, v1;
	_ =	sdelay $0x1  }
0x100: {  	[tilespmem:s1+$0x17780] =	vst.add.f32.msk $0xffff, v3  }
0x101: {  	v3 =	vld.idx.msk [tilespmem:v4+s17+$0x0], $0xffff;
	_ =	sdelay $0x3  }
0x102: {  	v4 =	vor.u32 v16, v2;
	_ =	sdelay $0x1  }
0x103: {  	v3 =	vmul.f32 v3, v1;
	_ =	sdelay $0x1  }
0x104: {  	[tilespmem:s1+$0x17980] =	vst.add.f32.msk $0xffff, v3  }
0x105: {  	v3 =	vld.idx.msk [tilespmem:v4+s17+$0x0], $0xffff;
	_ =	sdelay $0x3  }
0x106: {  	v4 =	vor.u32 v17, v2;
	_ =	sdelay $0x1  }
0x107: {  	v3 =	vmul.f32 v3, v1;
	_ =	sdelay $0x1  }
0x108: {  	[tilespmem:s1+$0x17B80] =	vst.add.f32.msk $0xffff, v3  }
0x109: {  	v3 =	vld.idx.msk [tilespmem:v4+s17+$0x0], $0xffff;
	_ =	sdelay $0x3  }
0x10a: {  	v4 =	vor.u32 v18, v2;
	_ =	sdelay $0x1  }
0x10b: {  	v3 =	vmul.f32 v3, v1;
	_ =	sdelay $0x1  }
0x10c: {  	[tilespmem:s1+$0x17D80] =	vst.add.f32.msk $0xffff, v3  }
0x10d: {  	v3 =	vld.idx.msk [tilespmem:v4+s17+$0x0], $0xffff;
	_ =	sdelay $0x3  }
0x10e: {  	v4 =	vor.u32 v19, v2;
	_ =	sdelay $0x1  }
0x10f: {  	v3 =	vmul.f32 v3, v1;
	_ =	sdelay $0x1  }
0x110: {  	[tilespmem:s1+$0x17F80] =	vst.add.f32.msk $0xffff, v3  }
0x111: {  	v3 =	vld.idx.msk [tilespmem:v4+s17+$0x0], $0xffff;
	_ =	sdelay $0x3  }
0x112: {  	v4 =	vor.u32 v20, v2;
	_ =	sdelay $0x1  }
0x113: {  	v3 =	vmul.f32 v3, v1;
	_ =	sdelay $0x1  }
0x114: {  	[tilespmem:s1+$0x18180] =	vst.add.f32.msk $0xffff, v3  }
0x115: {  	v3 =	vld.idx.msk [tilespmem:v4+s17+$0x0], $0xffff;
	_ =	sdelay $0x3  }
0x116: {  	v4 =	vor.u32 v21, v2;
	_ =	sdelay $0x1  }
0x117: {  	v3 =	vmul.f32 v3, v1;
	_ =	sdelay $0x1  }
0x118: {  	[tilespmem:s1+$0x18380] =	vst.add.f32.msk $0xffff, v3  }
0x119: {  	v3 =	vld.idx.msk [tilespmem:v4+s17+$0x0], $0xffff;
	_ =	sdelay $0x3  }
0x11a: {  	v4 =	vor.u32 v22, v2;
	_ =	sdelay $0x1  }
0x11b: {  	v3 =	vmul.f32 v3, v1;
	_ =	sdelay $0x1  }
0x11c: {  	[tilespmem:s1+$0x18580] =	vst.add.f32.msk $0xffff, v3  }
0x11d: {  	v3 =	vld.idx.msk [tilespmem:v4+s17+$0x0], $0xffff;
	_ =	sdelay $0x3  }
0x11e: {  	v4 =	vor.u32 v23, v2;
	_ =	sdelay $0x1  }
0x11f: {  	v3 =	vmul.f32 v3, v1;
	_ =	sdelay $0x1  }
0x120: {  	[tilespmem:s1+$0x18780] =	vst.add.f32.msk $0xffff, v3  }
0x121: {  	v3 =	vld.idx.msk [tilespmem:v4+s17+$0x0], $0xffff;
	_ =	sdelay $0x3  }
0x122: {  	v4 =	vor.u32 v24, v2;
	_ =	sdelay $0x1  }
0x123: {  	v3 =	vmul.f32 v3, v1;
	_ =	sdelay $0x1  }
0x124: {  	[tilespmem:s1+$0x18980] =	vst.add.f32.msk $0xffff, v3  }
0x125: {  	v3 =	vld.idx.msk [tilespmem:v4+s17+$0x0], $0xffff;
	_ =	sdelay $0x3  }
0x126: {  	v2 =	vor.u32 v63, v2;
	_ =	sdelay $0x1  }
.Ltmp0:
0x127: {  	v3 =	vmul.f32 v3, v1;
	(pc) =	sbr.rel @p0 .LBB2_3-.Ltmp0, $4  }
0x128: {  	_ = 	snop  }
0x129: {  	[tilespmem:s1+$0x18B80] =	vst.add.f32.msk $0xffff, v3  }
0x12a: {  	v4 =	vmov s18;
	v3 =	vld.idx.msk [tilespmem:v2+s17+$0x0], $0xffff  }
0x12b: {  	s18 =	sadd.s32 $0x1, s18;
	v2 =	vand.u32 $0x3F, v4  }
0x12c: {  	v2 =	vbroadcast v2, $0x0;
	_ =	sdelay $0x1  }
0x12d: {  	v4 =	vor.u32 v7, v2;
	_ =	sdelay $0x1  }
0x12e: {  	v1 =	vmul.f32 v3, v1;
	_ =	sdelay $0x1  }
0x12f: {  	[tilespmem:s1+$0x18D80] =	vst.add.f32.msk $0xffff, v1  }
0x130: {  	v1 =	vld.idx.msk [tilespmem:v4+s15+$0x0], $0xffff  }
0x131: {  	v3 =	vld.idx.msk [tilespmem:v4+s16+$0x0], $0xffff;
	_ =	sdelay $0x2  }
0x132: {  	v4 =	vor.u32 v26, v2;
	_ =	sdelay $0x1  }
0x133: {  	v3 =	vmul.f32 v3, v1;
	_ =	sdelay $0x1  }
0x134: {  	[tilespmem:s1+$0x16580] =	vst.add.f32.msk $0xffff, v3  }
0x135: {  	v3 =	vld.idx.msk [tilespmem:v4+s17+$0x0], $0xffff;
	_ =	sdelay $0x2  }
0x136: {  	v4 =	vor.u32 v5, v2;
	_ =	sdelay $0x1  }
0x137: {  	v3 =	vmul.f32 v3, v1;
	_ =	sdelay $0x1  }
0x138: {  	[tilespmem:s1+$0x16780] =	vst.add.f32.msk $0xffff, v3  }
0x139: {  	v3 =	vld.idx.msk [tilespmem:v4+s17+$0x0], $0xffff;
	_ =	sdelay $0x2  }
0x13a: {  	v4 =	vor.u32 v8, v2;
	_ =	sdelay $0x1  }
0x13b: {  	v3 =	vmul.f32 v3, v1;
	_ =	sdelay $0x1  }
0x13c: {  	[tilespmem:s1+$0x16980] =	vst.add.f32.msk $0xffff, v3  }
0x13d: {  	v3 =	vld.idx.msk [tilespmem:v4+s17+$0x0], $0xffff;
	_ =	sdelay $0x2  }
0x13e: {  	v4 =	vor.u32 v9, v2;
	_ =	sdelay $0x1  }
0x13f: {  	v3 =	vmul.f32 v3, v1;
	_ =	sdelay $0x1  }
0x140: {  	[tilespmem:s1+$0x16B80] =	vst.add.f32.msk $0xffff, v3  }
0x141: {  	v3 =	vld.idx.msk [tilespmem:v4+s17+$0x0], $0xffff;
	_ =	sdelay $0x2  }
0x142: {  	v4 =	vor.u32 v10, v2;
	_ =	sdelay $0x1  }
0x143: {  	v3 =	vmul.f32 v3, v1;
	_ =	sdelay $0x1  }
0x144: {  	[tilespmem:s1+$0x16D80] =	vst.add.f32.msk $0xffff, v3  }
0x145: {  	v3 =	vld.idx.msk [tilespmem:v4+s17+$0x0], $0xffff;
	_ =	sdelay $0x2  }
0x146: {  	v4 =	vor.u32 v11, v2;
	_ =	sdelay $0x1  }
0x147: {  	v3 =	vmul.f32 v3, v1;
	_ =	sdelay $0x1  }
0x148: {  	[tilespmem:s1+$0x16F80] =	vst.add.f32.msk $0xffff, v3  }
0x149: {  	v3 =	vld.idx.msk [tilespmem:v4+s17+$0x0], $0xffff;
	_ =	sdelay $0x2  }
0x14a: {  	v4 =	vor.u32 v12, v2;
	_ =	sdelay $0x1  }
0x14b: {  	v3 =	vmul.f32 v3, v1;
	_ =	sdelay $0x1  }
0x14c: {  	[tilespmem:s1+$0x17180] =	vst.add.f32.msk $0xffff, v3  }
0x14d: {  	v3 =	vld.idx.msk [tilespmem:v4+s17+$0x0], $0xffff;
	_ =	sdelay $0x2  }
0x14e: {  	v4 =	vor.u32 v13, v2;
	_ =	sdelay $0x1  }
0x14f: {  	v3 =	vmul.f32 v3, v1;
	_ =	sdelay $0x1  }
0x150: {  	[tilespmem:s1+$0x17380] =	vst.add.f32.msk $0xffff, v3  }
0x151: {  	v3 =	vld.idx.msk [tilespmem:v4+s17+$0x0], $0xffff;
	_ =	sdelay $0x2  }
0x152: {  	v4 =	vor.u32 v14, v2;
	_ =	sdelay $0x1  }
0x153: {  	v3 =	vmul.f32 v3, v1;
	_ =	sdelay $0x1  }
0x154: {  	[tilespmem:s1+$0x17580] =	vst.add.f32.msk $0xffff, v3  }
0x155: {  	v3 =	vld.idx.msk [tilespmem:v4+s17+$0x0], $0xffff;
	_ =	sdelay $0x2  }
0x156: {  	v4 =	vor.u32 v15, v2;
	_ =	sdelay $0x1  }
0x157: {  	v3 =	vmul.f32 v3, v1;
	_ =	sdelay $0x1  }
0x158: {  	[tilespmem:s1+$0x17780] =	vst.add.f32.msk $0xffff, v3  }
0x159: {  	v3 =	vld.idx.msk [tilespmem:v4+s17+$0x0], $0xffff;
	_ =	sdelay $0x2  }
0x15a: {  	v4 =	vor.u32 v16, v2;
	_ =	sdelay $0x1  }
0x15b: {  	v3 =	vmul.f32 v3, v1;
	_ =	sdelay $0x1  }
0x15c: {  	[tilespmem:s1+$0x17980] =	vst.add.f32.msk $0xffff, v3  }
0x15d: {  	v3 =	vld.idx.msk [tilespmem:v4+s17+$0x0], $0xffff;
	_ =	sdelay $0x2  }
0x15e: {  	v4 =	vor.u32 v17, v2;
	_ =	sdelay $0x1  }
0x15f: {  	v3 =	vmul.f32 v3, v1;
	_ =	sdelay $0x1  }
0x160: {  	[tilespmem:s1+$0x17B80] =	vst.add.f32.msk $0xffff, v3  }
0x161: {  	v3 =	vld.idx.msk [tilespmem:v4+s17+$0x0], $0xffff;
	_ =	sdelay $0x2  }
0x162: {  	v4 =	vor.u32 v18, v2;
	_ =	sdelay $0x1  }
0x163: {  	v3 =	vmul.f32 v3, v1;
	_ =	sdelay $0x1  }
0x164: {  	[tilespmem:s1+$0x17D80] =	vst.add.f32.msk $0xffff, v3  }
0x165: {  	v3 =	vld.idx.msk [tilespmem:v4+s17+$0x0], $0xffff;
	_ =	sdelay $0x2  }
0x166: {  	v4 =	vor.u32 v19, v2;
	_ =	sdelay $0x1  }
0x167: {  	v3 =	vmul.f32 v3, v1;
	_ =	sdelay $0x1  }
0x168: {  	[tilespmem:s1+$0x17F80] =	vst.add.f32.msk $0xffff, v3  }
0x169: {  	v3 =	vld.idx.msk [tilespmem:v4+s17+$0x0], $0xffff;
	_ =	sdelay $0x2  }
0x16a: {  	v4 =	vor.u32 v20, v2;
	_ =	sdelay $0x1  }
0x16b: {  	v3 =	vmul.f32 v3, v1;
	_ =	sdelay $0x1  }
0x16c: {  	[tilespmem:s1+$0x18180] =	vst.add.f32.msk $0xffff, v3  }
0x16d: {  	v3 =	vld.idx.msk [tilespmem:v4+s17+$0x0], $0xffff;
	_ =	sdelay $0x2  }
0x16e: {  	v4 =	vor.u32 v21, v2;
	_ =	sdelay $0x1  }
0x16f: {  	v3 =	vmul.f32 v3, v1;
	_ =	sdelay $0x1  }
0x170: {  	[tilespmem:s1+$0x18380] =	vst.add.f32.msk $0xffff, v3  }
0x171: {  	v3 =	vld.idx.msk [tilespmem:v4+s17+$0x0], $0xffff;
	_ =	sdelay $0x2  }
0x172: {  	v4 =	vor.u32 v22, v2;
	_ =	sdelay $0x1  }
0x173: {  	v3 =	vmul.f32 v3, v1;
	_ =	sdelay $0x1  }
0x174: {  	[tilespmem:s1+$0x18580] =	vst.add.f32.msk $0xffff, v3  }
0x175: {  	v3 =	vld.idx.msk [tilespmem:v4+s17+$0x0], $0xffff;
	_ =	sdelay $0x2  }
0x176: {  	v4 =	vor.u32 v23, v2;
	_ =	sdelay $0x1  }
0x177: {  	v3 =	vmul.f32 v3, v1;
	_ =	sdelay $0x1  }
0x178: {  	[tilespmem:s1+$0x18780] =	vst.add.f32.msk $0xffff, v3  }
0x179: {  	v3 =	vld.idx.msk [tilespmem:v4+s17+$0x0], $0xffff;
	_ =	sdelay $0x2  }
0x17a: {  	v4 =	vor.u32 v24, v2;
	_ =	sdelay $0x1  }
0x17b: {  	v3 =	vmul.f32 v3, v1;
	_ =	sdelay $0x1  }
0x17c: {  	[tilespmem:s1+$0x18980] =	vst.add.f32.msk $0xffff, v3  }
0x17d: {  	v3 =	vld.idx.msk [tilespmem:v4+s17+$0x0], $0xffff;
	_ =	sdelay $0x2  }
0x17e: {  	v2 =	vor.u32 v63, v2;
	_ =	sdelay $0x1  }
0x17f: {  	v3 =	vmul.f32 v3, v1;
	_ =	sdelay $0x1  }
0x180: {  	[tilespmem:s1+$0x18B80] =	vst.add.f32.msk $0xffff, v3  }
0x181: {  	v2 =	vld.idx.msk [tilespmem:v2+s17+$0x0], $0xffff;
	[tilespmem:s1+$0x16590] =	vst v6  }
0x182: {  	[tilespmem:s1+$0x16790] =	vst v6  }
0x183: {  	[tilespmem:s1+$0x16990] =	vst v6  }
0x184: {  	[tilespmem:s1+$0x16B90] =	vst v6  }
0x185: {  	[tilespmem:s1+$0x16D90] =	vst v6  }
0x186: {  	[tilespmem:s1+$0x16F90] =	vst v6  }
0x187: {  	[tilespmem:s1+$0x17190] =	vst v6  }
0x188: {  	[tilespmem:s1+$0x17390] =	vst v6  }
0x189: {  	[tilespmem:s1+$0x17590] =	vst v6  }
0x18a: {  	[tilespmem:s1+$0x17790] =	vst v6  }
0x18b: {  	[tilespmem:s1+$0x17990] =	vst v6  }
0x18c: {  	[tilespmem:s1+$0x17B90] =	vst v6;
	v1 =	vmul.f32 v2, v1  }
0x18d: {  	s18 =	simm.s32 $0x0;
	v5 =	vld [tilespmem:$0x1FE60];
	[tilespmem:s1+$0x17D90] =	vst v6  }
0x18e: {  	[tilespmem:s1+$0x18D80] =	vst.add.f32.msk $0xffff, v1;
	v1 =	vmov s18  }
0x18f: {  	[tilespmem:s1+$0x17F90] =	vst v6;
	v1 =	vand.u32 $0x3F, v1  }
0x190: {  	[tilespmem:s1+$0x18190] =	vst v6;
	v2 =	vbroadcast v1, $0x0  }
0x191: {  	[tilespmem:s1+$0x18390] =	vst v6  }
0x192: {  	[tilespmem:s1+$0x18590] =	vst v6;
	v3 =	vor.u32 v5, v2  }
0x193: {  	[tilespmem:s1+$0x18790] =	vst v6  }
0x194: {  	[tilespmem:s1+$0x18990] =	vst v6  }
0x195: {  	[tilespmem:s1+$0x18B90] =	vst v6  }
0x196: {  	[tilespmem:s1+$0x18D90] =	vst v6;
	v6 =	vld [tilespmem:$0x1FE70]  }
0x197: {  	v1 =	vld.idx.msk [tilespmem:v3+s15+$0x0], $0xffff  }
0x198: {  	v3 =	vld.idx.msk [tilespmem:v3+s16+$0x0], $0xffff;
	_ =	sdelay $0x2  }
0x199: {  	v4 =	vor.u32 v6, v2;
	_ =	sdelay $0x1  }
0x19a: {  	v3 =	vmul.f32 v3, v1  }
0x19b: {  	v25 =	vld [tilespmem:$0x1FE80]  }
0x19c: {  	[tilespmem:s1+$0x16590] =	vst.add.f32.msk $0xffff, v3  }
0x19d: {  	v3 =	vld.idx.msk [tilespmem:v4+s17+$0x0], $0xffff;
	_ =	sdelay $0x2  }
0x19e: {  	v4 =	vor.u32 v25, v2;
	_ =	sdelay $0x1  }
0x19f: {  	v3 =	vmul.f32 v3, v1  }
0x1a0: {  	v26 =	vld [tilespmem:$0x1FFD0]  }
0x1a1: {  	[tilespmem:s1+$0x16790] =	vst.add.f32.msk $0xffff, v3  }
0x1a2: {  	v3 =	vld.idx.msk [tilespmem:v4+s17+$0x0], $0xffff;
	_ =	sdelay $0x2  }
0x1a3: {  	v4 =	vor.u32 v26, v2;
	_ =	sdelay $0x1  }
0x1a4: {  	v3 =	vmul.f32 v3, v1  }
0x1a5: {  	v0 =	vld [tilespmem:$0x1FFE0]  }
0x1a6: {  	[tilespmem:s1+$0x16990] =	vst.add.f32.msk $0xffff, v3  }
0x1a7: {  	v3 =	vld.idx.msk [tilespmem:v4+s17+$0x0], $0xffff;
	_ =	sdelay $0x2  }
0x1a8: {  	v4 =	vor.u32 v0, v2;
	_ =	sdelay $0x1  }
0x1a9: {  	v3 =	vmul.f32 v3, v1;
	_ =	sdelay $0x1  }
0x1aa: {  	[tilespmem:s1+$0x16B90] =	vst.add.f32.msk $0xffff, v3  }
0x1ab: {  	v3 =	vld.idx.msk [tilespmem:v4+s17+$0x0], $0xffff;
	_ =	sdelay $0x2  }
0x1ac: {  	v4 =	vor.u32 v27, v2;
	_ =	sdelay $0x1  }
0x1ad: {  	v3 =	vmul.f32 v3, v1;
	_ =	sdelay $0x1  }
0x1ae: {  	[tilespmem:s1+$0x16D90] =	vst.add.f32.msk $0xffff, v3  }
0x1af: {  	v3 =	vld.idx.msk [tilespmem:v4+s17+$0x0], $0xffff;
	_ =	sdelay $0x2  }
0x1b0: {  	v4 =	vor.u32 v28, v2;
	_ =	sdelay $0x1  }
0x1b1: {  	v3 =	vmul.f32 v3, v1;
	_ =	sdelay $0x1  }
0x1b2: {  	[tilespmem:s1+$0x16F90] =	vst.add.f32.msk $0xffff, v3  }
0x1b3: {  	v3 =	vld.idx.msk [tilespmem:v4+s17+$0x0], $0xffff;
	_ =	sdelay $0x2  }
0x1b4: {  	v4 =	vor.u32 v29, v2;
	_ =	sdelay $0x1  }
0x1b5: {  	v3 =	vmul.f32 v3, v1;
	_ =	sdelay $0x1  }
0x1b6: {  	[tilespmem:s1+$0x17190] =	vst.add.f32.msk $0xffff, v3  }
0x1b7: {  	v3 =	vld.idx.msk [tilespmem:v4+s17+$0x0], $0xffff;
	_ =	sdelay $0x2  }
0x1b8: {  	v4 =	vor.u32 v30, v2;
	_ =	sdelay $0x1  }
0x1b9: {  	v3 =	vmul.f32 v3, v1;
	_ =	sdelay $0x1  }
0x1ba: {  	[tilespmem:s1+$0x17390] =	vst.add.f32.msk $0xffff, v3  }
0x1bb: {  	v3 =	vld.idx.msk [tilespmem:v4+s17+$0x0], $0xffff;
	_ =	sdelay $0x2  }
0x1bc: {  	v4 =	vor.u32 v31, v2;
	_ =	sdelay $0x1  }
0x1bd: {  	v3 =	vmul.f32 v3, v1;
	_ =	sdelay $0x1  }
0x1be: {  	[tilespmem:s1+$0x17590] =	vst.add.f32.msk $0xffff, v3  }
0x1bf: {  	v3 =	vld.idx.msk [tilespmem:v4+s17+$0x0], $0xffff;
	_ =	sdelay $0x2  }
0x1c0: {  	v4 =	vor.u32 v32, v2;
	_ =	sdelay $0x1  }
0x1c1: {  	v3 =	vmul.f32 v3, v1;
	_ =	sdelay $0x1  }
0x1c2: {  	[tilespmem:s1+$0x17790] =	vst.add.f32.msk $0xffff, v3  }
0x1c3: {  	v3 =	vld.idx.msk [tilespmem:v4+s17+$0x0], $0xffff;
	_ =	sdelay $0x2  }
0x1c4: {  	v4 =	vor.u32 v33, v2;
	_ =	sdelay $0x1  }
0x1c5: {  	v3 =	vmul.f32 v3, v1;
	_ =	sdelay $0x1  }
0x1c6: {  	[tilespmem:s1+$0x17990] =	vst.add.f32.msk $0xffff, v3  }
0x1c7: {  	v3 =	vld.idx.msk [tilespmem:v4+s17+$0x0], $0xffff;
	_ =	sdelay $0x2  }
0x1c8: {  	v4 =	vor.u32 v34, v2;
	_ =	sdelay $0x1  }
0x1c9: {  	v3 =	vmul.f32 v3, v1;
	_ =	sdelay $0x1  }
0x1ca: {  	[tilespmem:s1+$0x17B90] =	vst.add.f32.msk $0xffff, v3  }
0x1cb: {  	v3 =	vld.idx.msk [tilespmem:v4+s17+$0x0], $0xffff;
	_ =	sdelay $0x2  }
0x1cc: {  	v4 =	vor.u32 v35, v2;
	_ =	sdelay $0x1  }
0x1cd: {  	v3 =	vmul.f32 v3, v1;
	_ =	sdelay $0x1  }
0x1ce: {  	[tilespmem:s1+$0x17D90] =	vst.add.f32.msk $0xffff, v3  }
0x1cf: {  	v3 =	vld.idx.msk [tilespmem:v4+s17+$0x0], $0xffff;
	_ =	sdelay $0x2  }
0x1d0: {  	v4 =	vor.u32 v36, v2;
	_ =	sdelay $0x1  }
0x1d1: {  	v3 =	vmul.f32 v3, v1;
	_ =	sdelay $0x1  }
0x1d2: {  	[tilespmem:s1+$0x17F90] =	vst.add.f32.msk $0xffff, v3  }
0x1d3: {  	v3 =	vld.idx.msk [tilespmem:v4+s17+$0x0], $0xffff;
	_ =	sdelay $0x2  }
0x1d4: {  	v4 =	vor.u32 v37, v2;
	_ =	sdelay $0x1  }
0x1d5: {  	v3 =	vmul.f32 v3, v1;
	_ =	sdelay $0x1  }
0x1d6: {  	[tilespmem:s1+$0x18190] =	vst.add.f32.msk $0xffff, v3  }
0x1d7: {  	v3 =	vld.idx.msk [tilespmem:v4+s17+$0x0], $0xffff;
	_ =	sdelay $0x2  }
0x1d8: {  	v4 =	vor.u32 v38, v2;
	_ =	sdelay $0x1  }
0x1d9: {  	v3 =	vmul.f32 v3, v1;
	_ =	sdelay $0x1  }
0x1da: {  	[tilespmem:s1+$0x18390] =	vst.add.f32.msk $0xffff, v3  }
0x1db: {  	v3 =	vld.idx.msk [tilespmem:v4+s17+$0x0], $0xffff;
	_ =	sdelay $0x2  }
0x1dc: {  	v4 =	vor.u32 v39, v2;
	_ =	sdelay $0x1  }
0x1dd: {  	v3 =	vmul.f32 v3, v1;
	_ =	sdelay $0x1  }
0x1de: {  	[tilespmem:s1+$0x18590] =	vst.add.f32.msk $0xffff, v3  }
0x1df: {  	v3 =	vld.idx.msk [tilespmem:v4+s17+$0x0], $0xffff;
	_ =	sdelay $0x2  }
0x1e0: {  	v4 =	vor.u32 v40, v2;
	_ =	sdelay $0x1  }
0x1e1: {  	v3 =	vmul.f32 v3, v1;
	_ =	sdelay $0x1  }
0x1e2: {  	[tilespmem:s1+$0x18790] =	vst.add.f32.msk $0xffff, v3  }
0x1e3: {  	v3 =	vld.idx.msk [tilespmem:v4+s17+$0x0], $0xffff;
	_ =	sdelay $0x2  }
0x1e4: {  	v4 =	vor.u32 v41, v2;
	_ =	sdelay $0x1  }
0x1e5: {  	v3 =	vmul.f32 v3, v1;
	_ =	sdelay $0x1  }
0x1e6: {  	[tilespmem:s1+$0x18990] =	vst.add.f32.msk $0xffff, v3  }
0x1e7: {  	v3 =	vld.idx.msk [tilespmem:v4+s17+$0x0], $0xffff;
	_ =	sdelay $0x2  }
0x1e8: {  	v2 =	vor.u32 v42, v2;
	_ =	sdelay $0x1  }
0x1e9: {  	v3 =	vmul.f32 v3, v1  }
0x1ea: {  	s21 =	simm.s32 $0x1  }
0x1eb: {  	v4 =	vmov s21;
	[tilespmem:s1+$0x18B90] =	vst.add.f32.msk $0xffff, v3  }
0x1ec: {  	s18 =	simm.s32 $0x2;
	v3 =	vld.idx.msk [tilespmem:v2+s17+$0x0], $0xffff;
	v2 =	vand.u32 $0x3F, v4  }
.LBB2_5:
0x1ed: {  	p0 =	sne.s32 s18, $0x3F;
	v2 =	vbroadcast v2, $0x0;
	_ =	sdelay $0x1  }
0x1ee: {  	v4 =	vor.u32 v5, v2;
	_ =	sdelay $0x1  }
0x1ef: {  	v1 =	vmul.f32 v3, v1;
	_ =	sdelay $0x1  }
0x1f0: {  	[tilespmem:s1+$0x18D90] =	vst.add.f32.msk $0xffff, v1  }
0x1f1: {  	v1 =	vld.idx.msk [tilespmem:v4+s15+$0x0], $0xffff  }
0x1f2: {  	v3 =	vld.idx.msk [tilespmem:v4+s16+$0x0], $0xffff;
	_ =	sdelay $0x3  }
0x1f3: {  	v4 =	vor.u32 v6, v2;
	_ =	sdelay $0x1  }
0x1f4: {  	v3 =	vmul.f32 v3, v1;
	_ =	sdelay $0x1  }
0x1f5: {  	[tilespmem:s1+$0x16590] =	vst.add.f32.msk $0xffff, v3  }
0x1f6: {  	v3 =	vld.idx.msk [tilespmem:v4+s17+$0x0], $0xffff;
	_ =	sdelay $0x3  }
0x1f7: {  	v4 =	vor.u32 v25, v2;
	_ =	sdelay $0x1  }
0x1f8: {  	v3 =	vmul.f32 v3, v1;
	_ =	sdelay $0x1  }
0x1f9: {  	[tilespmem:s1+$0x16790] =	vst.add.f32.msk $0xffff, v3  }
0x1fa: {  	v3 =	vld.idx.msk [tilespmem:v4+s17+$0x0], $0xffff;
	_ =	sdelay $0x3  }
0x1fb: {  	v4 =	vor.u32 v26, v2;
	_ =	sdelay $0x1  }
0x1fc: {  	v3 =	vmul.f32 v3, v1;
	_ =	sdelay $0x1  }
0x1fd: {  	[tilespmem:s1+$0x16990] =	vst.add.f32.msk $0xffff, v3  }
0x1fe: {  	v3 =	vld.idx.msk [tilespmem:v4+s17+$0x0], $0xffff;
	_ =	sdelay $0x3  }
0x1ff: {  	v4 =	vor.u32 v0, v2;
	_ =	sdelay $0x1  }
0x200: {  	v3 =	vmul.f32 v3, v1;
	_ =	sdelay $0x1  }
0x201: {  	[tilespmem:s1+$0x16B90] =	vst.add.f32.msk $0xffff, v3  }
0x202: {  	v3 =	vld.idx.msk [tilespmem:v4+s17+$0x0], $0xffff;
	_ =	sdelay $0x3  }
0x203: {  	v4 =	vor.u32 v27, v2;
	_ =	sdelay $0x1  }
0x204: {  	v3 =	vmul.f32 v3, v1;
	_ =	sdelay $0x1  }
0x205: {  	[tilespmem:s1+$0x16D90] =	vst.add.f32.msk $0xffff, v3  }
0x206: {  	v3 =	vld.idx.msk [tilespmem:v4+s17+$0x0], $0xffff;
	_ =	sdelay $0x3  }
0x207: {  	v4 =	vor.u32 v28, v2;
	_ =	sdelay $0x1  }
0x208: {  	v3 =	vmul.f32 v3, v1;
	_ =	sdelay $0x1  }
0x209: {  	[tilespmem:s1+$0x16F90] =	vst.add.f32.msk $0xffff, v3  }
0x20a: {  	v3 =	vld.idx.msk [tilespmem:v4+s17+$0x0], $0xffff;
	_ =	sdelay $0x3  }
0x20b: {  	v4 =	vor.u32 v29, v2;
	_ =	sdelay $0x1  }
0x20c: {  	v3 =	vmul.f32 v3, v1;
	_ =	sdelay $0x1  }
0x20d: {  	[tilespmem:s1+$0x17190] =	vst.add.f32.msk $0xffff, v3  }
0x20e: {  	v3 =	vld.idx.msk [tilespmem:v4+s17+$0x0], $0xffff;
	_ =	sdelay $0x3  }
0x20f: {  	v4 =	vor.u32 v30, v2;
	_ =	sdelay $0x1  }
0x210: {  	v3 =	vmul.f32 v3, v1;
	_ =	sdelay $0x1  }
0x211: {  	[tilespmem:s1+$0x17390] =	vst.add.f32.msk $0xffff, v3  }
0x212: {  	v3 =	vld.idx.msk [tilespmem:v4+s17+$0x0], $0xffff;
	_ =	sdelay $0x3  }
0x213: {  	v4 =	vor.u32 v31, v2;
	_ =	sdelay $0x1  }
0x214: {  	v3 =	vmul.f32 v3, v1;
	_ =	sdelay $0x1  }
0x215: {  	[tilespmem:s1+$0x17590] =	vst.add.f32.msk $0xffff, v3  }
0x216: {  	v3 =	vld.idx.msk [tilespmem:v4+s17+$0x0], $0xffff;
	_ =	sdelay $0x3  }
0x217: {  	v4 =	vor.u32 v32, v2;
	_ =	sdelay $0x1  }
0x218: {  	v3 =	vmul.f32 v3, v1;
	_ =	sdelay $0x1  }
0x219: {  	[tilespmem:s1+$0x17790] =	vst.add.f32.msk $0xffff, v3  }
0x21a: {  	v3 =	vld.idx.msk [tilespmem:v4+s17+$0x0], $0xffff;
	_ =	sdelay $0x3  }
0x21b: {  	v4 =	vor.u32 v33, v2;
	_ =	sdelay $0x1  }
0x21c: {  	v3 =	vmul.f32 v3, v1;
	_ =	sdelay $0x1  }
0x21d: {  	[tilespmem:s1+$0x17990] =	vst.add.f32.msk $0xffff, v3  }
0x21e: {  	v3 =	vld.idx.msk [tilespmem:v4+s17+$0x0], $0xffff;
	_ =	sdelay $0x3  }
0x21f: {  	v4 =	vor.u32 v34, v2;
	_ =	sdelay $0x1  }
0x220: {  	v3 =	vmul.f32 v3, v1;
	_ =	sdelay $0x1  }
0x221: {  	[tilespmem:s1+$0x17B90] =	vst.add.f32.msk $0xffff, v3  }
0x222: {  	v3 =	vld.idx.msk [tilespmem:v4+s17+$0x0], $0xffff;
	_ =	sdelay $0x3  }
0x223: {  	v4 =	vor.u32 v35, v2;
	_ =	sdelay $0x1  }
0x224: {  	v3 =	vmul.f32 v3, v1;
	_ =	sdelay $0x1  }
0x225: {  	[tilespmem:s1+$0x17D90] =	vst.add.f32.msk $0xffff, v3  }
0x226: {  	v3 =	vld.idx.msk [tilespmem:v4+s17+$0x0], $0xffff;
	_ =	sdelay $0x3  }
0x227: {  	v4 =	vor.u32 v36, v2;
	_ =	sdelay $0x1  }
0x228: {  	v3 =	vmul.f32 v3, v1;
	_ =	sdelay $0x1  }
0x229: {  	[tilespmem:s1+$0x17F90] =	vst.add.f32.msk $0xffff, v3  }
0x22a: {  	v3 =	vld.idx.msk [tilespmem:v4+s17+$0x0], $0xffff;
	_ =	sdelay $0x3  }
0x22b: {  	v4 =	vor.u32 v37, v2;
	_ =	sdelay $0x1  }
0x22c: {  	v3 =	vmul.f32 v3, v1;
	_ =	sdelay $0x1  }
0x22d: {  	[tilespmem:s1+$0x18190] =	vst.add.f32.msk $0xffff, v3  }
0x22e: {  	v3 =	vld.idx.msk [tilespmem:v4+s17+$0x0], $0xffff;
	_ =	sdelay $0x3  }
0x22f: {  	v4 =	vor.u32 v38, v2;
	_ =	sdelay $0x1  }
0x230: {  	v3 =	vmul.f32 v3, v1;
	_ =	sdelay $0x1  }
0x231: {  	[tilespmem:s1+$0x18390] =	vst.add.f32.msk $0xffff, v3  }
0x232: {  	v3 =	vld.idx.msk [tilespmem:v4+s17+$0x0], $0xffff;
	_ =	sdelay $0x3  }
0x233: {  	v4 =	vor.u32 v39, v2;
	_ =	sdelay $0x1  }
0x234: {  	v3 =	vmul.f32 v3, v1;
	_ =	sdelay $0x1  }
0x235: {  	[tilespmem:s1+$0x18590] =	vst.add.f32.msk $0xffff, v3  }
0x236: {  	v3 =	vld.idx.msk [tilespmem:v4+s17+$0x0], $0xffff;
	_ =	sdelay $0x3  }
0x237: {  	v4 =	vor.u32 v40, v2;
	_ =	sdelay $0x1  }
0x238: {  	v3 =	vmul.f32 v3, v1;
	_ =	sdelay $0x1  }
0x239: {  	[tilespmem:s1+$0x18790] =	vst.add.f32.msk $0xffff, v3  }
0x23a: {  	v3 =	vld.idx.msk [tilespmem:v4+s17+$0x0], $0xffff;
	_ =	sdelay $0x3  }
0x23b: {  	v4 =	vor.u32 v41, v2;
	_ =	sdelay $0x1  }
0x23c: {  	v3 =	vmul.f32 v3, v1;
	_ =	sdelay $0x1  }
0x23d: {  	[tilespmem:s1+$0x18990] =	vst.add.f32.msk $0xffff, v3  }
0x23e: {  	v3 =	vld.idx.msk [tilespmem:v4+s17+$0x0], $0xffff;
	_ =	sdelay $0x3  }
0x23f: {  	v2 =	vor.u32 v42, v2;
	_ =	sdelay $0x1  }
.Ltmp1:
0x240: {  	v3 =	vmul.f32 v3, v1;
	(pc) =	sbr.rel @p0 .LBB2_5-.Ltmp1, $4  }
0x241: {  	_ = 	snop  }
0x242: {  	[tilespmem:s1+$0x18B90] =	vst.add.f32.msk $0xffff, v3  }
0x243: {  	v4 =	vmov s18;
	v3 =	vld.idx.msk [tilespmem:v2+s17+$0x0], $0xffff  }
0x244: {  	s18 =	sadd.s32 $0x1, s18;
	v2 =	vand.u32 $0x3F, v4  }
0x245: {  	v2 =	vbroadcast v2, $0x0;
	_ =	sdelay $0x1  }
0x246: {  	v4 =	vor.u32 v5, v2;
	_ =	sdelay $0x1  }
0x247: {  	v1 =	vmul.f32 v3, v1;
	_ =	sdelay $0x1  }
0x248: {  	[tilespmem:s1+$0x18D90] =	vst.add.f32.msk $0xffff, v1  }
0x249: {  	v1 =	vld.idx.msk [tilespmem:v4+s15+$0x0], $0xffff  }
0x24a: {  	v3 =	vld.idx.msk [tilespmem:v4+s16+$0x0], $0xffff;
	_ =	sdelay $0x2  }
0x24b: {  	v4 =	vor.u32 v6, v2;
	_ =	sdelay $0x1  }
0x24c: {  	v3 =	vmul.f32 v3, v1;
	_ =	sdelay $0x1  }
0x24d: {  	[tilespmem:s1+$0x16590] =	vst.add.f32.msk $0xffff, v3  }
0x24e: {  	v3 =	vld.idx.msk [tilespmem:v4+s17+$0x0], $0xffff;
	_ =	sdelay $0x2  }
0x24f: {  	v4 =	vor.u32 v25, v2;
	_ =	sdelay $0x1  }
0x250: {  	v3 =	vmul.f32 v3, v1;
	_ =	sdelay $0x1  }
0x251: {  	[tilespmem:s1+$0x16790] =	vst.add.f32.msk $0xffff, v3  }
0x252: {  	v3 =	vld.idx.msk [tilespmem:v4+s17+$0x0], $0xffff;
	_ =	sdelay $0x2  }
0x253: {  	v4 =	vor.u32 v26, v2;
	_ =	sdelay $0x1  }
0x254: {  	v3 =	vmul.f32 v3, v1;
	_ =	sdelay $0x1  }
0x255: {  	[tilespmem:s1+$0x16990] =	vst.add.f32.msk $0xffff, v3  }
0x256: {  	v3 =	vld.idx.msk [tilespmem:v4+s17+$0x0], $0xffff;
	_ =	sdelay $0x2  }
0x257: {  	v4 =	vor.u32 v0, v2;
	_ =	sdelay $0x1  }
0x258: {  	v3 =	vmul.f32 v3, v1;
	_ =	sdelay $0x1  }
0x259: {  	[tilespmem:s1+$0x16B90] =	vst.add.f32.msk $0xffff, v3  }
0x25a: {  	v3 =	vld.idx.msk [tilespmem:v4+s17+$0x0], $0xffff;
	_ =	sdelay $0x2  }
0x25b: {  	v4 =	vor.u32 v27, v2;
	_ =	sdelay $0x1  }
0x25c: {  	v3 =	vmul.f32 v3, v1;
	_ =	sdelay $0x1  }
0x25d: {  	[tilespmem:s1+$0x16D90] =	vst.add.f32.msk $0xffff, v3  }
0x25e: {  	v3 =	vld.idx.msk [tilespmem:v4+s17+$0x0], $0xffff;
	_ =	sdelay $0x2  }
0x25f: {  	v4 =	vor.u32 v28, v2;
	_ =	sdelay $0x1  }
0x260: {  	v3 =	vmul.f32 v3, v1;
	_ =	sdelay $0x1  }
0x261: {  	[tilespmem:s1+$0x16F90] =	vst.add.f32.msk $0xffff, v3  }
0x262: {  	v3 =	vld.idx.msk [tilespmem:v4+s17+$0x0], $0xffff;
	_ =	sdelay $0x2  }
0x263: {  	v4 =	vor.u32 v29, v2;
	_ =	sdelay $0x1  }
0x264: {  	v3 =	vmul.f32 v3, v1;
	_ =	sdelay $0x1  }
0x265: {  	[tilespmem:s1+$0x17190] =	vst.add.f32.msk $0xffff, v3  }
0x266: {  	v3 =	vld.idx.msk [tilespmem:v4+s17+$0x0], $0xffff;
	_ =	sdelay $0x2  }
0x267: {  	v4 =	vor.u32 v30, v2;
	_ =	sdelay $0x1  }
0x268: {  	v3 =	vmul.f32 v3, v1;
	_ =	sdelay $0x1  }
0x269: {  	[tilespmem:s1+$0x17390] =	vst.add.f32.msk $0xffff, v3  }
0x26a: {  	v3 =	vld.idx.msk [tilespmem:v4+s17+$0x0], $0xffff;
	_ =	sdelay $0x2  }
0x26b: {  	v4 =	vor.u32 v31, v2;
	_ =	sdelay $0x1  }
0x26c: {  	v3 =	vmul.f32 v3, v1;
	_ =	sdelay $0x1  }
0x26d: {  	[tilespmem:s1+$0x17590] =	vst.add.f32.msk $0xffff, v3  }
0x26e: {  	v3 =	vld.idx.msk [tilespmem:v4+s17+$0x0], $0xffff;
	_ =	sdelay $0x2  }
0x26f: {  	v4 =	vor.u32 v32, v2;
	_ =	sdelay $0x1  }
0x270: {  	v3 =	vmul.f32 v3, v1;
	_ =	sdelay $0x1  }
0x271: {  	[tilespmem:s1+$0x17790] =	vst.add.f32.msk $0xffff, v3  }
0x272: {  	v3 =	vld.idx.msk [tilespmem:v4+s17+$0x0], $0xffff;
	_ =	sdelay $0x2  }
0x273: {  	v4 =	vor.u32 v33, v2;
	_ =	sdelay $0x1  }
0x274: {  	v3 =	vmul.f32 v3, v1;
	_ =	sdelay $0x1  }
0x275: {  	[tilespmem:s1+$0x17990] =	vst.add.f32.msk $0xffff, v3  }
0x276: {  	v3 =	vld.idx.msk [tilespmem:v4+s17+$0x0], $0xffff;
	_ =	sdelay $0x2  }
0x277: {  	v4 =	vor.u32 v34, v2;
	_ =	sdelay $0x1  }
0x278: {  	v3 =	vmul.f32 v3, v1;
	_ =	sdelay $0x1  }
0x279: {  	[tilespmem:s1+$0x17B90] =	vst.add.f32.msk $0xffff, v3  }
0x27a: {  	v3 =	vld.idx.msk [tilespmem:v4+s17+$0x0], $0xffff;
	_ =	sdelay $0x2  }
0x27b: {  	v4 =	vor.u32 v35, v2;
	_ =	sdelay $0x1  }
0x27c: {  	v3 =	vmul.f32 v3, v1;
	_ =	sdelay $0x1  }
0x27d: {  	[tilespmem:s1+$0x17D90] =	vst.add.f32.msk $0xffff, v3  }
0x27e: {  	v3 =	vld.idx.msk [tilespmem:v4+s17+$0x0], $0xffff;
	_ =	sdelay $0x2  }
0x27f: {  	v4 =	vor.u32 v36, v2;
	_ =	sdelay $0x1  }
0x280: {  	v3 =	vmul.f32 v3, v1;
	_ =	sdelay $0x1  }
0x281: {  	[tilespmem:s1+$0x17F90] =	vst.add.f32.msk $0xffff, v3  }
0x282: {  	v3 =	vld.idx.msk [tilespmem:v4+s17+$0x0], $0xffff;
	_ =	sdelay $0x2  }
0x283: {  	v4 =	vor.u32 v37, v2;
	_ =	sdelay $0x1  }
0x284: {  	v3 =	vmul.f32 v3, v1;
	_ =	sdelay $0x1  }
0x285: {  	[tilespmem:s1+$0x18190] =	vst.add.f32.msk $0xffff, v3  }
0x286: {  	v3 =	vld.idx.msk [tilespmem:v4+s17+$0x0], $0xffff;
	_ =	sdelay $0x2  }
0x287: {  	v4 =	vor.u32 v38, v2;
	_ =	sdelay $0x1  }
0x288: {  	v3 =	vmul.f32 v3, v1;
	_ =	sdelay $0x1  }
0x289: {  	[tilespmem:s1+$0x18390] =	vst.add.f32.msk $0xffff, v3  }
0x28a: {  	v3 =	vld.idx.msk [tilespmem:v4+s17+$0x0], $0xffff;
	_ =	sdelay $0x2  }
0x28b: {  	v4 =	vor.u32 v39, v2;
	_ =	sdelay $0x1  }
0x28c: {  	v3 =	vmul.f32 v3, v1;
	_ =	sdelay $0x1  }
0x28d: {  	[tilespmem:s1+$0x18590] =	vst.add.f32.msk $0xffff, v3  }
0x28e: {  	v3 =	vld.idx.msk [tilespmem:v4+s17+$0x0], $0xffff;
	_ =	sdelay $0x2  }
0x28f: {  	v4 =	vor.u32 v40, v2;
	_ =	sdelay $0x1  }
0x290: {  	v3 =	vmul.f32 v3, v1;
	_ =	sdelay $0x1  }
0x291: {  	[tilespmem:s1+$0x18790] =	vst.add.f32.msk $0xffff, v3  }
0x292: {  	v3 =	vld.idx.msk [tilespmem:v4+s17+$0x0], $0xffff;
	_ =	sdelay $0x2  }
0x293: {  	v4 =	vor.u32 v41, v2;
	_ =	sdelay $0x1  }
0x294: {  	v3 =	vmul.f32 v3, v1;
	_ =	sdelay $0x1  }
0x295: {  	[tilespmem:s1+$0x18990] =	vst.add.f32.msk $0xffff, v3  }
0x296: {  	v3 =	vld.idx.msk [tilespmem:v4+s17+$0x0], $0xffff;
	_ =	sdelay $0x2  }
0x297: {  	v2 =	vor.u32 v42, v2;
	_ =	sdelay $0x1  }
0x298: {  	v3 =	vmul.f32 v3, v1;
	_ =	sdelay $0x1  }
0x299: {  	v6 =	vimm.f32 $0.0e+00;
	[tilespmem:s1+$0x18B90] =	vst.add.f32.msk $0xffff, v3  }
0x29a: {  	v2 =	vld.idx.msk [tilespmem:v2+s17+$0x0], $0xffff;
	[tilespmem:s1+$0x165A0] =	vst v6  }
0x29b: {  	[tilespmem:s1+$0x167A0] =	vst v6  }
0x29c: {  	[tilespmem:s1+$0x169A0] =	vst v6  }
0x29d: {  	[tilespmem:s1+$0x16BA0] =	vst v6  }
0x29e: {  	[tilespmem:s1+$0x16DA0] =	vst v6  }
0x29f: {  	[tilespmem:s1+$0x16FA0] =	vst v6  }
0x2a0: {  	[tilespmem:s1+$0x171A0] =	vst v6  }
0x2a1: {  	[tilespmem:s1+$0x173A0] =	vst v6  }
0x2a2: {  	[tilespmem:s1+$0x175A0] =	vst v6  }
0x2a3: {  	[tilespmem:s1+$0x177A0] =	vst v6  }
0x2a4: {  	[tilespmem:s1+$0x179A0] =	vst v6  }
0x2a5: {  	[tilespmem:s1+$0x17BA0] =	vst v6;
	v1 =	vmul.f32 v2, v1  }
0x2a6: {  	s18 =	simm.s32 $0x0;
	[tilespmem:s1+$0x17DA0] =	vst v6  }
0x2a7: {  	[tilespmem:s1+$0x18D90] =	vst.add.f32.msk $0xffff, v1;
	v1 =	vmov s18  }
0x2a8: {  	[tilespmem:s1+$0x17FA0] =	vst v6;
	v1 =	vand.u32 $0x3F, v1  }
0x2a9: {  	[tilespmem:s1+$0x181A0] =	vst v6;
	v3 =	vbroadcast v1, $0x0  }
0x2aa: {  	[tilespmem:s1+$0x183A0] =	vst v6  }
0x2ab: {  	[tilespmem:s1+$0x185A0] =	vst v6;
	v1 =	vor.u32 v43, v3  }
0x2ac: {  	[tilespmem:s1+$0x187A0] =	vst v6  }
0x2ad: {  	[tilespmem:s1+$0x189A0] =	vst v6  }
0x2ae: {  	[tilespmem:s1+$0x18BA0] =	vst v6  }
0x2af: {  	[tilespmem:s1+$0x18DA0] =	vst v6  }
0x2b0: {  	v2 =	vld.idx.msk [tilespmem:v1+s15+$0x0], $0xffff  }
0x2b1: {  	v1 =	vld.idx.msk [tilespmem:v1+s16+$0x0], $0xffff;
	_ =	sdelay $0x2  }
0x2b2: {  	v4 =	vor.u32 v44, v3;
	_ =	sdelay $0x1  }
0x2b3: {  	v1 =	vmul.f32 v1, v2;
	_ =	sdelay $0x1  }
0x2b4: {  	[tilespmem:s1+$0x165A0] =	vst.add.f32.msk $0xffff, v1  }
0x2b5: {  	v1 =	vld.idx.msk [tilespmem:v4+s17+$0x0], $0xffff;
	_ =	sdelay $0x2  }
0x2b6: {  	v4 =	vor.u32 v45, v3;
	_ =	sdelay $0x1  }
0x2b7: {  	v1 =	vmul.f32 v1, v2;
	_ =	sdelay $0x1  }
0x2b8: {  	[tilespmem:s1+$0x167A0] =	vst.add.f32.msk $0xffff, v1  }
0x2b9: {  	v1 =	vld.idx.msk [tilespmem:v4+s17+$0x0], $0xffff;
	_ =	sdelay $0x2  }
0x2ba: {  	v4 =	vor.u32 v46, v3;
	_ =	sdelay $0x1  }
0x2bb: {  	v1 =	vmul.f32 v1, v2;
	_ =	sdelay $0x1  }
0x2bc: {  	[tilespmem:s1+$0x169A0] =	vst.add.f32.msk $0xffff, v1  }
0x2bd: {  	v1 =	vld.idx.msk [tilespmem:v4+s17+$0x0], $0xffff;
	_ =	sdelay $0x2  }
0x2be: {  	v4 =	vor.u32 v47, v3;
	_ =	sdelay $0x1  }
0x2bf: {  	v1 =	vmul.f32 v1, v2;
	_ =	sdelay $0x1  }
0x2c0: {  	[tilespmem:s1+$0x16BA0] =	vst.add.f32.msk $0xffff, v1  }
0x2c1: {  	v1 =	vld.idx.msk [tilespmem:v4+s17+$0x0], $0xffff;
	_ =	sdelay $0x2  }
0x2c2: {  	v4 =	vor.u32 v48, v3;
	_ =	sdelay $0x1  }
0x2c3: {  	v1 =	vmul.f32 v1, v2;
	_ =	sdelay $0x1  }
0x2c4: {  	[tilespmem:s1+$0x16DA0] =	vst.add.f32.msk $0xffff, v1  }
0x2c5: {  	v1 =	vld.idx.msk [tilespmem:v4+s17+$0x0], $0xffff;
	_ =	sdelay $0x2  }
0x2c6: {  	v4 =	vor.u32 v49, v3;
	_ =	sdelay $0x1  }
0x2c7: {  	v1 =	vmul.f32 v1, v2;
	_ =	sdelay $0x1  }
0x2c8: {  	[tilespmem:s1+$0x16FA0] =	vst.add.f32.msk $0xffff, v1  }
0x2c9: {  	v1 =	vld.idx.msk [tilespmem:v4+s17+$0x0], $0xffff;
	_ =	sdelay $0x2  }
0x2ca: {  	v4 =	vor.u32 v50, v3;
	_ =	sdelay $0x1  }
0x2cb: {  	v1 =	vmul.f32 v1, v2;
	_ =	sdelay $0x1  }
0x2cc: {  	[tilespmem:s1+$0x171A0] =	vst.add.f32.msk $0xffff, v1  }
0x2cd: {  	v1 =	vld.idx.msk [tilespmem:v4+s17+$0x0], $0xffff;
	_ =	sdelay $0x2  }
0x2ce: {  	v4 =	vor.u32 v51, v3;
	_ =	sdelay $0x1  }
0x2cf: {  	v1 =	vmul.f32 v1, v2;
	_ =	sdelay $0x1  }
0x2d0: {  	[tilespmem:s1+$0x173A0] =	vst.add.f32.msk $0xffff, v1  }
0x2d1: {  	v1 =	vld.idx.msk [tilespmem:v4+s17+$0x0], $0xffff;
	_ =	sdelay $0x2  }
0x2d2: {  	v4 =	vor.u32 v52, v3;
	_ =	sdelay $0x1  }
0x2d3: {  	v1 =	vmul.f32 v1, v2;
	_ =	sdelay $0x1  }
0x2d4: {  	[tilespmem:s1+$0x175A0] =	vst.add.f32.msk $0xffff, v1  }
0x2d5: {  	v1 =	vld.idx.msk [tilespmem:v4+s17+$0x0], $0xffff;
	_ =	sdelay $0x2  }
0x2d6: {  	v4 =	vor.u32 v53, v3;
	_ =	sdelay $0x1  }
0x2d7: {  	v1 =	vmul.f32 v1, v2;
	_ =	sdelay $0x1  }
0x2d8: {  	[tilespmem:s1+$0x177A0] =	vst.add.f32.msk $0xffff, v1  }
0x2d9: {  	v1 =	vld.idx.msk [tilespmem:v4+s17+$0x0], $0xffff;
	_ =	sdelay $0x2  }
0x2da: {  	v4 =	vor.u32 v54, v3;
	_ =	sdelay $0x1  }
0x2db: {  	v1 =	vmul.f32 v1, v2;
	_ =	sdelay $0x1  }
0x2dc: {  	[tilespmem:s1+$0x179A0] =	vst.add.f32.msk $0xffff, v1  }
0x2dd: {  	v1 =	vld.idx.msk [tilespmem:v4+s17+$0x0], $0xffff;
	_ =	sdelay $0x2  }
0x2de: {  	v4 =	vor.u32 v55, v3;
	_ =	sdelay $0x1  }
0x2df: {  	v1 =	vmul.f32 v1, v2;
	_ =	sdelay $0x1  }
0x2e0: {  	[tilespmem:s1+$0x17BA0] =	vst.add.f32.msk $0xffff, v1  }
0x2e1: {  	v1 =	vld.idx.msk [tilespmem:v4+s17+$0x0], $0xffff;
	_ =	sdelay $0x2  }
0x2e2: {  	v4 =	vor.u32 v56, v3;
	_ =	sdelay $0x1  }
0x2e3: {  	v1 =	vmul.f32 v1, v2;
	_ =	sdelay $0x1  }
0x2e4: {  	[tilespmem:s1+$0x17DA0] =	vst.add.f32.msk $0xffff, v1  }
0x2e5: {  	v1 =	vld.idx.msk [tilespmem:v4+s17+$0x0], $0xffff;
	_ =	sdelay $0x2  }
0x2e6: {  	v4 =	vor.u32 v57, v3;
	_ =	sdelay $0x1  }
0x2e7: {  	v1 =	vmul.f32 v1, v2;
	_ =	sdelay $0x1  }
0x2e8: {  	[tilespmem:s1+$0x17FA0] =	vst.add.f32.msk $0xffff, v1  }
0x2e9: {  	v1 =	vld.idx.msk [tilespmem:v4+s17+$0x0], $0xffff;
	_ =	sdelay $0x2  }
0x2ea: {  	v4 =	vor.u32 v58, v3;
	_ =	sdelay $0x1  }
0x2eb: {  	v1 =	vmul.f32 v1, v2;
	_ =	sdelay $0x1  }
0x2ec: {  	[tilespmem:s1+$0x181A0] =	vst.add.f32.msk $0xffff, v1  }
0x2ed: {  	v1 =	vld.idx.msk [tilespmem:v4+s17+$0x0], $0xffff;
	_ =	sdelay $0x2  }
0x2ee: {  	v4 =	vor.u32 v59, v3;
	_ =	sdelay $0x1  }
0x2ef: {  	v1 =	vmul.f32 v1, v2;
	_ =	sdelay $0x1  }
0x2f0: {  	[tilespmem:s1+$0x183A0] =	vst.add.f32.msk $0xffff, v1  }
0x2f1: {  	v1 =	vld.idx.msk [tilespmem:v4+s17+$0x0], $0xffff;
	_ =	sdelay $0x2  }
0x2f2: {  	v4 =	vor.u32 v60, v3;
	_ =	sdelay $0x1  }
0x2f3: {  	v1 =	vmul.f32 v1, v2;
	_ =	sdelay $0x1  }
0x2f4: {  	[tilespmem:s1+$0x185A0] =	vst.add.f32.msk $0xffff, v1  }
0x2f5: {  	v1 =	vld.idx.msk [tilespmem:v4+s17+$0x0], $0xffff;
	_ =	sdelay $0x2  }
0x2f6: {  	v4 =	vor.u32 v61, v3;
	_ =	sdelay $0x1  }
0x2f7: {  	v1 =	vmul.f32 v1, v2;
	_ =	sdelay $0x1  }
0x2f8: {  	[tilespmem:s1+$0x187A0] =	vst.add.f32.msk $0xffff, v1  }
0x2f9: {  	v1 =	vld.idx.msk [tilespmem:v4+s17+$0x0], $0xffff;
	_ =	sdelay $0x2  }
0x2fa: {  	v4 =	vor.u32 v62, v3;
	_ =	sdelay $0x1  }
0x2fb: {  	v0 =	vld [tilespmem:$0x1FFF0];
	v1 =	vmul.f32 v1, v2;
	_ =	sdelay $0x1  }
0x2fc: {  	[tilespmem:s1+$0x189A0] =	vst.add.f32.msk $0xffff, v1  }
0x2fd: {  	v4 =	vld.idx.msk [tilespmem:v4+s17+$0x0], $0xffff;
	_ =	sdelay $0x1  }
0x2fe: {  	v1 =	vadd.s32 $0xA4C0, v0  }
0x2ff: {  	v3 =	vor.u32 v1, v3;
	_ =	sdelay $0x1  }
0x300: {  	v4 =	vmul.f32 v4, v2  }
0x301: {  	s21 =	simm.s32 $0x1  }
0x302: {  	v5 =	vmov s21;
	[tilespmem:s1+$0x18BA0] =	vst.add.f32.msk $0xffff, v4  }
0x303: {  	s18 =	simm.s32 $0x2;
	v4 =	vld.idx.msk [tilespmem:v3+s17+$0x0], $0xffff;
	v3 =	vand.u32 $0x3F, v5  }
.LBB2_7:
0x304: {  	p0 =	sne.s32 s18, $0x3F;
	v3 =	vbroadcast v3, $0x0;
	_ =	sdelay $0x1  }
0x305: {  	v5 =	vor.u32 v43, v3;
	_ =	sdelay $0x1  }
0x306: {  	v2 =	vmul.f32 v4, v2;
	_ =	sdelay $0x1  }
0x307: {  	[tilespmem:s1+$0x18DA0] =	vst.add.f32.msk $0xffff, v2  }
0x308: {  	v2 =	vld.idx.msk [tilespmem:v5+s15+$0x0], $0xffff  }
0x309: {  	v4 =	vld.idx.msk [tilespmem:v5+s16+$0x0], $0xffff;
	_ =	sdelay $0x3  }
0x30a: {  	v5 =	vor.u32 v44, v3;
	_ =	sdelay $0x1  }
0x30b: {  	v4 =	vmul.f32 v4, v2;
	_ =	sdelay $0x1  }
0x30c: {  	[tilespmem:s1+$0x165A0] =	vst.add.f32.msk $0xffff, v4  }
0x30d: {  	v4 =	vld.idx.msk [tilespmem:v5+s17+$0x0], $0xffff;
	_ =	sdelay $0x3  }
0x30e: {  	v5 =	vor.u32 v45, v3;
	_ =	sdelay $0x1  }
0x30f: {  	v4 =	vmul.f32 v4, v2;
	_ =	sdelay $0x1  }
0x310: {  	[tilespmem:s1+$0x167A0] =	vst.add.f32.msk $0xffff, v4  }
0x311: {  	v4 =	vld.idx.msk [tilespmem:v5+s17+$0x0], $0xffff;
	_ =	sdelay $0x3  }
0x312: {  	v5 =	vor.u32 v46, v3;
	_ =	sdelay $0x1  }
0x313: {  	v4 =	vmul.f32 v4, v2;
	_ =	sdelay $0x1  }
0x314: {  	[tilespmem:s1+$0x169A0] =	vst.add.f32.msk $0xffff, v4  }
0x315: {  	v4 =	vld.idx.msk [tilespmem:v5+s17+$0x0], $0xffff;
	_ =	sdelay $0x3  }
0x316: {  	v5 =	vor.u32 v47, v3;
	_ =	sdelay $0x1  }
0x317: {  	v4 =	vmul.f32 v4, v2;
	_ =	sdelay $0x1  }
0x318: {  	[tilespmem:s1+$0x16BA0] =	vst.add.f32.msk $0xffff, v4  }
0x319: {  	v4 =	vld.idx.msk [tilespmem:v5+s17+$0x0], $0xffff;
	_ =	sdelay $0x3  }
0x31a: {  	v5 =	vor.u32 v48, v3;
	_ =	sdelay $0x1  }
0x31b: {  	v4 =	vmul.f32 v4, v2;
	_ =	sdelay $0x1  }
0x31c: {  	[tilespmem:s1+$0x16DA0] =	vst.add.f32.msk $0xffff, v4  }
0x31d: {  	v4 =	vld.idx.msk [tilespmem:v5+s17+$0x0], $0xffff;
	_ =	sdelay $0x3  }
0x31e: {  	v5 =	vor.u32 v49, v3;
	_ =	sdelay $0x1  }
0x31f: {  	v4 =	vmul.f32 v4, v2;
	_ =	sdelay $0x1  }
0x320: {  	[tilespmem:s1+$0x16FA0] =	vst.add.f32.msk $0xffff, v4  }
0x321: {  	v4 =	vld.idx.msk [tilespmem:v5+s17+$0x0], $0xffff;
	_ =	sdelay $0x3  }
0x322: {  	v5 =	vor.u32 v50, v3;
	_ =	sdelay $0x1  }
0x323: {  	v4 =	vmul.f32 v4, v2;
	_ =	sdelay $0x1  }
0x324: {  	[tilespmem:s1+$0x171A0] =	vst.add.f32.msk $0xffff, v4  }
0x325: {  	v4 =	vld.idx.msk [tilespmem:v5+s17+$0x0], $0xffff;
	_ =	sdelay $0x3  }
0x326: {  	v5 =	vor.u32 v51, v3;
	_ =	sdelay $0x1  }
0x327: {  	v4 =	vmul.f32 v4, v2;
	_ =	sdelay $0x1  }
0x328: {  	[tilespmem:s1+$0x173A0] =	vst.add.f32.msk $0xffff, v4  }
0x329: {  	v4 =	vld.idx.msk [tilespmem:v5+s17+$0x0], $0xffff;
	_ =	sdelay $0x3  }
0x32a: {  	v5 =	vor.u32 v52, v3;
	_ =	sdelay $0x1  }
0x32b: {  	v4 =	vmul.f32 v4, v2;
	_ =	sdelay $0x1  }
0x32c: {  	[tilespmem:s1+$0x175A0] =	vst.add.f32.msk $0xffff, v4  }
0x32d: {  	v4 =	vld.idx.msk [tilespmem:v5+s17+$0x0], $0xffff;
	_ =	sdelay $0x3  }
0x32e: {  	v5 =	vor.u32 v53, v3;
	_ =	sdelay $0x1  }
0x32f: {  	v4 =	vmul.f32 v4, v2;
	_ =	sdelay $0x1  }
0x330: {  	[tilespmem:s1+$0x177A0] =	vst.add.f32.msk $0xffff, v4  }
0x331: {  	v4 =	vld.idx.msk [tilespmem:v5+s17+$0x0], $0xffff;
	_ =	sdelay $0x3  }
0x332: {  	v5 =	vor.u32 v54, v3;
	_ =	sdelay $0x1  }
0x333: {  	v4 =	vmul.f32 v4, v2;
	_ =	sdelay $0x1  }
0x334: {  	[tilespmem:s1+$0x179A0] =	vst.add.f32.msk $0xffff, v4  }
0x335: {  	v4 =	vld.idx.msk [tilespmem:v5+s17+$0x0], $0xffff;
	_ =	sdelay $0x3  }
0x336: {  	v5 =	vor.u32 v55, v3;
	_ =	sdelay $0x1  }
0x337: {  	v4 =	vmul.f32 v4, v2;
	_ =	sdelay $0x1  }
0x338: {  	[tilespmem:s1+$0x17BA0] =	vst.add.f32.msk $0xffff, v4  }
0x339: {  	v4 =	vld.idx.msk [tilespmem:v5+s17+$0x0], $0xffff;
	_ =	sdelay $0x3  }
0x33a: {  	v5 =	vor.u32 v56, v3;
	_ =	sdelay $0x1  }
0x33b: {  	v4 =	vmul.f32 v4, v2;
	_ =	sdelay $0x1  }
0x33c: {  	[tilespmem:s1+$0x17DA0] =	vst.add.f32.msk $0xffff, v4  }
0x33d: {  	v4 =	vld.idx.msk [tilespmem:v5+s17+$0x0], $0xffff;
	_ =	sdelay $0x3  }
0x33e: {  	v5 =	vor.u32 v57, v3;
	_ =	sdelay $0x1  }
0x33f: {  	v4 =	vmul.f32 v4, v2;
	_ =	sdelay $0x1  }
0x340: {  	[tilespmem:s1+$0x17FA0] =	vst.add.f32.msk $0xffff, v4  }
0x341: {  	v4 =	vld.idx.msk [tilespmem:v5+s17+$0x0], $0xffff;
	_ =	sdelay $0x3  }
0x342: {  	v5 =	vor.u32 v58, v3;
	_ =	sdelay $0x1  }
0x343: {  	v4 =	vmul.f32 v4, v2;
	_ =	sdelay $0x1  }
0x344: {  	[tilespmem:s1+$0x181A0] =	vst.add.f32.msk $0xffff, v4  }
0x345: {  	v4 =	vld.idx.msk [tilespmem:v5+s17+$0x0], $0xffff;
	_ =	sdelay $0x3  }
0x346: {  	v5 =	vor.u32 v59, v3;
	_ =	sdelay $0x1  }
0x347: {  	v4 =	vmul.f32 v4, v2;
	_ =	sdelay $0x1  }
0x348: {  	[tilespmem:s1+$0x183A0] =	vst.add.f32.msk $0xffff, v4  }
0x349: {  	v4 =	vld.idx.msk [tilespmem:v5+s17+$0x0], $0xffff;
	_ =	sdelay $0x3  }
0x34a: {  	v5 =	vor.u32 v60, v3;
	_ =	sdelay $0x1  }
0x34b: {  	v4 =	vmul.f32 v4, v2;
	_ =	sdelay $0x1  }
0x34c: {  	[tilespmem:s1+$0x185A0] =	vst.add.f32.msk $0xffff, v4  }
0x34d: {  	v4 =	vld.idx.msk [tilespmem:v5+s17+$0x0], $0xffff;
	_ =	sdelay $0x3  }
0x34e: {  	v5 =	vor.u32 v61, v3;
	_ =	sdelay $0x1  }
0x34f: {  	v4 =	vmul.f32 v4, v2;
	_ =	sdelay $0x1  }
0x350: {  	[tilespmem:s1+$0x187A0] =	vst.add.f32.msk $0xffff, v4  }
0x351: {  	v4 =	vld.idx.msk [tilespmem:v5+s17+$0x0], $0xffff;
	_ =	sdelay $0x3  }
0x352: {  	v5 =	vor.u32 v62, v3;
	_ =	sdelay $0x1  }
0x353: {  	v4 =	vmul.f32 v4, v2;
	_ =	sdelay $0x1  }
0x354: {  	[tilespmem:s1+$0x189A0] =	vst.add.f32.msk $0xffff, v4  }
0x355: {  	v4 =	vld.idx.msk [tilespmem:v5+s17+$0x0], $0xffff;
	_ =	sdelay $0x3  }
0x356: {  	v3 =	vor.u32 v1, v3;
	_ =	sdelay $0x1  }
.Ltmp2:
0x357: {  	v4 =	vmul.f32 v4, v2;
	(pc) =	sbr.rel @p0 .LBB2_7-.Ltmp2, $4  }
0x358: {  	_ = 	snop  }
0x359: {  	[tilespmem:s1+$0x18BA0] =	vst.add.f32.msk $0xffff, v4  }
0x35a: {  	v5 =	vmov s18;
	v4 =	vld.idx.msk [tilespmem:v3+s17+$0x0], $0xffff  }
0x35b: {  	s18 =	sadd.s32 $0x1, s18;
	v3 =	vand.u32 $0x3F, v5  }
0x35c: {  	v3 =	vbroadcast v3, $0x0;
	_ =	sdelay $0x1  }
0x35d: {  	v5 =	vor.u32 v43, v3;
	_ =	sdelay $0x1  }
0x35e: {  	v2 =	vmul.f32 v4, v2;
	_ =	sdelay $0x1  }
0x35f: {  	[tilespmem:s1+$0x18DA0] =	vst.add.f32.msk $0xffff, v2  }
0x360: {  	v2 =	vld.idx.msk [tilespmem:v5+s15+$0x0], $0xffff  }
0x361: {  	v4 =	vld.idx.msk [tilespmem:v5+s16+$0x0], $0xffff;
	_ =	sdelay $0x2  }
0x362: {  	v5 =	vor.u32 v44, v3;
	_ =	sdelay $0x1  }
0x363: {  	v4 =	vmul.f32 v4, v2;
	_ =	sdelay $0x1  }
0x364: {  	[tilespmem:s1+$0x165A0] =	vst.add.f32.msk $0xffff, v4  }
0x365: {  	v4 =	vld.idx.msk [tilespmem:v5+s17+$0x0], $0xffff;
	_ =	sdelay $0x2  }
0x366: {  	v5 =	vor.u32 v45, v3;
	_ =	sdelay $0x1  }
0x367: {  	v4 =	vmul.f32 v4, v2;
	_ =	sdelay $0x1  }
0x368: {  	[tilespmem:s1+$0x167A0] =	vst.add.f32.msk $0xffff, v4  }
0x369: {  	v4 =	vld.idx.msk [tilespmem:v5+s17+$0x0], $0xffff;
	_ =	sdelay $0x2  }
0x36a: {  	v5 =	vor.u32 v46, v3;
	_ =	sdelay $0x1  }
0x36b: {  	v4 =	vmul.f32 v4, v2;
	_ =	sdelay $0x1  }
0x36c: {  	[tilespmem:s1+$0x169A0] =	vst.add.f32.msk $0xffff, v4  }
0x36d: {  	v4 =	vld.idx.msk [tilespmem:v5+s17+$0x0], $0xffff;
	_ =	sdelay $0x2  }
0x36e: {  	v5 =	vor.u32 v47, v3;
	_ =	sdelay $0x1  }
0x36f: {  	v4 =	vmul.f32 v4, v2;
	_ =	sdelay $0x1  }
0x370: {  	[tilespmem:s1+$0x16BA0] =	vst.add.f32.msk $0xffff, v4  }
0x371: {  	v4 =	vld.idx.msk [tilespmem:v5+s17+$0x0], $0xffff;
	_ =	sdelay $0x2  }
0x372: {  	v5 =	vor.u32 v48, v3;
	_ =	sdelay $0x1  }
0x373: {  	v4 =	vmul.f32 v4, v2;
	_ =	sdelay $0x1  }
0x374: {  	[tilespmem:s1+$0x16DA0] =	vst.add.f32.msk $0xffff, v4  }
0x375: {  	v4 =	vld.idx.msk [tilespmem:v5+s17+$0x0], $0xffff;
	_ =	sdelay $0x2  }
0x376: {  	v5 =	vor.u32 v49, v3;
	_ =	sdelay $0x1  }
0x377: {  	v4 =	vmul.f32 v4, v2;
	_ =	sdelay $0x1  }
0x378: {  	[tilespmem:s1+$0x16FA0] =	vst.add.f32.msk $0xffff, v4  }
0x379: {  	v4 =	vld.idx.msk [tilespmem:v5+s17+$0x0], $0xffff;
	_ =	sdelay $0x2  }
0x37a: {  	v5 =	vor.u32 v50, v3;
	_ =	sdelay $0x1  }
0x37b: {  	v4 =	vmul.f32 v4, v2;
	_ =	sdelay $0x1  }
0x37c: {  	[tilespmem:s1+$0x171A0] =	vst.add.f32.msk $0xffff, v4  }
0x37d: {  	v4 =	vld.idx.msk [tilespmem:v5+s17+$0x0], $0xffff;
	_ =	sdelay $0x2  }
0x37e: {  	v5 =	vor.u32 v51, v3;
	_ =	sdelay $0x1  }
0x37f: {  	v4 =	vmul.f32 v4, v2;
	_ =	sdelay $0x1  }
0x380: {  	[tilespmem:s1+$0x173A0] =	vst.add.f32.msk $0xffff, v4  }
0x381: {  	v4 =	vld.idx.msk [tilespmem:v5+s17+$0x0], $0xffff;
	_ =	sdelay $0x2  }
0x382: {  	v5 =	vor.u32 v52, v3;
	_ =	sdelay $0x1  }
0x383: {  	v4 =	vmul.f32 v4, v2;
	_ =	sdelay $0x1  }
0x384: {  	[tilespmem:s1+$0x175A0] =	vst.add.f32.msk $0xffff, v4  }
0x385: {  	v4 =	vld.idx.msk [tilespmem:v5+s17+$0x0], $0xffff;
	_ =	sdelay $0x2  }
0x386: {  	v5 =	vor.u32 v53, v3;
	_ =	sdelay $0x1  }
0x387: {  	v4 =	vmul.f32 v4, v2;
	_ =	sdelay $0x1  }
0x388: {  	[tilespmem:s1+$0x177A0] =	vst.add.f32.msk $0xffff, v4  }
0x389: {  	v4 =	vld.idx.msk [tilespmem:v5+s17+$0x0], $0xffff;
	_ =	sdelay $0x2  }
0x38a: {  	v5 =	vor.u32 v54, v3;
	_ =	sdelay $0x1  }
0x38b: {  	v4 =	vmul.f32 v4, v2;
	_ =	sdelay $0x1  }
0x38c: {  	[tilespmem:s1+$0x179A0] =	vst.add.f32.msk $0xffff, v4  }
0x38d: {  	v4 =	vld.idx.msk [tilespmem:v5+s17+$0x0], $0xffff;
	_ =	sdelay $0x2  }
0x38e: {  	v5 =	vor.u32 v55, v3;
	_ =	sdelay $0x1  }
0x38f: {  	v4 =	vmul.f32 v4, v2;
	_ =	sdelay $0x1  }
0x390: {  	[tilespmem:s1+$0x17BA0] =	vst.add.f32.msk $0xffff, v4  }
0x391: {  	v4 =	vld.idx.msk [tilespmem:v5+s17+$0x0], $0xffff;
	_ =	sdelay $0x2  }
0x392: {  	v5 =	vor.u32 v56, v3;
	_ =	sdelay $0x1  }
0x393: {  	v4 =	vmul.f32 v4, v2;
	_ =	sdelay $0x1  }
0x394: {  	[tilespmem:s1+$0x17DA0] =	vst.add.f32.msk $0xffff, v4  }
0x395: {  	v4 =	vld.idx.msk [tilespmem:v5+s17+$0x0], $0xffff;
	_ =	sdelay $0x2  }
0x396: {  	v5 =	vor.u32 v57, v3;
	_ =	sdelay $0x1  }
0x397: {  	v4 =	vmul.f32 v4, v2;
	_ =	sdelay $0x1  }
0x398: {  	[tilespmem:s1+$0x17FA0] =	vst.add.f32.msk $0xffff, v4  }
0x399: {  	v4 =	vld.idx.msk [tilespmem:v5+s17+$0x0], $0xffff;
	_ =	sdelay $0x2  }
0x39a: {  	v5 =	vor.u32 v58, v3;
	_ =	sdelay $0x1  }
0x39b: {  	v4 =	vmul.f32 v4, v2;
	_ =	sdelay $0x1  }
0x39c: {  	[tilespmem:s1+$0x181A0] =	vst.add.f32.msk $0xffff, v4  }
0x39d: {  	v4 =	vld.idx.msk [tilespmem:v5+s17+$0x0], $0xffff;
	_ =	sdelay $0x2  }
0x39e: {  	v5 =	vor.u32 v59, v3;
	_ =	sdelay $0x1  }
0x39f: {  	v4 =	vmul.f32 v4, v2;
	_ =	sdelay $0x1  }
0x3a0: {  	[tilespmem:s1+$0x183A0] =	vst.add.f32.msk $0xffff, v4  }
0x3a1: {  	v4 =	vld.idx.msk [tilespmem:v5+s17+$0x0], $0xffff;
	_ =	sdelay $0x2  }
0x3a2: {  	v5 =	vor.u32 v60, v3;
	_ =	sdelay $0x1  }
0x3a3: {  	v4 =	vmul.f32 v4, v2;
	_ =	sdelay $0x1  }
0x3a4: {  	[tilespmem:s1+$0x185A0] =	vst.add.f32.msk $0xffff, v4  }
0x3a5: {  	v4 =	vld.idx.msk [tilespmem:v5+s17+$0x0], $0xffff;
	_ =	sdelay $0x2  }
0x3a6: {  	v5 =	vor.u32 v61, v3;
	_ =	sdelay $0x1  }
0x3a7: {  	v4 =	vmul.f32 v4, v2;
	_ =	sdelay $0x1  }
0x3a8: {  	[tilespmem:s1+$0x187A0] =	vst.add.f32.msk $0xffff, v4  }
0x3a9: {  	v4 =	vld.idx.msk [tilespmem:v5+s17+$0x0], $0xffff;
	_ =	sdelay $0x2  }
0x3aa: {  	v5 =	vor.u32 v62, v3;
	_ =	sdelay $0x1  }
0x3ab: {  	v4 =	vmul.f32 v4, v2;
	_ =	sdelay $0x1  }
0x3ac: {  	[tilespmem:s1+$0x189A0] =	vst.add.f32.msk $0xffff, v4  }
0x3ad: {  	v4 =	vld.idx.msk [tilespmem:v5+s17+$0x0], $0xffff;
	_ =	sdelay $0x2  }
0x3ae: {  	v1 =	vor.u32 v1, v3;
	_ =	sdelay $0x1  }
0x3af: {  	v3 =	vmul.f32 v4, v2;
	_ =	sdelay $0x1  }
0x3b0: {  	[tilespmem:s1+$0x18BA0] =	vst.add.f32.msk $0xffff, v3  }
0x3b1: {  	v1 =	vld.idx.msk [tilespmem:v1+s17+$0x0], $0xffff;
	[tilespmem:s1+$0x165B0] =	vst v6  }
0x3b2: {  	[tilespmem:s1+$0x167B0] =	vst v6  }
0x3b3: {  	[tilespmem:s1+$0x169B0] =	vst v6  }
0x3b4: {  	[tilespmem:s1+$0x16BB0] =	vst v6  }
0x3b5: {  	[tilespmem:s1+$0x16DB0] =	vst v6  }
0x3b6: {  	[tilespmem:s1+$0x16FB0] =	vst v6  }
0x3b7: {  	[tilespmem:s1+$0x171B0] =	vst v6  }
0x3b8: {  	[tilespmem:s1+$0x173B0] =	vst v6  }
0x3b9: {  	[tilespmem:s1+$0x175B0] =	vst v6  }
0x3ba: {  	[tilespmem:s1+$0x177B0] =	vst v6  }
0x3bb: {  	[tilespmem:s1+$0x179B0] =	vst v6  }
0x3bc: {  	[tilespmem:s1+$0x17BB0] =	vst v6;
	v1 =	vmul.f32 v1, v2  }
0x3bd: {  	s18 =	simm.s32 $0x0;
	[tilespmem:s1+$0x17DB0] =	vst v6  }
0x3be: {  	[tilespmem:s1+$0x18DA0] =	vst.add.f32.msk $0xffff, v1;
	v1 =	vmov s18  }
0x3bf: {  	[tilespmem:s1+$0x17FB0] =	vst v6;
	v1 =	vand.u32 $0x3F, v1  }
0x3c0: {  	[tilespmem:s1+$0x181B0] =	vst v6;
	v22 =	vbroadcast v1, $0x0  }
0x3c1: {  	v63 =	vor.u32 $0xC00, v7;
	[tilespmem:s1+$0x183B0] =	vst v6  }
0x3c2: {  	[tilespmem:s1+$0x185B0] =	vst v6;
	v1 =	vor.u32 v63, v22  }
0x3c3: {  	[tilespmem:s1+$0x187B0] =	vst v6  }
0x3c4: {  	[tilespmem:s1+$0x189B0] =	vst v6  }
0x3c5: {  	v26 =	vld [tilespmem:$0x1FFF0];
	[tilespmem:s1+$0x18BB0] =	vst v6  }
0x3c6: {  	[tilespmem:s1+$0x18DB0] =	vst v6  }
0x3c7: {  	v9 =	vld.idx.msk [tilespmem:v1+s15+$0x0], $0xffff  }
0x3c8: {  	v2 =	vld.idx.msk [tilespmem:v1+s16+$0x0], $0xffff;
	_ =	sdelay $0x1  }
0x3c9: {  	v1 =	vadd.s32 $0xF000, v26  }
0x3ca: {  	v3 =	vor.u32 v1, v22;
	_ =	sdelay $0x1  }
0x3cb: {  	v2 =	vmul.f32 v2, v9;
	_ =	sdelay $0x1  }
0x3cc: {  	[tilespmem:s1+$0x165B0] =	vst.add.f32.msk $0xffff, v2  }
0x3cd: {  	v2 =	vld.idx.msk [tilespmem:v3+s17+$0x0], $0xffff;
	_ =	sdelay $0x1  }
0x3ce: {  	v3 =	vadd.s32 $0xF040, v26  }
0x3cf: {  	v4 =	vor.u32 v3, v22;
	_ =	sdelay $0x1  }
0x3d0: {  	v2 =	vmul.f32 v2, v9;
	_ =	sdelay $0x1  }
0x3d1: {  	[tilespmem:s1+$0x167B0] =	vst.add.f32.msk $0xffff, v2  }
0x3d2: {  	v4 =	vld.idx.msk [tilespmem:v4+s17+$0x0], $0xffff;
	_ =	sdelay $0x1  }
0x3d3: {  	v2 =	vadd.s32 $0xF080, v26  }
0x3d4: {  	v5 =	vor.u32 v2, v22;
	_ =	sdelay $0x1  }
0x3d5: {  	v4 =	vmul.f32 v4, v9;
	_ =	sdelay $0x1  }
0x3d6: {  	[tilespmem:s1+$0x169B0] =	vst.add.f32.msk $0xffff, v4  }
0x3d7: {  	v5 =	vld.idx.msk [tilespmem:v5+s17+$0x0], $0xffff;
	_ =	sdelay $0x1  }
0x3d8: {  	v4 =	vadd.s32 $0xF0C0, v26  }
0x3d9: {  	v6 =	vor.u32 v4, v22;
	_ =	sdelay $0x1  }
0x3da: {  	v5 =	vmul.f32 v5, v9;
	_ =	sdelay $0x1  }
0x3db: {  	[tilespmem:s1+$0x16BB0] =	vst.add.f32.msk $0xffff, v5  }
0x3dc: {  	v6 =	vld.idx.msk [tilespmem:v6+s17+$0x0], $0xffff;
	_ =	sdelay $0x1  }
0x3dd: {  	v5 =	vadd.s32 $0xF100, v26  }
0x3de: {  	v7 =	vor.u32 v5, v22;
	_ =	sdelay $0x1  }
0x3df: {  	v6 =	vmul.f32 v6, v9;
	_ =	sdelay $0x1  }
0x3e0: {  	[tilespmem:s1+$0x16DB0] =	vst.add.f32.msk $0xffff, v6  }
0x3e1: {  	v7 =	vld.idx.msk [tilespmem:v7+s17+$0x0], $0xffff;
	_ =	sdelay $0x1  }
0x3e2: {  	v6 =	vadd.s32 $0xF140, v26  }
0x3e3: {  	v8 =	vor.u32 v6, v22;
	_ =	sdelay $0x1  }
0x3e4: {  	v7 =	vmul.f32 v7, v9;
	_ =	sdelay $0x1  }
0x3e5: {  	[tilespmem:s1+$0x16FB0] =	vst.add.f32.msk $0xffff, v7  }
0x3e6: {  	v8 =	vld.idx.msk [tilespmem:v8+s17+$0x0], $0xffff;
	_ =	sdelay $0x1  }
0x3e7: {  	v7 =	vadd.s32 $0xF180, v26  }
0x3e8: {  	v10 =	vor.u32 v7, v22;
	_ =	sdelay $0x1  }
0x3e9: {  	v8 =	vmul.f32 v8, v9;
	_ =	sdelay $0x1  }
0x3ea: {  	[tilespmem:s1+$0x171B0] =	vst.add.f32.msk $0xffff, v8  }
0x3eb: {  	v10 =	vld.idx.msk [tilespmem:v10+s17+$0x0], $0xffff;
	_ =	sdelay $0x1  }
0x3ec: {  	v8 =	vadd.s32 $0xF1C0, v26  }
0x3ed: {  	v11 =	vor.u32 v8, v22;
	_ =	sdelay $0x1  }
0x3ee: {  	v10 =	vmul.f32 v10, v9;
	_ =	sdelay $0x1  }
0x3ef: {  	[tilespmem:s1+$0x173B0] =	vst.add.f32.msk $0xffff, v10  }
0x3f0: {  	v11 =	vld.idx.msk [tilespmem:v11+s17+$0x0], $0xffff;
	_ =	sdelay $0x1  }
0x3f1: {  	v10 =	vadd.s32 $0xF200, v26  }
0x3f2: {  	v12 =	vor.u32 v10, v22;
	_ =	sdelay $0x1  }
0x3f3: {  	v11 =	vmul.f32 v11, v9;
	_ =	sdelay $0x1  }
0x3f4: {  	[tilespmem:s1+$0x175B0] =	vst.add.f32.msk $0xffff, v11  }
0x3f5: {  	v12 =	vld.idx.msk [tilespmem:v12+s17+$0x0], $0xffff;
	_ =	sdelay $0x1  }
0x3f6: {  	v11 =	vadd.s32 $0xF240, v26  }
0x3f7: {  	v13 =	vor.u32 v11, v22;
	_ =	sdelay $0x1  }
0x3f8: {  	v12 =	vmul.f32 v12, v9;
	_ =	sdelay $0x1  }
0x3f9: {  	[tilespmem:s1+$0x177B0] =	vst.add.f32.msk $0xffff, v12  }
0x3fa: {  	v13 =	vld.idx.msk [tilespmem:v13+s17+$0x0], $0xffff;
	_ =	sdelay $0x1  }
0x3fb: {  	v12 =	vadd.s32 $0xF280, v26  }
0x3fc: {  	v14 =	vor.u32 v12, v22;
	_ =	sdelay $0x1  }
0x3fd: {  	v13 =	vmul.f32 v13, v9;
	_ =	sdelay $0x1  }
0x3fe: {  	[tilespmem:s1+$0x179B0] =	vst.add.f32.msk $0xffff, v13  }
0x3ff: {  	v14 =	vld.idx.msk [tilespmem:v14+s17+$0x0], $0xffff;
	_ =	sdelay $0x1  }
0x400: {  	v13 =	vadd.s32 $0xF2C0, v26  }
0x401: {  	v15 =	vor.u32 v13, v22;
	_ =	sdelay $0x1  }
0x402: {  	v14 =	vmul.f32 v14, v9;
	_ =	sdelay $0x1  }
0x403: {  	[tilespmem:s1+$0x17BB0] =	vst.add.f32.msk $0xffff, v14  }
0x404: {  	v15 =	vld.idx.msk [tilespmem:v15+s17+$0x0], $0xffff;
	_ =	sdelay $0x1  }
0x405: {  	v14 =	vadd.s32 $0xF300, v26  }
0x406: {  	v16 =	vor.u32 v14, v22;
	_ =	sdelay $0x1  }
0x407: {  	v15 =	vmul.f32 v15, v9;
	_ =	sdelay $0x1  }
0x408: {  	[tilespmem:s1+$0x17DB0] =	vst.add.f32.msk $0xffff, v15  }
0x409: {  	v16 =	vld.idx.msk [tilespmem:v16+s17+$0x0], $0xffff;
	_ =	sdelay $0x1  }
0x40a: {  	v15 =	vadd.s32 $0xF340, v26  }
0x40b: {  	v17 =	vor.u32 v15, v22;
	_ =	sdelay $0x1  }
0x40c: {  	v16 =	vmul.f32 v16, v9;
	_ =	sdelay $0x1  }
0x40d: {  	[tilespmem:s1+$0x17FB0] =	vst.add.f32.msk $0xffff, v16  }
0x40e: {  	v17 =	vld.idx.msk [tilespmem:v17+s17+$0x0], $0xffff;
	_ =	sdelay $0x1  }
0x40f: {  	v16 =	vadd.s32 $0xF380, v26  }
0x410: {  	v18 =	vor.u32 v16, v22;
	_ =	sdelay $0x1  }
0x411: {  	v17 =	vmul.f32 v17, v9;
	_ =	sdelay $0x1  }
0x412: {  	[tilespmem:s1+$0x181B0] =	vst.add.f32.msk $0xffff, v17  }
0x413: {  	v18 =	vld.idx.msk [tilespmem:v18+s17+$0x0], $0xffff;
	_ =	sdelay $0x1  }
0x414: {  	v17 =	vadd.s32 $0xF3C0, v26  }
0x415: {  	v19 =	vor.u32 v17, v22;
	_ =	sdelay $0x1  }
0x416: {  	v18 =	vmul.f32 v18, v9;
	_ =	sdelay $0x1  }
0x417: {  	[tilespmem:s1+$0x183B0] =	vst.add.f32.msk $0xffff, v18  }
0x418: {  	v19 =	vld.idx.msk [tilespmem:v19+s17+$0x0], $0xffff;
	_ =	sdelay $0x1  }
0x419: {  	v18 =	vadd.s32 $0xF400, v26  }
0x41a: {  	v20 =	vor.u32 v18, v22;
	_ =	sdelay $0x1  }
0x41b: {  	v19 =	vmul.f32 v19, v9;
	_ =	sdelay $0x1  }
0x41c: {  	[tilespmem:s1+$0x185B0] =	vst.add.f32.msk $0xffff, v19  }
0x41d: {  	v20 =	vld.idx.msk [tilespmem:v20+s17+$0x0], $0xffff;
	_ =	sdelay $0x1  }
0x41e: {  	v19 =	vadd.s32 $0xF440, v26  }
0x41f: {  	v21 =	vor.u32 v19, v22;
	_ =	sdelay $0x1  }
0x420: {  	v20 =	vmul.f32 v20, v9;
	_ =	sdelay $0x1  }
0x421: {  	[tilespmem:s1+$0x187B0] =	vst.add.f32.msk $0xffff, v20  }
0x422: {  	v21 =	vld.idx.msk [tilespmem:v21+s17+$0x0], $0xffff;
	_ =	sdelay $0x1  }
0x423: {  	v20 =	vadd.s32 $0xF480, v26  }
0x424: {  	v23 =	vor.u32 v20, v22;
	_ =	sdelay $0x1  }
0x425: {  	v21 =	vmul.f32 v21, v9;
	_ =	sdelay $0x1  }
0x426: {  	[tilespmem:s1+$0x189B0] =	vst.add.f32.msk $0xffff, v21  }
0x427: {  	v23 =	vld.idx.msk [tilespmem:v23+s17+$0x0], $0xffff;
	_ =	sdelay $0x1  }
0x428: {  	v21 =	vadd.s32 $0xF4C0, v26  }
0x429: {  	v0 =	vor.u32 v21, v22;
	_ =	sdelay $0x1  }
0x42a: {  	v23 =	vmul.f32 v23, v9  }
0x42b: {  	s21 =	simm.s32 $0x1  }
0x42c: {  	v22 =	vmov s21;
	[tilespmem:s1+$0x18BB0] =	vst.add.f32.msk $0xffff, v23  }
0x42d: {  	s18 =	simm.s32 $0x2;
	v22 =	vand.u32 $0x3F, v22;
	v23 =	vld.idx.msk [tilespmem:v0+s17+$0x0], $0xffff  }
.LBB2_9:
0x42e: {  	p0 =	sne.s32 s18, $0x3F;
	v22 =	vbroadcast v22, $0x0;
	_ =	sdelay $0x1  }
0x42f: {  	v24 =	vor.u32 v63, v22;
	_ =	sdelay $0x1  }
0x430: {  	v9 =	vmul.f32 v23, v9;
	_ =	sdelay $0x1  }
0x431: {  	[tilespmem:s1+$0x18DB0] =	vst.add.f32.msk $0xffff, v9  }
0x432: {  	v9 =	vld.idx.msk [tilespmem:v24+s15+$0x0], $0xffff  }
0x433: {  	v23 =	vld.idx.msk [tilespmem:v24+s16+$0x0], $0xffff;
	_ =	sdelay $0x3  }
0x434: {  	v24 =	vor.u32 v1, v22;
	_ =	sdelay $0x1  }
0x435: {  	v23 =	vmul.f32 v23, v9;
	_ =	sdelay $0x1  }
0x436: {  	[tilespmem:s1+$0x165B0] =	vst.add.f32.msk $0xffff, v23  }
0x437: {  	v23 =	vld.idx.msk [tilespmem:v24+s17+$0x0], $0xffff;
	_ =	sdelay $0x3  }
0x438: {  	v24 =	vor.u32 v3, v22;
	_ =	sdelay $0x1  }
0x439: {  	v23 =	vmul.f32 v23, v9;
	_ =	sdelay $0x1  }
0x43a: {  	[tilespmem:s1+$0x167B0] =	vst.add.f32.msk $0xffff, v23  }
0x43b: {  	v23 =	vld.idx.msk [tilespmem:v24+s17+$0x0], $0xffff;
	_ =	sdelay $0x3  }
0x43c: {  	v24 =	vor.u32 v2, v22;
	_ =	sdelay $0x1  }
0x43d: {  	v23 =	vmul.f32 v23, v9;
	_ =	sdelay $0x1  }
0x43e: {  	[tilespmem:s1+$0x169B0] =	vst.add.f32.msk $0xffff, v23  }
0x43f: {  	v23 =	vld.idx.msk [tilespmem:v24+s17+$0x0], $0xffff;
	_ =	sdelay $0x3  }
0x440: {  	v24 =	vor.u32 v4, v22;
	_ =	sdelay $0x1  }
0x441: {  	v23 =	vmul.f32 v23, v9;
	_ =	sdelay $0x1  }
0x442: {  	[tilespmem:s1+$0x16BB0] =	vst.add.f32.msk $0xffff, v23  }
0x443: {  	v23 =	vld.idx.msk [tilespmem:v24+s17+$0x0], $0xffff;
	_ =	sdelay $0x3  }
0x444: {  	v24 =	vor.u32 v5, v22;
	_ =	sdelay $0x1  }
0x445: {  	v23 =	vmul.f32 v23, v9;
	_ =	sdelay $0x1  }
0x446: {  	[tilespmem:s1+$0x16DB0] =	vst.add.f32.msk $0xffff, v23  }
0x447: {  	v23 =	vld.idx.msk [tilespmem:v24+s17+$0x0], $0xffff;
	_ =	sdelay $0x3  }
0x448: {  	v24 =	vor.u32 v6, v22;
	_ =	sdelay $0x1  }
0x449: {  	v23 =	vmul.f32 v23, v9;
	_ =	sdelay $0x1  }
0x44a: {  	[tilespmem:s1+$0x16FB0] =	vst.add.f32.msk $0xffff, v23  }
0x44b: {  	v23 =	vld.idx.msk [tilespmem:v24+s17+$0x0], $0xffff;
	_ =	sdelay $0x3  }
0x44c: {  	v24 =	vor.u32 v7, v22;
	_ =	sdelay $0x1  }
0x44d: {  	v23 =	vmul.f32 v23, v9;
	_ =	sdelay $0x1  }
0x44e: {  	[tilespmem:s1+$0x171B0] =	vst.add.f32.msk $0xffff, v23  }
0x44f: {  	v23 =	vld.idx.msk [tilespmem:v24+s17+$0x0], $0xffff;
	_ =	sdelay $0x3  }
0x450: {  	v24 =	vor.u32 v8, v22;
	_ =	sdelay $0x1  }
0x451: {  	v23 =	vmul.f32 v23, v9;
	_ =	sdelay $0x1  }
0x452: {  	[tilespmem:s1+$0x173B0] =	vst.add.f32.msk $0xffff, v23  }
0x453: {  	v23 =	vld.idx.msk [tilespmem:v24+s17+$0x0], $0xffff;
	_ =	sdelay $0x3  }
0x454: {  	v24 =	vor.u32 v10, v22;
	_ =	sdelay $0x1  }
0x455: {  	v23 =	vmul.f32 v23, v9;
	_ =	sdelay $0x1  }
0x456: {  	[tilespmem:s1+$0x175B0] =	vst.add.f32.msk $0xffff, v23  }
0x457: {  	v23 =	vld.idx.msk [tilespmem:v24+s17+$0x0], $0xffff;
	_ =	sdelay $0x3  }
0x458: {  	v24 =	vor.u32 v11, v22;
	_ =	sdelay $0x1  }
0x459: {  	v23 =	vmul.f32 v23, v9;
	_ =	sdelay $0x1  }
0x45a: {  	[tilespmem:s1+$0x177B0] =	vst.add.f32.msk $0xffff, v23  }
0x45b: {  	v23 =	vld.idx.msk [tilespmem:v24+s17+$0x0], $0xffff;
	_ =	sdelay $0x3  }
0x45c: {  	v24 =	vor.u32 v12, v22;
	_ =	sdelay $0x1  }
0x45d: {  	v23 =	vmul.f32 v23, v9;
	_ =	sdelay $0x1  }
0x45e: {  	[tilespmem:s1+$0x179B0] =	vst.add.f32.msk $0xffff, v23  }
0x45f: {  	v23 =	vld.idx.msk [tilespmem:v24+s17+$0x0], $0xffff;
	_ =	sdelay $0x3  }
0x460: {  	v24 =	vor.u32 v13, v22;
	_ =	sdelay $0x1  }
0x461: {  	v23 =	vmul.f32 v23, v9;
	_ =	sdelay $0x1  }
0x462: {  	[tilespmem:s1+$0x17BB0] =	vst.add.f32.msk $0xffff, v23  }
0x463: {  	v23 =	vld.idx.msk [tilespmem:v24+s17+$0x0], $0xffff;
	_ =	sdelay $0x3  }
0x464: {  	v24 =	vor.u32 v14, v22;
	_ =	sdelay $0x1  }
0x465: {  	v23 =	vmul.f32 v23, v9;
	_ =	sdelay $0x1  }
0x466: {  	[tilespmem:s1+$0x17DB0] =	vst.add.f32.msk $0xffff, v23  }
0x467: {  	v23 =	vld.idx.msk [tilespmem:v24+s17+$0x0], $0xffff;
	_ =	sdelay $0x3  }
0x468: {  	v24 =	vor.u32 v15, v22;
	_ =	sdelay $0x1  }
0x469: {  	v23 =	vmul.f32 v23, v9;
	_ =	sdelay $0x1  }
0x46a: {  	[tilespmem:s1+$0x17FB0] =	vst.add.f32.msk $0xffff, v23  }
0x46b: {  	v23 =	vld.idx.msk [tilespmem:v24+s17+$0x0], $0xffff;
	_ =	sdelay $0x3  }
0x46c: {  	v24 =	vor.u32 v16, v22;
	_ =	sdelay $0x1  }
0x46d: {  	v23 =	vmul.f32 v23, v9;
	_ =	sdelay $0x1  }
0x46e: {  	[tilespmem:s1+$0x181B0] =	vst.add.f32.msk $0xffff, v23  }
0x46f: {  	v23 =	vld.idx.msk [tilespmem:v24+s17+$0x0], $0xffff;
	_ =	sdelay $0x3  }
0x470: {  	v24 =	vor.u32 v17, v22;
	_ =	sdelay $0x1  }
0x471: {  	v23 =	vmul.f32 v23, v9;
	_ =	sdelay $0x1  }
0x472: {  	[tilespmem:s1+$0x183B0] =	vst.add.f32.msk $0xffff, v23  }
0x473: {  	v23 =	vld.idx.msk [tilespmem:v24+s17+$0x0], $0xffff;
	_ =	sdelay $0x3  }
0x474: {  	v24 =	vor.u32 v18, v22;
	_ =	sdelay $0x1  }
0x475: {  	v23 =	vmul.f32 v23, v9;
	_ =	sdelay $0x1  }
0x476: {  	[tilespmem:s1+$0x185B0] =	vst.add.f32.msk $0xffff, v23  }
0x477: {  	v23 =	vld.idx.msk [tilespmem:v24+s17+$0x0], $0xffff;
	_ =	sdelay $0x3  }
0x478: {  	v24 =	vor.u32 v19, v22;
	_ =	sdelay $0x1  }
0x479: {  	v23 =	vmul.f32 v23, v9;
	_ =	sdelay $0x1  }
0x47a: {  	[tilespmem:s1+$0x187B0] =	vst.add.f32.msk $0xffff, v23  }
0x47b: {  	v23 =	vld.idx.msk [tilespmem:v24+s17+$0x0], $0xffff;
	_ =	sdelay $0x3  }
0x47c: {  	v24 =	vor.u32 v20, v22;
	_ =	sdelay $0x1  }
0x47d: {  	v23 =	vmul.f32 v23, v9;
	_ =	sdelay $0x1  }
0x47e: {  	[tilespmem:s1+$0x189B0] =	vst.add.f32.msk $0xffff, v23  }
0x47f: {  	v23 =	vld.idx.msk [tilespmem:v24+s17+$0x0], $0xffff;
	_ =	sdelay $0x3  }
0x480: {  	v22 =	vor.u32 v21, v22;
	_ =	sdelay $0x1  }
.Ltmp3:
0x481: {  	v23 =	vmul.f32 v23, v9;
	(pc) =	sbr.rel @p0 .LBB2_9-.Ltmp3, $4  }
0x482: {  	_ = 	snop  }
0x483: {  	[tilespmem:s1+$0x18BB0] =	vst.add.f32.msk $0xffff, v23  }
0x484: {  	v24 =	vmov s18;
	v23 =	vld.idx.msk [tilespmem:v22+s17+$0x0], $0xffff  }
0x485: {  	s18 =	sadd.s32 $0x1, s18;
	v22 =	vand.u32 $0x3F, v24  }
0x486: {  	v22 =	vbroadcast v22, $0x0;
	_ =	sdelay $0x1  }
0x487: {  	v24 =	vor.u32 v63, v22;
	_ =	sdelay $0x1  }
0x488: {  	v9 =	vmul.f32 v23, v9;
	_ =	sdelay $0x1  }
0x489: {  	[tilespmem:s1+$0x18DB0] =	vst.add.f32.msk $0xffff, v9  }
0x48a: {  	v9 =	vld.idx.msk [tilespmem:v24+s15+$0x0], $0xffff  }
0x48b: {  	v23 =	vld.idx.msk [tilespmem:v24+s16+$0x0], $0xffff;
	_ =	sdelay $0x2  }
0x48c: {  	v1 =	vor.u32 v1, v22;
	_ =	sdelay $0x1  }
0x48d: {  	v23 =	vmul.f32 v23, v9;
	_ =	sdelay $0x1  }
0x48e: {  	[tilespmem:s1+$0x165B0] =	vst.add.f32.msk $0xffff, v23  }
0x48f: {  	v1 =	vld.idx.msk [tilespmem:v1+s17+$0x0], $0xffff;
	_ =	sdelay $0x2  }
0x490: {  	v3 =	vor.u32 v3, v22;
	_ =	sdelay $0x1  }
0x491: {  	v1 =	vmul.f32 v1, v9;
	_ =	sdelay $0x1  }
0x492: {  	[tilespmem:s1+$0x167B0] =	vst.add.f32.msk $0xffff, v1  }
0x493: {  	v1 =	vld.idx.msk [tilespmem:v3+s17+$0x0], $0xffff;
	_ =	sdelay $0x2  }
0x494: {  	v2 =	vor.u32 v2, v22;
	_ =	sdelay $0x1  }
0x495: {  	v1 =	vmul.f32 v1, v9;
	_ =	sdelay $0x1  }
0x496: {  	[tilespmem:s1+$0x169B0] =	vst.add.f32.msk $0xffff, v1  }
0x497: {  	v1 =	vld.idx.msk [tilespmem:v2+s17+$0x0], $0xffff;
	_ =	sdelay $0x2  }
0x498: {  	v63 =	vor.u32 v4, v22;
	_ =	sdelay $0x1  }
0x499: {  	v1 =	vmul.f32 v1, v9;
	_ =	sdelay $0x1  }
0x49a: {  	[tilespmem:s1+$0x16BB0] =	vst.add.f32.msk $0xffff, v1  }
0x49b: {  	v1 =	vld.idx.msk [tilespmem:v63+s17+$0x0], $0xffff;
	_ =	sdelay $0x2  }
0x49c: {  	v63 =	vor.u32 v5, v22;
	_ =	sdelay $0x1  }
0x49d: {  	v1 =	vmul.f32 v1, v9;
	_ =	sdelay $0x1  }
0x49e: {  	[tilespmem:s1+$0x16DB0] =	vst.add.f32.msk $0xffff, v1  }
0x49f: {  	v1 =	vld.idx.msk [tilespmem:v63+s17+$0x0], $0xffff;
	_ =	sdelay $0x2  }
0x4a0: {  	v63 =	vor.u32 v6, v22;
	_ =	sdelay $0x1  }
0x4a1: {  	v1 =	vmul.f32 v1, v9;
	_ =	sdelay $0x1  }
0x4a2: {  	[tilespmem:s1+$0x16FB0] =	vst.add.f32.msk $0xffff, v1  }
0x4a3: {  	v1 =	vld.idx.msk [tilespmem:v63+s17+$0x0], $0xffff;
	_ =	sdelay $0x2  }
0x4a4: {  	v63 =	vor.u32 v7, v22;
	_ =	sdelay $0x1  }
0x4a5: {  	v1 =	vmul.f32 v1, v9;
	_ =	sdelay $0x1  }
0x4a6: {  	[tilespmem:s1+$0x171B0] =	vst.add.f32.msk $0xffff, v1  }
0x4a7: {  	v1 =	vld.idx.msk [tilespmem:v63+s17+$0x0], $0xffff;
	_ =	sdelay $0x2  }
0x4a8: {  	v63 =	vor.u32 v8, v22;
	_ =	sdelay $0x1  }
0x4a9: {  	v1 =	vmul.f32 v1, v9;
	_ =	sdelay $0x1  }
0x4aa: {  	[tilespmem:s1+$0x173B0] =	vst.add.f32.msk $0xffff, v1  }
0x4ab: {  	v1 =	vld.idx.msk [tilespmem:v63+s17+$0x0], $0xffff;
	_ =	sdelay $0x2  }
0x4ac: {  	v63 =	vor.u32 v10, v22;
	_ =	sdelay $0x1  }
0x4ad: {  	v1 =	vmul.f32 v1, v9;
	_ =	sdelay $0x1  }
0x4ae: {  	[tilespmem:s1+$0x175B0] =	vst.add.f32.msk $0xffff, v1  }
0x4af: {  	v1 =	vld.idx.msk [tilespmem:v63+s17+$0x0], $0xffff;
	_ =	sdelay $0x2  }
0x4b0: {  	v63 =	vor.u32 v11, v22;
	_ =	sdelay $0x1  }
0x4b1: {  	v1 =	vmul.f32 v1, v9;
	_ =	sdelay $0x1  }
0x4b2: {  	[tilespmem:s1+$0x177B0] =	vst.add.f32.msk $0xffff, v1  }
0x4b3: {  	v1 =	vld.idx.msk [tilespmem:v63+s17+$0x0], $0xffff;
	_ =	sdelay $0x2  }
0x4b4: {  	v63 =	vor.u32 v12, v22;
	_ =	sdelay $0x1  }
0x4b5: {  	v1 =	vmul.f32 v1, v9;
	_ =	sdelay $0x1  }
0x4b6: {  	[tilespmem:s1+$0x179B0] =	vst.add.f32.msk $0xffff, v1  }
0x4b7: {  	v1 =	vld.idx.msk [tilespmem:v63+s17+$0x0], $0xffff;
	_ =	sdelay $0x2  }
0x4b8: {  	v63 =	vor.u32 v13, v22;
	_ =	sdelay $0x1  }
0x4b9: {  	v1 =	vmul.f32 v1, v9;
	_ =	sdelay $0x1  }
0x4ba: {  	[tilespmem:s1+$0x17BB0] =	vst.add.f32.msk $0xffff, v1  }
0x4bb: {  	v1 =	vld.idx.msk [tilespmem:v63+s17+$0x0], $0xffff;
	_ =	sdelay $0x2  }
0x4bc: {  	v63 =	vor.u32 v14, v22;
	_ =	sdelay $0x1  }
0x4bd: {  	v1 =	vmul.f32 v1, v9;
	_ =	sdelay $0x1  }
0x4be: {  	[tilespmem:s1+$0x17DB0] =	vst.add.f32.msk $0xffff, v1  }
0x4bf: {  	v1 =	vld.idx.msk [tilespmem:v63+s17+$0x0], $0xffff;
	_ =	sdelay $0x2  }
0x4c0: {  	v63 =	vor.u32 v15, v22;
	_ =	sdelay $0x1  }
0x4c1: {  	v1 =	vmul.f32 v1, v9;
	_ =	sdelay $0x1  }
0x4c2: {  	[tilespmem:s1+$0x17FB0] =	vst.add.f32.msk $0xffff, v1  }
0x4c3: {  	v1 =	vld.idx.msk [tilespmem:v63+s17+$0x0], $0xffff;
	_ =	sdelay $0x2  }
0x4c4: {  	v63 =	vor.u32 v16, v22;
	_ =	sdelay $0x1  }
0x4c5: {  	v1 =	vmul.f32 v1, v9;
	_ =	sdelay $0x1  }
0x4c6: {  	[tilespmem:s1+$0x181B0] =	vst.add.f32.msk $0xffff, v1  }
0x4c7: {  	v1 =	vld.idx.msk [tilespmem:v63+s17+$0x0], $0xffff;
	_ =	sdelay $0x2  }
0x4c8: {  	v63 =	vor.u32 v17, v22;
	_ =	sdelay $0x1  }
0x4c9: {  	v1 =	vmul.f32 v1, v9;
	_ =	sdelay $0x1  }
0x4ca: {  	[tilespmem:s1+$0x183B0] =	vst.add.f32.msk $0xffff, v1  }
0x4cb: {  	v1 =	vld.idx.msk [tilespmem:v63+s17+$0x0], $0xffff;
	_ =	sdelay $0x2  }
0x4cc: {  	v63 =	vor.u32 v18, v22;
	_ =	sdelay $0x1  }
0x4cd: {  	v1 =	vmul.f32 v1, v9;
	_ =	sdelay $0x1  }
0x4ce: {  	[tilespmem:s1+$0x185B0] =	vst.add.f32.msk $0xffff, v1  }
0x4cf: {  	v1 =	vld.idx.msk [tilespmem:v63+s17+$0x0], $0xffff;
	_ =	sdelay $0x2  }
0x4d0: {  	v63 =	vor.u32 v19, v22;
	_ =	sdelay $0x1  }
0x4d1: {  	v24 =	vld [tilespmem:$0x1FFB0];
	v1 =	vmul.f32 v1, v9  }
0x4d2: {  	v23 =	vld [tilespmem:$0x1FFA0]  }
0x4d3: {  	[tilespmem:s1+$0x187B0] =	vst.add.f32.msk $0xffff, v1  }
0x4d4: {  	v1 =	vld.idx.msk [tilespmem:v63+s17+$0x0], $0xffff  }
0x4d5: {  	v5 =	vld [tilespmem:$0x1FEA0]  }
0x4d6: {  	v7 =	vld [tilespmem:$0x1FE90]  }
0x4d7: {  	v8 =	vld [tilespmem:$0x1FEB0];
	v63 =	vor.u32 v20, v22  }
0x4d8: {  	v10 =	vld [tilespmem:$0x1FED0]  }
0x4d9: {  	v11 =	vld [tilespmem:$0x1FEE0];
	v1 =	vmul.f32 v1, v9  }
0x4da: {  	v12 =	vld [tilespmem:$0x1FEF0]  }
0x4db: {  	[tilespmem:s1+$0x189B0] =	vst.add.f32.msk $0xffff, v1  }
0x4dc: {  	v1 =	vld.idx.msk [tilespmem:v63+s17+$0x0], $0xffff  }
0x4dd: {  	v13 =	vld [tilespmem:$0x1FF00]  }
0x4de: {  	v14 =	vld [tilespmem:$0x1FF10]  }
0x4df: {  	v15 =	vld [tilespmem:$0x1FF20];
	v63 =	vor.u32 v21, v22  }
0x4e0: {  	v16 =	vld [tilespmem:$0x1FF30]  }
0x4e1: {  	v17 =	vld [tilespmem:$0x1FF40];
	v1 =	vmul.f32 v1, v9  }
0x4e2: {  	v18 =	vld [tilespmem:$0x1FF50]  }
0x4e3: {  	[tilespmem:s1+$0x18BB0] =	vst.add.f32.msk $0xffff, v1  }
0x4e4: {  	v1 =	vld.idx.msk [tilespmem:v63+s17+$0x0], $0xffff  }
0x4e5: {  	s0 =	sadd.s32 $0x1, s0;
	v19 =	vld [tilespmem:$0x1FF60]  }
0x4e6: {  	p0 =	sne.s32 s0, $0x8;
	v20 =	vld [tilespmem:$0x1FF70]  }
.Ltmp4:
0x4e7: {  	v21 =	vld [tilespmem:$0x1FF80];
	(pc) =	sbr.rel @p0 .LBB2_2-.Ltmp4, $4  }
0x4e8: {  	v22 =	vld [tilespmem:$0x1FF90]  }
0x4e9: {  	v63 =	vld [tilespmem:$0x1FFC0];
	v1 =	vmul.f32 v1, v9  }
0x4ea: {  	v9 =	vld [tilespmem:$0x1FEC0]  }
0x4eb: {  	v6 =	vimm.f32 $0.0e+00;
	[tilespmem:s1+$0x18DB0] =	vst.add.f32.msk $0xffff, v1  }
0x4ec: {  	s0 =	simm.s32 $0x0;
	s1 =	rddreg [dreg:$0x4];
	s18 =	simm.s32 $0x16580  }
0x4ed: {  	[hbm4b:s1+s0] =	stream.linear.scatter [tilespmem:s18], [sflag:$0x2], $0x200, $0x38;
	[tilespmem:$0x18F80] =	vst v63  }
0x4ee: {  	_ =	swait.ge [sflag:s12], $0x200  }
0x4ef: {  	[sflag:s12] =	ssyncset.done $0x0  }
0x4f0: {  	s19 =	simm.s32 $0x16780;
	s18 =	rddreg [dreg:$0x5];
	[sflag:s12] =	ssyncadd.s32 $0xFFFFFE00  }
0x4f1: {  	[hbm4b:s18+s0] =	stream.linear.scatter [tilespmem:s19], [sflag:$0x2], $0x2800, $0x38;
	[tilespmem:$0x18F80] =	vst v63  }
0x4f2: {  	_ =	swait.ge [sflag:s12], $0x2800  }
0x4f3: {  	s20 =	rddreg [dreg:$0x7]  }
0x4f4: {  	s21 =	rddreg [dreg:$0x6];
	s1 =	sadd.s32 $0x1, s20  }
0x4f5: {  	p0 =	sne.s32 s1, s21  }
.Ltmp5:
0x4f6: {  	_ = 	snop;
	(pc) =	sbr.rel @p0 .LBB2_1-.Ltmp5, $3  }
0x4f7: {  	_ =	sdelay $0x1  }
0x4f8: {  	[sflag:s12] =	ssyncset.done $0x0  }
0x4f9: {  	[sflag:s12] =	ssyncadd.s32 $0xFFFFD800  }
0x4fa: {  	_ =	sfence.sel $0x180000  }
0x4fb: {  	[bflag:$0x0] =	sbarrier.arrive $0xFFFF  }
0x4fc: {  	_ =	strace $0x90000047  }
0x4fd: {  	s0 =	stileid.u32;
	[bflag:$0x2] =	sbarrier.arrive $0xFFFF  }
0x4fe: {  	p0 =	sne.s32 s0, $0x0;
	s0 =	rddreg [dreg:$0x3]  }
0x4ff: {  	s0 =	sadd.s32 @!p0 $0x100000, s0  }
0x500: {  	[sflag:s0] =	ssyncadd.tile.s32 @!p0 $0x1;
	_ =	shalt  }
.Lfunc_end2:
_tile_overlayer_lowered:
.L_overlay_start_2:
0x501: {  	(tag) =	ssettag $0x2  }
0x502: {  	s0 =	rddreg [dreg:$0x0];
	s2 =	stileid.u32  }
0x503: {  	s1 =	rddreg [dreg:$0x1];
	p0 =	sne.s32 s2, $0x0  }
0x504: {  	s3 =	rddreg [dreg:$0x2];
	[bflag:$0x3] =	sbarrier.arrive $0xFFFF;
	s2 =	simm.s32 @!p0 $0x1C02  }
0x505: {  	[timem:s3], [sflag:s2] =	dma.local @!p0 [hbm:s0], s1  }
0x506: {  	s0 =	simm.s32 @!p0 $0x2  }
0x507: {  	_ =	swait.ge @!p0 [sflag:s0], s1  }
0x508: {  	s1 =	ssub.s32 @!p0 $0x0, s1;
	[sflag:s0] =	ssyncset.done @!p0 $0x0  }
0x509: {  	[sflag:s0] =	ssyncadd.s32 @!p0 s1  }
0x50a: {  	[bflag:$0x3] =	sbarrier.arrive $0xFFFF  }
0x50b: {  	_ =	shalt  }

</sc_bundles>
